<compile_context>
chip_gen: v7x
topology: tpu7x:2x2x1
jax: 0.10.2.dev20260603
libtpu: 0.0.44.dev20260713+nightly
codegen_flags: <defaults>
</compile_context>

<pallas_src>
import jax
import jax.numpy as jnp
from jax import lax
from jax.experimental import pallas as pl
from jax.experimental.pallas import tpu as pltpu
from jax.experimental.pallas import tpu_sc as plsc

N = 10000
E = 160000
NF = 2
PAD = 16

_MLP_BLOCK = 1000


def _mlp_body(x_ref, w1_ref, b1_ref, w2_ref, b2_ref, f_ref, k_ref):
    h = lax.dot_general(
        x_ref[...], w1_ref[...], (((1,), (0,)), ((), ())),
        preferred_element_type=jnp.float32)
    h = jnp.maximum(h + b1_ref[...], 0.0)
    f = lax.dot_general(
        h, w2_ref[...], (((1,), (0,)), ((), ())),
        preferred_element_type=jnp.float32) + b2_ref[...]
    f_ref[...] = f
    bits = lax.bitcast_convert_type(f + 0.0, jnp.int32)
    k_ref[...] = jnp.where(bits < 0, ~bits, bits | jnp.int32(-2147483648))


def _mlp(X, W1, b1, W2, b2):
    grid = N // _MLP_BLOCK
    return pl.pallas_call(
        _mlp_body,
        grid=(grid,),
        in_specs=[
            pl.BlockSpec((_MLP_BLOCK, 128), lambda i: (i, 0)),
            pl.BlockSpec((128, 64), lambda i: (0, 0)),
            pl.BlockSpec((1, 64), lambda i: (0, 0)),
            pl.BlockSpec((64, NF), lambda i: (0, 0)),
            pl.BlockSpec((1, NF), lambda i: (0, 0)),
        ],
        out_specs=[pl.BlockSpec((_MLP_BLOCK, NF), lambda i: (i, 0)),
                   pl.BlockSpec((_MLP_BLOCK, NF), lambda i: (i, 0))],
        out_shape=[jax.ShapeDtypeStruct((N, NF), jnp.float32),
                   jax.ShapeDtypeStruct((N, NF), jnp.int32)],
    )(X, W1, b1.reshape(1, 64), W2, b2.reshape(1, NF))


_ECHUNK = 2000
_NCH = E // _ECHUNK
_RD = 2048
_BUF = (E + 128 * 32) * 2 + _RD * 2

_I16 = lambda: lax.iota(jnp.int32, 16)


def _sl(ref, i):
    return ref[pl.ds(i, 16)][0]


def _sc_body(kt, src_h, dst_h, deaths, idx0, idx1, key0, key1, rank,
             parent, death, nhist, ehist0, ehist1, ebase0, ebase1, ecnt0,
             ecnt1, ecur, bbuf, bfill, src_c, dst_c, rd_c, bufA, bufB):
    c = lax.axis_index("c")
    s = lax.axis_index("s")

    @pl.when(s == 0)
    def _work():
        lane0 = _I16() == 0

        def _sst(ref, i, v):
            old = ref[pl.ds(i, 16)]
            ref[pl.ds(i, 16)] = jnp.where(lane0, v, old)

        pltpu.sync_copy(kt.at[pl.ds(pl.multiple_of(c * N, 8), N)],
                        key0.at[pl.ds(0, N)])

        def _kv(i, _):
            idx0[pl.ds(i * 16, 16)] = _I16() + i * 16
            return 0
        lax.fori_loop(0, N // 16, _kv, 0)

        def _radix_pass(shift, sk, si, dk, di):
            def _zh(i, _):
                nhist[pl.ds(i * 16, 16)] = jnp.zeros((16,), jnp.int32)
                return 0
            lax.fori_loop(0, 128, _zh, 0)

            def _h(j, _):
                d = (_sl(sk, j) >> shift) & 2047
                _sst(nhist, d, _sl(nhist, d) + 1)
                return 0
            lax.fori_loop(0, N, _h, 0)

            def _cs(i, acc):
                cnt = _sl(nhist, i)
                _sst(nhist, i, acc)
                return acc + cnt
            lax.fori_loop(0, 2048, _cs, jnp.int32(0))

            def _p(j, _):
                k = _sl(sk, j)
                d = (k >> shift) & 2047
                pos = _sl(nhist, d)
                _sst(nhist, d, pos + 1)
                _sst(dk, pos, k)
                _sst(di, pos, _sl(si, j))
                return 0
            lax.fori_loop(0, N, _p, 0)

        _radix_pass(0, key0, idx0, key1, idx1)
        _radix_pass(11, key1, idx1, key0, idx0)
        _radix_pass(22, key0, idx0, key1, idx1)

        def _rkv(i, _):
            parent[pl.ds(i * 16, 16)] = _I16() + i * 16
            death[pl.ds(i * 16, 16)] = jnp.full((16,), jnp.inf, jnp.float32)
            return 0
        lax.fori_loop(0, N // 16, _rkv, 0)

        def _rk(j, _):
            _sst(rank, _sl(idx1, j), j)
            return 0
        lax.fori_loop(0, N, _rk, 0)

        def _zeh(i, _):
            z = jnp.zeros((16,), jnp.int32)
            ehist0[pl.ds(i * 16, 16)] = z
            ehist1[pl.ds(i * 16, 16)] = z
            bfill[pl.ds(i * 16, 16)] = z
            return 0
        lax.fori_loop(0, 8, _zeh, 0)

        def _hist_chunk(ci, _):
            pltpu.sync_copy(src_h.at[pl.ds(pl.multiple_of(ci * _ECHUNK, 8), _ECHUNK)],
                            src_c.at[pl.ds(0, _ECHUNK)])
            pltpu.sync_copy(dst_h.at[pl.ds(pl.multiple_of(ci * _ECHUNK, 8), _ECHUNK)],
                            dst_c.at[pl.ds(0, _ECHUNK)])

            def _e(j, _):
                aa = _sl(rank, _sl(src_c, j))
                bb = _sl(rank, _sl(dst_c, j))

                @pl.when(bb < aa)
                def _():
                    d0 = aa & 127
                    d1 = (aa >> 7) & 127
                    _sst(ehist0, d0, _sl(ehist0, d0) + 1)
                    _sst(ehist1, d1, _sl(ehist1, d1) + 1)
                return 0
            lax.fori_loop(0, _ECHUNK, _e, 0)
            return 0
        lax.fori_loop(0, _NCH, _hist_chunk, 0)

        def _bases(i, acc, hist, base, cnts):
            cnt = _sl(hist, i)
            _sst(cnts, i, cnt)
            _sst(base, i, acc)
            return acc + ((cnt + 31) >> 5 << 5)

        lax.fori_loop(0, 128, lambda i, a: _bases(i, a, ehist0, ebase0, ecnt0),
                      jnp.int32(0))
        lax.fori_loop(0, 128, lambda i, a: _bases(i, a, ehist1, ebase1, ecnt1),
                      jnp.int32(0))

        def _cp(i, _):
            ecur[pl.ds(i * 16, 16)] = ebase0[pl.ds(i * 16, 16)]
            return 0
        lax.fori_loop(0, 8, _cp, 0)

        def _append(dig, aa, bb, buf):
            base = dig * 64
            fi = _sl(bfill, dig)
            _sst(bbuf, base + 2 * fi, aa)
            _sst(bbuf, base + 2 * fi + 1, bb)

            @pl.when(fi == 31)
            def _():
                cur = _sl(ecur, dig)
                pltpu.sync_copy(bbuf.at[pl.ds(pl.multiple_of(base, 8), 64)],
                                buf.at[pl.ds(pl.multiple_of(cur * 2, 8), 64)])
                _sst(ecur, dig, cur + 32)
            _sst(bfill, dig, (fi + 1) & 31)

        def _dist_chunk(ci, _):
            pltpu.sync_copy(src_h.at[pl.ds(pl.multiple_of(ci * _ECHUNK, 8), _ECHUNK)],
                            src_c.at[pl.ds(0, _ECHUNK)])
            pltpu.sync_copy(dst_h.at[pl.ds(pl.multiple_of(ci * _ECHUNK, 8), _ECHUNK)],
                            dst_c.at[pl.ds(0, _ECHUNK)])

            def _e(j, _):
                aa = _sl(rank, _sl(src_c, j))
                bb = _sl(rank, _sl(dst_c, j))

                @pl.when(bb < aa)
                def _():
                    _append(aa & 127, aa, bb, bufA)
                return 0
            lax.fori_loop(0, _ECHUNK, _e, 0)
            return 0
        lax.fori_loop(0, _NCH, _dist_chunk, 0)

        def _fflush0(k, _):
            @pl.when(_sl(bfill, k) > 0)
            def _():
                pltpu.sync_copy(bbuf.at[pl.ds(k * 64, 64)],
                                bufA.at[pl.ds(pl.multiple_of(_sl(ecur, k) * 2, 8), 64)])
                _sst(bfill, k, 0)
            return 0
        lax.fori_loop(0, 128, _fflush0, 0)

        def _cp1(i, _):
            ecur[pl.ds(i * 16, 16)] = ebase1[pl.ds(i * 16, 16)]
            return 0
        lax.fori_loop(0, 8, _cp1, 0)

        def _bucket2(k, _):
            cnt = _sl(ecnt0, k)
            base_w = _sl(ebase0, k) * 2

            def _ch(q, _):
                pltpu.sync_copy(bufA.at[pl.ds(pl.multiple_of(base_w + q * _RD, 8), _RD)],
                                rd_c.at[pl.ds(0, _RD)])
                m = jnp.minimum(cnt - q * (_RD // 2), _RD // 2)

                def _e(j, _):
                    aa = _sl(rd_c, 2 * j)
                    bb = _sl(rd_c, 2 * j + 1)
                    _append((aa >> 7) & 127, aa, bb, bufB)
                    return 0
                lax.fori_loop(0, m, _e, 0)
                return 0
            lax.fori_loop(0, (cnt + _RD // 2 - 1) >> 10, _ch, 0)
            return 0
        lax.fori_loop(0, 128, _bucket2, 0)

        def _fflush1(k, _):
            @pl.when(_sl(bfill, k) > 0)
            def _():
                pltpu.sync_copy(bbuf.at[pl.ds(k * 64, 64)],
                                bufB.at[pl.ds(pl.multiple_of(_sl(ecur, k) * 2, 8), 64)])
                _sst(bfill, k, 0)
            return 0
        lax.fori_loop(0, 128, _fflush1, 0)

        def _find(x0):
            def _cond(x):
                return _sl(parent, x) != x

            def _body(x):
                p = _sl(parent, x)
                g = _sl(parent, p)
                _sst(parent, x, g)
                return g
            return lax.while_loop(_cond, _body, x0)

        def _bucket3(k, _):
            cnt = _sl(ecnt1, k)
            base_w = _sl(ebase1, k) * 2

            def _ch(q, _):
                pltpu.sync_copy(bufB.at[pl.ds(pl.multiple_of(base_w + q * _RD, 8), _RD)],
                                rd_c.at[pl.ds(0, _RD)])
                m = jnp.minimum(cnt - q * (_RD // 2), _RD // 2)

                def _e(j, _):
                    aa = _sl(rd_c, 2 * j)
                    bb = _sl(rd_c, 2 * j + 1)
                    r1 = _find(aa)
                    r2 = _find(bb)

                    @pl.when(r1 != r2)
                    def _():
                        child = jnp.maximum(r1, r2)
                        root = jnp.minimum(r1, r2)
                        _sst(parent, child, root)
                        _sst(death, child, aa.astype(jnp.float32))
                    return 0
                lax.fori_loop(0, m, _e, 0)
                return 0
            lax.fori_loop(0, (cnt + _RD // 2 - 1) >> 10, _ch, 0)
            return 0
        lax.fori_loop(0, 128, _bucket3, 0)

        pltpu.sync_copy(death.at[pl.ds(0, N)],
                        deaths.at[pl.ds(pl.multiple_of(c * N, 8), N)])


def _persistence_sc(kt, src, dst):
    mesh = plsc.VectorSubcoreMesh(core_axis_name="c", subcore_axis_name="s")
    f = pl.kernel(
        _sc_body,
        out_type=jax.ShapeDtypeStruct((NF * N,), jnp.float32),
        mesh=mesh,
        compiler_params=pltpu.CompilerParams(needs_layout_passes=False),
        scratch_types=[
            pltpu.VMEM((N + PAD,), jnp.int32),
            pltpu.VMEM((N + PAD,), jnp.int32),
            pltpu.VMEM((N + PAD,), jnp.int32),
            pltpu.VMEM((N + PAD,), jnp.int32),
            pltpu.VMEM((N + PAD,), jnp.int32),
            pltpu.VMEM((N + PAD,), jnp.int32),
            pltpu.VMEM((N + PAD,), jnp.float32),
            pltpu.VMEM((2048 + PAD,), jnp.int32),
            pltpu.VMEM((128 + PAD,), jnp.int32),
            pltpu.VMEM((128 + PAD,), jnp.int32),
            pltpu.VMEM((128 + PAD,), jnp.int32),
            pltpu.VMEM((128 + PAD,), jnp.int32),
            pltpu.VMEM((128 + PAD,), jnp.int32),
            pltpu.VMEM((128 + PAD,), jnp.int32),
            pltpu.VMEM((128 + PAD,), jnp.int32),
            pltpu.VMEM((128 * 64,), jnp.int32),
            pltpu.VMEM((128 + PAD,), jnp.int32),
            pltpu.VMEM((_ECHUNK + PAD,), jnp.int32),
            pltpu.VMEM((_ECHUNK + PAD,), jnp.int32),
            pltpu.VMEM((_RD + PAD,), jnp.int32),
            pltpu.VMEM_SHARED((_BUF,), jnp.int32),
            pltpu.VMEM_SHARED((_BUF,), jnp.int32),
        ],
    )
    return f(kt, src, dst)


def kernel(X, edge_list, W1, b1, W2, b2):
    F, K = _mlp(X, W1, b1, W2, b2)
    deaths = _persistence_sc(
        K.T.reshape(-1), edge_list[0], edge_list[1]).reshape(NF, N)
    births = jnp.arange(N, dtype=jnp.float32)
    diag = jnp.stack(
        [jnp.stack([births, deaths[i]], axis=1) for i in range(NF)], axis=0)
    return (F, diag)

# --- scband reference (transcript-rebuilt; emitter-appended) ---
"""Pipeline reference for scband-togl-2156073583135 (READ-ONLY COPY).

The authoritative reference and input builder live on the scoring server;
editing this copy changes nothing except your own understanding.
"""

import jax, jax.numpy as jnp
import numpy as np

N_NODES = 10000
N_EDGES = 160000
N_FEATURES = 128
HIDDEN_DIM = 64
N_FILTRATIONS = 2


def setup_inputs(seed: int = 0) -> dict:
    key = jax.random.key(seed)
    ks = jax.random.split(key, 6)
    X = jax.random.normal(ks[0], (N_NODES, N_FEATURES), dtype=jnp.float32)
    edge_list = jax.random.randint(ks[1], (2, N_EDGES), 0, N_NODES, dtype=jnp.int32)
    W1 = jax.random.normal(ks[2], (N_FEATURES, HIDDEN_DIM), dtype=jnp.float32) * (1.0 / np.sqrt(N_FEATURES))
    b1 = jnp.zeros((HIDDEN_DIM,), dtype=jnp.float32)
    W2 = jax.random.normal(ks[3], (HIDDEN_DIM, N_FILTRATIONS), dtype=jnp.float32) * (1.0 / np.sqrt(HIDDEN_DIM))
    b2 = jnp.zeros((N_FILTRATIONS,), dtype=jnp.float32)
    return {"X": X, "edge_list": edge_list, "W1": W1, "b1": b1, "W2": W2, "b2": b2}


def _persistence_dim0(values, src, dst, n_nodes):
    # Faithful translation of PersistentHomologyFiltrationUnionFind + PersistenceDiagram.
    order = jnp.argsort(values, stable=True).astype(jnp.int32)  # filtration order
    inv = jnp.zeros((n_nodes,), dtype=jnp.int32).at[order].set(
        jnp.arange(n_nodes, dtype=jnp.int32)
    )  # position of each node in sorted order
    rank = inv  # rank[indices] = arange(size)
    # CSR adjacency by source node (preserves edge order per source, like edge_list[0]==v masking)
    e_order = jnp.argsort(src, stable=True)
    sorted_dst = dst[e_order].astype(jnp.int32)
    counts = jnp.bincount(src, length=n_nodes)
    offsets = jnp.concatenate(
        [jnp.zeros((1,), dtype=jnp.int32), jnp.cumsum(counts).astype(jnp.int32)]
    )

    def find(parent, x):
        root = jax.lax.while_loop(lambda r: parent[r] != r, lambda r: parent[r], x)

        # full path compression (matches recursive find)
        def compress(state):
            p, y = state
            nxt = p[y]
            return p.at[y].set(root), nxt

        parent, _ = jax.lax.while_loop(
            lambda s: s[0][s[1]] != root, compress, (parent, x)
        )
        return parent, root

    def step_body(step, state):
        parent, death, active = state
        v = order[step]
        active = active.at[v].set(True)

        def edge_body(j, st):
            parent_e, death_e = st
            nb = sorted_dst[j]

            def merge(st2):
                parent_m, death_m = st2
                parent_m, r1 = find(parent_m, v)
                parent_m, r2 = find(parent_m, nb)

                def do_union(st3):
                    parent_u, death_u = st3
                    lt = rank[r1] < rank[r2]
                    child = jnp.where(lt, r2, r1)
                    new_root = jnp.where(lt, r1, r2)
                    parent_u = parent_u.at[child].set(new_root)
                    absorbed = jnp.where(new_root == r2, r1, r2)
                    death_u = death_u.at[inv[absorbed]].set(
                        jnp.asarray(step, dtype=jnp.int32)
                    )
                    return parent_u, death_u

                return jax.lax.cond(r1 == r2, lambda s: s, do_union, (parent_m, death_m))

            return jax.lax.cond(active[nb], merge, lambda s: s, (parent_e, death_e))

        parent, death = jax.lax.fori_loop(
            offsets[v], offsets[v + 1], edge_body, (parent, death)
        )
        return parent, death, active

    parent0 = jnp.arange(n_nodes, dtype=jnp.int32)
    death0 = jnp.zeros((n_nodes,), dtype=jnp.int32)
    active0 = jnp.zeros((n_nodes,), dtype=bool)
    _, death, _ = jax.lax.fori_loop(0, n_nodes, step_body, (parent0, death0, active0))
    deaths = jnp.where(death == 0, jnp.inf, death.astype(jnp.float32))
    births = jnp.arange(n_nodes, dtype=jnp.float32)
    return jnp.stack([births, deaths], axis=1)


def reference(X, edge_list, W1, b1, W2, b2):
    # filter_graph: Linear -> ReLU -> Linear
    F = jnp.maximum(X @ W1 + b1, 0.0) @ W2 + b2  # (n_nodes, n_filtrations)
    src = edge_list[0]
    dst = edge_list[1]
    diagrams = [
        _persistence_dim0(F[:, i], src, dst, F.shape[0]) for i in range(F.shape[1])
    ]
    return (F, jnp.stack(diagrams, axis=0))

if __name__ == "__main__":
    import jax
    _d = setup_inputs()
    print(jax.jit(kernel)(*tuple(_d.values())))

</pallas_src>

<mosaic_0001>
#map = affine_map<(d0, d1) -> (0)>
module attributes {stable_mosaic.version = 14 : i64} {
  func.func @_sc_body(%arg0: i32, %arg1: i32, %arg2: memref<20000xi32, #tpu.memory_space<hbm>>, %arg3: memref<160000xi32, #tpu.memory_space<hbm>>, %arg4: memref<160000xi32, #tpu.memory_space<hbm>>, %arg5: memref<20000xf32, #tpu.memory_space<hbm>>, %arg6: memref<10016xi32, #tpu.memory_space<vmem>>, %arg7: memref<10016xi32, #tpu.memory_space<vmem>>, %arg8: memref<10016xi32, #tpu.memory_space<vmem>>, %arg9: memref<10016xi32, #tpu.memory_space<vmem>>, %arg10: memref<10016xi32, #tpu.memory_space<vmem>>, %arg11: memref<10016xi32, #tpu.memory_space<vmem>>, %arg12: memref<10016xf32, #tpu.memory_space<vmem>>, %arg13: memref<2064xi32, #tpu.memory_space<vmem>>, %arg14: memref<144xi32, #tpu.memory_space<vmem>>, %arg15: memref<144xi32, #tpu.memory_space<vmem>>, %arg16: memref<144xi32, #tpu.memory_space<vmem>>, %arg17: memref<144xi32, #tpu.memory_space<vmem>>, %arg18: memref<144xi32, #tpu.memory_space<vmem>>, %arg19: memref<144xi32, #tpu.memory_space<vmem>>, %arg20: memref<144xi32, #tpu.memory_space<vmem>>, %arg21: memref<8192xi32, #tpu.memory_space<vmem>>, %arg22: memref<144xi32, #tpu.memory_space<vmem>>, %arg23: memref<2016xi32, #tpu.memory_space<vmem>>, %arg24: memref<2016xi32, #tpu.memory_space<vmem>>, %arg25: memref<2064xi32, #tpu.memory_space<vmem>>, %arg26: memref<332288xi32, #tpu.memory_space<vmem_shared>>, %arg27: memref<332288xi32, #tpu.memory_space<vmem_shared>>) attributes {dimension_semantics = [#tpu.dimension_semantics<core_parallel>, #tpu.dimension_semantics<subcore_parallel>], iteration_bounds = array<i64: 2, 16>, scalar_prefetch = 0 : i64, scratch_operands = 22 : i64, tpu.core_type = #tpu.core_type<sc_vector_subcore>, window_params = [{transform_indices = #map}, {transform_indices = #map}, {transform_indices = #map}, {transform_indices = #map}]} {
    %eq3A = arith.constant 0 : i32
    %eq3A_0 = arith.cmpi eq, %arg1, %eq3A : i32
    %convert_element_type3A = arith.extui %eq3A_0 : i1 to i32
    %cond3A = arith.constant 0 : i32
    %cond3A_1 = arith.cmpi ne, %convert_element_type3A, %cond3A : i32
    scf.if %cond3A_1 {
      %iota3A = tpu.iota {dimensions = array<i32: 0>} : vector<16xi32>
      %eq3A_2 = arith.constant 0 : i32
      %eq3A_3 = vector.broadcast %eq3A_2 : i32 to vector<16xi32>
      %eq3A_4 = arith.cmpi eq, %iota3A, %eq3A_3 : vector<16xi32>
      %mul3A = arith.constant 10000 : i32
      %mul3A_5 = arith.muli %arg0, %mul3A : i32
      %multiple_of3A = tpu.assume_multiple %mul3A_5, 8 : i32
      "tpu.region"() ({
        %run_scoped3A = tpu.sem_alloc : memref<!tpu.dma_semaphore, #tpu.memory_space<semaphore_mem>>
        %dma_start3A = arith.constant 0 : i32
        %dma_start3A_190 = tpu.memref_slice %arg8[%dma_start3A] : memref<10016xi32, #tpu.memory_space<vmem>> -> memref<10000xi32, #tpu.memory_space<vmem>>
        %dma_start3A_191 = tpu.memref_slice %arg2[%multiple_of3A] : memref<20000xi32, #tpu.memory_space<hbm>> -> memref<10000xi32, #tpu.memory_space<hbm>>
        %dma_start3A_192 = arith.constant 0 : i32
        %dma_start3A_193 = tpu.memref_slice %arg8[%dma_start3A_192] : memref<10016xi32, #tpu.memory_space<vmem>> -> memref<10000xi32, #tpu.memory_space<vmem>>
        %dma_start3A_194 = tpu.memref_slice %arg2[%multiple_of3A] : memref<20000xi32, #tpu.memory_space<hbm>> -> memref<10000xi32, #tpu.memory_space<hbm>>
        tpu.enqueue_dma source(%dma_start3A_194 : memref<10000xi32, #tpu.memory_space<hbm>>) target(%dma_start3A_193 : memref<10000xi32, #tpu.memory_space<vmem>>) target_semaphore(%run_scoped3A : memref<!tpu.dma_semaphore, #tpu.memory_space<semaphore_mem>>)
        %dma_wait3A = arith.constant 0 : i32
        %dma_wait3A_195 = tpu.memref_slice %arg8[%dma_wait3A] : memref<10016xi32, #tpu.memory_space<vmem>> -> memref<10000xi32, #tpu.memory_space<vmem>>
        %dma_wait3A_196 = tpu.memref_slice %arg2[%multiple_of3A] : memref<20000xi32, #tpu.memory_space<hbm>> -> memref<10000xi32, #tpu.memory_space<hbm>>
        %dma_wait3A_197 = arith.constant 0 : i32
        %dma_wait3A_198 = tpu.memref_slice %arg8[%dma_wait3A_197] : memref<10016xi32, #tpu.memory_space<vmem>> -> memref<10000xi32, #tpu.memory_space<vmem>>
        %dma_wait3A_199 = tpu.memref_slice %arg2[%multiple_of3A] : memref<20000xi32, #tpu.memory_space<hbm>> -> memref<10000xi32, #tpu.memory_space<hbm>>
        tpu.wait_dma2 semaphore(%run_scoped3A : memref<!tpu.dma_semaphore, #tpu.memory_space<semaphore_mem>>) src(%dma_wait3A_199 : memref<10000xi32, #tpu.memory_space<hbm>>) dst(%dma_wait3A_198 : memref<10000xi32, #tpu.memory_space<vmem>>)
        tpu.yield
      }) : () -> ()
      %scan3A = arith.constant 0 : i32
      %scan3A_6 = arith.constant 0 : i32
      %scan3A_7 = arith.constant 625 : i32
      %scan3A_8 = arith.addi %scan3A_6, %scan3A_7 : i32
      %scan3A_9 = arith.constant 1 : i32
      %scan3A_10 = scf.for %scan3A_190 = %scan3A_6 to %scan3A_8 step %scan3A_9 iter_args(%scan3A_191 = %scan3A) -> (i32)  : i32 {
        %iota3A_192 = tpu.iota {dimensions = array<i32: 0>} : vector<16xi32>
        %mul3A_193 = arith.constant 16 : i32
        %mul3A_194 = arith.muli %scan3A_190, %mul3A_193 : i32
        %add3A = vector.broadcast %mul3A_194 : i32 to vector<16xi32>
        %add3A_195 = arith.addi %iota3A_192, %add3A : vector<16xi32>
        %mul3A_196 = arith.constant 16 : i32
        %mul3A_197 = arith.muli %scan3A_190, %mul3A_196 : i32
        %swap3A = arith.index_cast %mul3A_197 : i32 to index
        %swap3A_198 = tpu.vector_load %arg6[%swap3A] {strides = array<i32>} : memref<10016xi32, #tpu.memory_space<vmem>>, vector<16xi32>,
        tpu.vector_store %arg6[%swap3A], %add3A_195 {strides = array<i32>} : memref<10016xi32, #tpu.memory_space<vmem>>, vector<16xi32>,
        %scan3A_199 = arith.constant 0 : i32
        scf.yield %scan3A_199 : i32
      }
      %scan3A_11 = arith.constant 625 : i32
      %scan3A_12 = arith.constant 0 : i32
      %scan3A_13 = arith.constant 0 : i32
      %scan3A_14 = arith.constant 128 : i32
      %scan3A_15 = arith.addi %scan3A_13, %scan3A_14 : i32
      %scan3A_16 = arith.constant 1 : i32
      %scan3A_17 = scf.for %scan3A_190 = %scan3A_13 to %scan3A_15 step %scan3A_16 iter_args(%scan3A_191 = %scan3A_12) -> (i32)  : i32 {
        %broadcast_in_dim3A = arith.constant 0 : i32
        %broadcast_in_dim3A_192 = vector.broadcast %broadcast_in_dim3A : i32 to vector<16xi32>
        %mul3A_193 = arith.constant 16 : i32
        %mul3A_194 = arith.muli %scan3A_190, %mul3A_193 : i32
        %swap3A = arith.index_cast %mul3A_194 : i32 to index
        %swap3A_195 = tpu.vector_load %arg13[%swap3A] {strides = array<i32>} : memref<2064xi32, #tpu.memory_space<vmem>>, vector<16xi32>,
        tpu.vector_store %arg13[%swap3A], %broadcast_in_dim3A_192 {strides = array<i32>} : memref<2064xi32, #tpu.memory_space<vmem>>, vector<16xi32>,
        %scan3A_196 = arith.constant 0 : i32
        scf.yield %scan3A_196 : i32
      }
      %scan3A_18 = arith.constant 128 : i32
      %scan3A_19 = arith.constant 0 : i32
      %scan3A_20 = arith.constant 0 : i32
      %scan3A_21 = arith.constant 10000 : i32
      %scan3A_22 = arith.addi %scan3A_20, %scan3A_21 : i32
      %scan3A_23 = arith.constant 1 : i32
      %scan3A_24 = scf.for %scan3A_190 = %scan3A_20 to %scan3A_22 step %scan3A_23 iter_args(%scan3A_191 = %scan3A_19) -> (i32)  : i32 {
        %get3A = arith.index_cast %scan3A_190 : i32 to index
        %get3A_192 = tpu.vector_load %arg8[%get3A] {strides = array<i32>} : memref<10016xi32, #tpu.memory_space<vmem>>, vector<16xi32>,
        %slice3A = vector.extract_strided_slice %get3A_192 {offsets = [0], sizes = [1], strides = [1]} : vector<16xi32> to vector<1xi32>
        %squeeze3A = vector.extract %slice3A[0] : i32 from vector<1xi32>
        %shift_right_arithmetic3A = arith.constant 0 : i32
        %shift_right_arithmetic3A_193 = arith.shrsi %squeeze3A, %shift_right_arithmetic3A : i32
        %and3A = arith.constant 2047 : i32
        %and3A_194 = arith.andi %shift_right_arithmetic3A_193, %and3A : i32
        %get3A_195 = arith.index_cast %and3A_194 : i32 to index
        %get3A_196 = tpu.vector_load %arg13[%get3A_195] {strides = array<i32>} : memref<2064xi32, #tpu.memory_space<vmem>>, vector<16xi32>,
        %slice3A_197 = vector.extract_strided_slice %get3A_196 {offsets = [0], sizes = [1], strides = [1]} : vector<16xi32> to vector<1xi32>
        %squeeze3A_198 = vector.extract %slice3A_197[0] : i32 from vector<1xi32>
        %add3A = arith.constant 1 : i32
        %add3A_199 = arith.addi %squeeze3A_198, %add3A : i32
        %get3A_200 = arith.index_cast %and3A_194 : i32 to index
        %get3A_201 = tpu.vector_load %arg13[%get3A_200] {strides = array<i32>} : memref<2064xi32, #tpu.memory_space<vmem>>, vector<16xi32>,
        %broadcast_in_dim3A = vector.broadcast %add3A_199 : i32 to vector<16xi32>
        %select_n3A = arith.select %eq3A_4, %broadcast_in_dim3A, %get3A_201 : vector<16xi1>, vector<16xi32>
        %swap3A = arith.index_cast %and3A_194 : i32 to index
        %swap3A_202 = tpu.vector_load %arg13[%swap3A] {strides = array<i32>} : memref<2064xi32, #tpu.memory_space<vmem>>, vector<16xi32>,
        tpu.vector_store %arg13[%swap3A], %select_n3A {strides = array<i32>} : memref<2064xi32, #tpu.memory_space<vmem>>, vector<16xi32>,
        %scan3A_203 = arith.constant 0 : i32
        scf.yield %scan3A_203 : i32
      }
      %scan3A_25 = arith.constant 10000 : i32
      %scan3A_26 = arith.constant 0 : i32
      %scan3A_27 = arith.constant 0 : i32
      %scan3A_28 = arith.constant 2048 : i32
      %scan3A_29 = arith.addi %scan3A_27, %scan3A_28 : i32
      %scan3A_30 = arith.constant 1 : i32
      %scan3A_31 = scf.for %scan3A_190 = %scan3A_27 to %scan3A_29 step %scan3A_30 iter_args(%scan3A_191 = %scan3A_26) -> (i32)  : i32 {
        %get3A = arith.index_cast %scan3A_190 : i32 to index
        %get3A_192 = tpu.vector_load %arg13[%get3A] {strides = array<i32>} : memref<2064xi32, #tpu.memory_space<vmem>>, vector<16xi32>,
        %slice3A = vector.extract_strided_slice %get3A_192 {offsets = [0], sizes = [1], strides = [1]} : vector<16xi32> to vector<1xi32>
        %squeeze3A = vector.extract %slice3A[0] : i32 from vector<1xi32>
        %get3A_193 = arith.index_cast %scan3A_190 : i32 to index
        %get3A_194 = tpu.vector_load %arg13[%get3A_193] {strides = array<i32>} : memref<2064xi32, #tpu.memory_space<vmem>>, vector<16xi32>,
        %broadcast_in_dim3A = vector.broadcast %scan3A_191 : i32 to vector<16xi32>
        %select_n3A = arith.select %eq3A_4, %broadcast_in_dim3A, %get3A_194 : vector<16xi1>, vector<16xi32>
        %swap3A = arith.index_cast %scan3A_190 : i32 to index
        %swap3A_195 = tpu.vector_load %arg13[%swap3A] {strides = array<i32>} : memref<2064xi32, #tpu.memory_space<vmem>>, vector<16xi32>,
        tpu.vector_store %arg13[%swap3A], %select_n3A {strides = array<i32>} : memref<2064xi32, #tpu.memory_space<vmem>>, vector<16xi32>,
        %add3A = arith.addi %scan3A_191, %squeeze3A : i32
        scf.yield %add3A : i32
      }
      %scan3A_32 = arith.constant 2048 : i32
      %scan3A_33 = arith.constant 0 : i32
      %scan3A_34 = arith.constant 0 : i32
      %scan3A_35 = arith.constant 10000 : i32
      %scan3A_36 = arith.addi %scan3A_34, %scan3A_35 : i32
      %scan3A_37 = arith.constant 1 : i32
      %scan3A_38 = scf.for %scan3A_190 = %scan3A_34 to %scan3A_36 step %scan3A_37 iter_args(%scan3A_191 = %scan3A_33) -> (i32)  : i32 {
        %get3A = arith.index_cast %scan3A_190 : i32 to index
        %get3A_192 = tpu.vector_load %arg8[%get3A] {strides = array<i32>} : memref<10016xi32, #tpu.memory_space<vmem>>, vector<16xi32>,
        %slice3A = vector.extract_strided_slice %get3A_192 {offsets = [0], sizes = [1], strides = [1]} : vector<16xi32> to vector<1xi32>
        %squeeze3A = vector.extract %slice3A[0] : i32 from vector<1xi32>
        %shift_right_arithmetic3A = arith.constant 0 : i32
        %shift_right_arithmetic3A_193 = arith.shrsi %squeeze3A, %shift_right_arithmetic3A : i32
        %and3A = arith.constant 2047 : i32
        %and3A_194 = arith.andi %shift_right_arithmetic3A_193, %and3A : i32
        %get3A_195 = arith.index_cast %and3A_194 : i32 to index
        %get3A_196 = tpu.vector_load %arg13[%get3A_195] {strides = array<i32>} : memref<2064xi32, #tpu.memory_space<vmem>>, vector<16xi32>,
        %slice3A_197 = vector.extract_strided_slice %get3A_196 {offsets = [0], sizes = [1], strides = [1]} : vector<16xi32> to vector<1xi32>
        %squeeze3A_198 = vector.extract %slice3A_197[0] : i32 from vector<1xi32>
        %add3A = arith.constant 1 : i32
        %add3A_199 = arith.addi %squeeze3A_198, %add3A : i32
        %get3A_200 = arith.index_cast %and3A_194 : i32 to index
        %get3A_201 = tpu.vector_load %arg13[%get3A_200] {strides = array<i32>} : memref<2064xi32, #tpu.memory_space<vmem>>, vector<16xi32>,
        %broadcast_in_dim3A = vector.broadcast %add3A_199 : i32 to vector<16xi32>
        %select_n3A = arith.select %eq3A_4, %broadcast_in_dim3A, %get3A_201 : vector<16xi1>, vector<16xi32>
        %swap3A = arith.index_cast %and3A_194 : i32 to index
        %swap3A_202 = tpu.vector_load %arg13[%swap3A] {strides = array<i32>} : memref<2064xi32, #tpu.memory_space<vmem>>, vector<16xi32>,
        tpu.vector_store %arg13[%swap3A], %select_n3A {strides = array<i32>} : memref<2064xi32, #tpu.memory_space<vmem>>, vector<16xi32>,
        %get3A_203 = arith.index_cast %squeeze3A_198 : i32 to index
        %get3A_204 = tpu.vector_load %arg9[%get3A_203] {strides = array<i32>} : memref<10016xi32, #tpu.memory_space<vmem>>, vector<16xi32>,
        %broadcast_in_dim3A_205 = vector.broadcast %squeeze3A : i32 to vector<16xi32>
        %select_n3A_206 = arith.select %eq3A_4, %broadcast_in_dim3A_205, %get3A_204 : vector<16xi1>, vector<16xi32>
        %swap3A_207 = arith.index_cast %squeeze3A_198 : i32 to index
        %swap3A_208 = tpu.vector_load %arg9[%swap3A_207] {strides = array<i32>} : memref<10016xi32, #tpu.memory_space<vmem>>, vector<16xi32>,
        tpu.vector_store %arg9[%swap3A_207], %select_n3A_206 {strides = array<i32>} : memref<10016xi32, #tpu.memory_space<vmem>>, vector<16xi32>,
        %get3A_209 = arith.index_cast %scan3A_190 : i32 to index
        %get3A_210 = tpu.vector_load %arg6[%get3A_209] {strides = array<i32>} : memref<10016xi32, #tpu.memory_space<vmem>>, vector<16xi32>,
        %slice3A_211 = vector.extract_strided_slice %get3A_210 {offsets = [0], sizes = [1], strides = [1]} : vector<16xi32> to vector<1xi32>
        %squeeze3A_212 = vector.extract %slice3A_211[0] : i32 from vector<1xi32>
        %get3A_213 = arith.index_cast %squeeze3A_198 : i32 to index
        %get3A_214 = tpu.vector_load %arg7[%get3A_213] {strides = array<i32>} : memref<10016xi32, #tpu.memory_space<vmem>>, vector<16xi32>,
        %broadcast_in_dim3A_215 = vector.broadcast %squeeze3A_212 : i32 to vector<16xi32>
        %select_n3A_216 = arith.select %eq3A_4, %broadcast_in_dim3A_215, %get3A_214 : vector<16xi1>, vector<16xi32>
        %swap3A_217 = arith.index_cast %squeeze3A_198 : i32 to index
        %swap3A_218 = tpu.vector_load %arg7[%swap3A_217] {strides = array<i32>} : memref<10016xi32, #tpu.memory_space<vmem>>, vector<16xi32>,
        tpu.vector_store %arg7[%swap3A_217], %select_n3A_216 {strides = array<i32>} : memref<10016xi32, #tpu.memory_space<vmem>>, vector<16xi32>,
        %scan3A_219 = arith.constant 0 : i32
        scf.yield %scan3A_219 : i32
      }
      %scan3A_39 = arith.constant 10000 : i32
      %scan3A_40 = arith.constant 0 : i32
      %scan3A_41 = arith.constant 0 : i32
      %scan3A_42 = arith.constant 128 : i32
      %scan3A_43 = arith.addi %scan3A_41, %scan3A_42 : i32
      %scan3A_44 = arith.constant 1 : i32
      %scan3A_45 = scf.for %scan3A_190 = %scan3A_41 to %scan3A_43 step %scan3A_44 iter_args(%scan3A_191 = %scan3A_40) -> (i32)  : i32 {
        %broadcast_in_dim3A = arith.constant 0 : i32
        %broadcast_in_dim3A_192 = vector.broadcast %broadcast_in_dim3A : i32 to vector<16xi32>
        %mul3A_193 = arith.constant 16 : i32
        %mul3A_194 = arith.muli %scan3A_190, %mul3A_193 : i32
        %swap3A = arith.index_cast %mul3A_194 : i32 to index
        %swap3A_195 = tpu.vector_load %arg13[%swap3A] {strides = array<i32>} : memref<2064xi32, #tpu.memory_space<vmem>>, vector<16xi32>,
        tpu.vector_store %arg13[%swap3A], %broadcast_in_dim3A_192 {strides = array<i32>} : memref<2064xi32, #tpu.memory_space<vmem>>, vector<16xi32>,
        %scan3A_196 = arith.constant 0 : i32
        scf.yield %scan3A_196 : i32
      }
      %scan3A_46 = arith.constant 128 : i32
      %scan3A_47 = arith.constant 0 : i32
      %scan3A_48 = arith.constant 0 : i32
      %scan3A_49 = arith.constant 10000 : i32
      %scan3A_50 = arith.addi %scan3A_48, %scan3A_49 : i32
      %scan3A_51 = arith.constant 1 : i32
      %scan3A_52 = scf.for %scan3A_190 = %scan3A_48 to %scan3A_50 step %scan3A_51 iter_args(%scan3A_191 = %scan3A_47) -> (i32)  : i32 {
        %get3A = arith.index_cast %scan3A_190 : i32 to index
        %get3A_192 = tpu.vector_load %arg9[%get3A] {strides = array<i32>} : memref<10016xi32, #tpu.memory_space<vmem>>, vector<16xi32>,
        %slice3A = vector.extract_strided_slice %get3A_192 {offsets = [0], sizes = [1], strides = [1]} : vector<16xi32> to vector<1xi32>
        %squeeze3A = vector.extract %slice3A[0] : i32 from vector<1xi32>
        %shift_right_arithmetic3A = arith.constant 11 : i32
        %shift_right_arithmetic3A_193 = arith.shrsi %squeeze3A, %shift_right_arithmetic3A : i32
        %and3A = arith.constant 2047 : i32
        %and3A_194 = arith.andi %shift_right_arithmetic3A_193, %and3A : i32
        %get3A_195 = arith.index_cast %and3A_194 : i32 to index
        %get3A_196 = tpu.vector_load %arg13[%get3A_195] {strides = array<i32>} : memref<2064xi32, #tpu.memory_space<vmem>>, vector<16xi32>,
        %slice3A_197 = vector.extract_strided_slice %get3A_196 {offsets = [0], sizes = [1], strides = [1]} : vector<16xi32> to vector<1xi32>
        %squeeze3A_198 = vector.extract %slice3A_197[0] : i32 from vector<1xi32>
        %add3A = arith.constant 1 : i32
        %add3A_199 = arith.addi %squeeze3A_198, %add3A : i32
        %get3A_200 = arith.index_cast %and3A_194 : i32 to index
        %get3A_201 = tpu.vector_load %arg13[%get3A_200] {strides = array<i32>} : memref<2064xi32, #tpu.memory_space<vmem>>, vector<16xi32>,
        %broadcast_in_dim3A = vector.broadcast %add3A_199 : i32 to vector<16xi32>
        %select_n3A = arith.select %eq3A_4, %broadcast_in_dim3A, %get3A_201 : vector<16xi1>, vector<16xi32>
        %swap3A = arith.index_cast %and3A_194 : i32 to index
        %swap3A_202 = tpu.vector_load %arg13[%swap3A] {strides = array<i32>} : memref<2064xi32, #tpu.memory_space<vmem>>, vector<16xi32>,
        tpu.vector_store %arg13[%swap3A], %select_n3A {strides = array<i32>} : memref<2064xi32, #tpu.memory_space<vmem>>, vector<16xi32>,
        %scan3A_203 = arith.constant 0 : i32
        scf.yield %scan3A_203 : i32
      }
      %scan3A_53 = arith.constant 10000 : i32
      %scan3A_54 = arith.constant 0 : i32
      %scan3A_55 = arith.constant 0 : i32
      %scan3A_56 = arith.constant 2048 : i32
      %scan3A_57 = arith.addi %scan3A_55, %scan3A_56 : i32
      %scan3A_58 = arith.constant 1 : i32
      %scan3A_59 = scf.for %scan3A_190 = %scan3A_55 to %scan3A_57 step %scan3A_58 iter_args(%scan3A_191 = %scan3A_54) -> (i32)  : i32 {
        %get3A = arith.index_cast %scan3A_190 : i32 to index
        %get3A_192 = tpu.vector_load %arg13[%get3A] {strides = array<i32>} : memref<2064xi32, #tpu.memory_space<vmem>>, vector<16xi32>,
        %slice3A = vector.extract_strided_slice %get3A_192 {offsets = [0], sizes = [1], strides = [1]} : vector<16xi32> to vector<1xi32>
        %squeeze3A = vector.extract %slice3A[0] : i32 from vector<1xi32>
        %get3A_193 = arith.index_cast %scan3A_190 : i32 to index
        %get3A_194 = tpu.vector_load %arg13[%get3A_193] {strides = array<i32>} : memref<2064xi32, #tpu.memory_space<vmem>>, vector<16xi32>,
        %broadcast_in_dim3A = vector.broadcast %scan3A_191 : i32 to vector<16xi32>
        %select_n3A = arith.select %eq3A_4, %broadcast_in_dim3A, %get3A_194 : vector<16xi1>, vector<16xi32>
        %swap3A = arith.index_cast %scan3A_190 : i32 to index
        %swap3A_195 = tpu.vector_load %arg13[%swap3A] {strides = array<i32>} : memref<2064xi32, #tpu.memory_space<vmem>>, vector<16xi32>,
        tpu.vector_store %arg13[%swap3A], %select_n3A {strides = array<i32>} : memref<2064xi32, #tpu.memory_space<vmem>>, vector<16xi32>,
        %add3A = arith.addi %scan3A_191, %squeeze3A : i32
        scf.yield %add3A : i32
      }
      %scan3A_60 = arith.constant 2048 : i32
      %scan3A_61 = arith.constant 0 : i32
      %scan3A_62 = arith.constant 0 : i32
      %scan3A_63 = arith.constant 10000 : i32
      %scan3A_64 = arith.addi %scan3A_62, %scan3A_63 : i32
      %scan3A_65 = arith.constant 1 : i32
      %scan3A_66 = scf.for %scan3A_190 = %scan3A_62 to %scan3A_64 step %scan3A_65 iter_args(%scan3A_191 = %scan3A_61) -> (i32)  : i32 {
        %get3A = arith.index_cast %scan3A_190 : i32 to index
        %get3A_192 = tpu.vector_load %arg9[%get3A] {strides = array<i32>} : memref<10016xi32, #tpu.memory_space<vmem>>, vector<16xi32>,
        %slice3A = vector.extract_strided_slice %get3A_192 {offsets = [0], sizes = [1], strides = [1]} : vector<16xi32> to vector<1xi32>
        %squeeze3A = vector.extract %slice3A[0] : i32 from vector<1xi32>
        %shift_right_arithmetic3A = arith.constant 11 : i32
        %shift_right_arithmetic3A_193 = arith.shrsi %squeeze3A, %shift_right_arithmetic3A : i32
        %and3A = arith.constant 2047 : i32
        %and3A_194 = arith.andi %shift_right_arithmetic3A_193, %and3A : i32
        %get3A_195 = arith.index_cast %and3A_194 : i32 to index
        %get3A_196 = tpu.vector_load %arg13[%get3A_195] {strides = array<i32>} : memref<2064xi32, #tpu.memory_space<vmem>>, vector<16xi32>,
        %slice3A_197 = vector.extract_strided_slice %get3A_196 {offsets = [0], sizes = [1], strides = [1]} : vector<16xi32> to vector<1xi32>
        %squeeze3A_198 = vector.extract %slice3A_197[0] : i32 from vector<1xi32>
        %add3A = arith.constant 1 : i32
        %add3A_199 = arith.addi %squeeze3A_198, %add3A : i32
        %get3A_200 = arith.index_cast %and3A_194 : i32 to index
        %get3A_201 = tpu.vector_load %arg13[%get3A_200] {strides = array<i32>} : memref<2064xi32, #tpu.memory_space<vmem>>, vector<16xi32>,
        %broadcast_in_dim3A = vector.broadcast %add3A_199 : i32 to vector<16xi32>
        %select_n3A = arith.select %eq3A_4, %broadcast_in_dim3A, %get3A_201 : vector<16xi1>, vector<16xi32>
        %swap3A = arith.index_cast %and3A_194 : i32 to index
        %swap3A_202 = tpu.vector_load %arg13[%swap3A] {strides = array<i32>} : memref<2064xi32, #tpu.memory_space<vmem>>, vector<16xi32>,
        tpu.vector_store %arg13[%swap3A], %select_n3A {strides = array<i32>} : memref<2064xi32, #tpu.memory_space<vmem>>, vector<16xi32>,
        %get3A_203 = arith.index_cast %squeeze3A_198 : i32 to index
        %get3A_204 = tpu.vector_load %arg8[%get3A_203] {strides = array<i32>} : memref<10016xi32, #tpu.memory_space<vmem>>, vector<16xi32>,
        %broadcast_in_dim3A_205 = vector.broadcast %squeeze3A : i32 to vector<16xi32>
        %select_n3A_206 = arith.select %eq3A_4, %broadcast_in_dim3A_205, %get3A_204 : vector<16xi1>, vector<16xi32>
        %swap3A_207 = arith.index_cast %squeeze3A_198 : i32 to index
        %swap3A_208 = tpu.vector_load %arg8[%swap3A_207] {strides = array<i32>} : memref<10016xi32, #tpu.memory_space<vmem>>, vector<16xi32>,
        tpu.vector_store %arg8[%swap3A_207], %select_n3A_206 {strides = array<i32>} : memref<10016xi32, #tpu.memory_space<vmem>>, vector<16xi32>,
        %get3A_209 = arith.index_cast %scan3A_190 : i32 to index
        %get3A_210 = tpu.vector_load %arg7[%get3A_209] {strides = array<i32>} : memref<10016xi32, #tpu.memory_space<vmem>>, vector<16xi32>,
        %slice3A_211 = vector.extract_strided_slice %get3A_210 {offsets = [0], sizes = [1], strides = [1]} : vector<16xi32> to vector<1xi32>
        %squeeze3A_212 = vector.extract %slice3A_211[0] : i32 from vector<1xi32>
        %get3A_213 = arith.index_cast %squeeze3A_198 : i32 to index
        %get3A_214 = tpu.vector_load %arg6[%get3A_213] {strides = array<i32>} : memref<10016xi32, #tpu.memory_space<vmem>>, vector<16xi32>,
        %broadcast_in_dim3A_215 = vector.broadcast %squeeze3A_212 : i32 to vector<16xi32>
        %select_n3A_216 = arith.select %eq3A_4, %broadcast_in_dim3A_215, %get3A_214 : vector<16xi1>, vector<16xi32>
        %swap3A_217 = arith.index_cast %squeeze3A_198 : i32 to index
        %swap3A_218 = tpu.vector_load %arg6[%swap3A_217] {strides = array<i32>} : memref<10016xi32, #tpu.memory_space<vmem>>, vector<16xi32>,
        tpu.vector_store %arg6[%swap3A_217], %select_n3A_216 {strides = array<i32>} : memref<10016xi32, #tpu.memory_space<vmem>>, vector<16xi32>,
        %scan3A_219 = arith.constant 0 : i32
        scf.yield %scan3A_219 : i32
      }
      %scan3A_67 = arith.constant 10000 : i32
      %scan3A_68 = arith.constant 0 : i32
      %scan3A_69 = arith.constant 0 : i32
      %scan3A_70 = arith.constant 128 : i32
      %scan3A_71 = arith.addi %scan3A_69, %scan3A_70 : i32
      %scan3A_72 = arith.constant 1 : i32
      %scan3A_73 = scf.for %scan3A_190 = %scan3A_69 to %scan3A_71 step %scan3A_72 iter_args(%scan3A_191 = %scan3A_68) -> (i32)  : i32 {
        %broadcast_in_dim3A = arith.constant 0 : i32
        %broadcast_in_dim3A_192 = vector.broadcast %broadcast_in_dim3A : i32 to vector<16xi32>
        %mul3A_193 = arith.constant 16 : i32
        %mul3A_194 = arith.muli %scan3A_190, %mul3A_193 : i32
        %swap3A = arith.index_cast %mul3A_194 : i32 to index
        %swap3A_195 = tpu.vector_load %arg13[%swap3A] {strides = array<i32>} : memref<2064xi32, #tpu.memory_space<vmem>>, vector<16xi32>,
        tpu.vector_store %arg13[%swap3A], %broadcast_in_dim3A_192 {strides = array<i32>} : memref<2064xi32, #tpu.memory_space<vmem>>, vector<16xi32>,
        %scan3A_196 = arith.constant 0 : i32
        scf.yield %scan3A_196 : i32
      }
      %scan3A_74 = arith.constant 128 : i32
      %scan3A_75 = arith.constant 0 : i32
      %scan3A_76 = arith.constant 0 : i32
      %scan3A_77 = arith.constant 10000 : i32
      %scan3A_78 = arith.addi %scan3A_76, %scan3A_77 : i32
      %scan3A_79 = arith.constant 1 : i32
      %scan3A_80 = scf.for %scan3A_190 = %scan3A_76 to %scan3A_78 step %scan3A_79 iter_args(%scan3A_191 = %scan3A_75) -> (i32)  : i32 {
        %get3A = arith.index_cast %scan3A_190 : i32 to index
        %get3A_192 = tpu.vector_load %arg8[%get3A] {strides = array<i32>} : memref<10016xi32, #tpu.memory_space<vmem>>, vector<16xi32>,
        %slice3A = vector.extract_strided_slice %get3A_192 {offsets = [0], sizes = [1], strides = [1]} : vector<16xi32> to vector<1xi32>
        %squeeze3A = vector.extract %slice3A[0] : i32 from vector<1xi32>
        %shift_right_arithmetic3A = arith.constant 22 : i32
        %shift_right_arithmetic3A_193 = arith.shrsi %squeeze3A, %shift_right_arithmetic3A : i32
        %and3A = arith.constant 2047 : i32
        %and3A_194 = arith.andi %shift_right_arithmetic3A_193, %and3A : i32
        %get3A_195 = arith.index_cast %and3A_194 : i32 to index
        %get3A_196 = tpu.vector_load %arg13[%get3A_195] {strides = array<i32>} : memref<2064xi32, #tpu.memory_space<vmem>>, vector<16xi32>,
        %slice3A_197 = vector.extract_strided_slice %get3A_196 {offsets = [0], sizes = [1], strides = [1]} : vector<16xi32> to vector<1xi32>
        %squeeze3A_198 = vector.extract %slice3A_197[0] : i32 from vector<1xi32>
        %add3A = arith.constant 1 : i32
        %add3A_199 = arith.addi %squeeze3A_198, %add3A : i32
        %get3A_200 = arith.index_cast %and3A_194 : i32 to index
        %get3A_201 = tpu.vector_load %arg13[%get3A_200] {strides = array<i32>} : memref<2064xi32, #tpu.memory_space<vmem>>, vector<16xi32>,
        %broadcast_in_dim3A = vector.broadcast %add3A_199 : i32 to vector<16xi32>
        %select_n3A = arith.select %eq3A_4, %broadcast_in_dim3A, %get3A_201 : vector<16xi1>, vector<16xi32>
        %swap3A = arith.index_cast %and3A_194 : i32 to index
        %swap3A_202 = tpu.vector_load %arg13[%swap3A] {strides = array<i32>} : memref<2064xi32, #tpu.memory_space<vmem>>, vector<16xi32>,
        tpu.vector_store %arg13[%swap3A], %select_n3A {strides = array<i32>} : memref<2064xi32, #tpu.memory_space<vmem>>, vector<16xi32>,
        %scan3A_203 = arith.constant 0 : i32
        scf.yield %scan3A_203 : i32
      }
      %scan3A_81 = arith.constant 10000 : i32
      %scan3A_82 = arith.constant 0 : i32
      %scan3A_83 = arith.constant 0 : i32
      %scan3A_84 = arith.constant 2048 : i32
      %scan3A_85 = arith.addi %scan3A_83, %scan3A_84 : i32
      %scan3A_86 = arith.constant 1 : i32
      %scan3A_87 = scf.for %scan3A_190 = %scan3A_83 to %scan3A_85 step %scan3A_86 iter_args(%scan3A_191 = %scan3A_82) -> (i32)  : i32 {
        %get3A = arith.index_cast %scan3A_190 : i32 to index
        %get3A_192 = tpu.vector_load %arg13[%get3A] {strides = array<i32>} : memref<2064xi32, #tpu.memory_space<vmem>>, vector<16xi32>,
        %slice3A = vector.extract_strided_slice %get3A_192 {offsets = [0], sizes = [1], strides = [1]} : vector<16xi32> to vector<1xi32>
        %squeeze3A = vector.extract %slice3A[0] : i32 from vector<1xi32>
        %get3A_193 = arith.index_cast %scan3A_190 : i32 to index
        %get3A_194 = tpu.vector_load %arg13[%get3A_193] {strides = array<i32>} : memref<2064xi32, #tpu.memory_space<vmem>>, vector<16xi32>,
        %broadcast_in_dim3A = vector.broadcast %scan3A_191 : i32 to vector<16xi32>
        %select_n3A = arith.select %eq3A_4, %broadcast_in_dim3A, %get3A_194 : vector<16xi1>, vector<16xi32>
        %swap3A = arith.index_cast %scan3A_190 : i32 to index
        %swap3A_195 = tpu.vector_load %arg13[%swap3A] {strides = array<i32>} : memref<2064xi32, #tpu.memory_space<vmem>>, vector<16xi32>,
        tpu.vector_store %arg13[%swap3A], %select_n3A {strides = array<i32>} : memref<2064xi32, #tpu.memory_space<vmem>>, vector<16xi32>,
        %add3A = arith.addi %scan3A_191, %squeeze3A : i32
        scf.yield %add3A : i32
      }
      %scan3A_88 = arith.constant 2048 : i32
      %scan3A_89 = arith.constant 0 : i32
      %scan3A_90 = arith.constant 0 : i32
      %scan3A_91 = arith.constant 10000 : i32
      %scan3A_92 = arith.addi %scan3A_90, %scan3A_91 : i32
      %scan3A_93 = arith.constant 1 : i32
      %scan3A_94 = scf.for %scan3A_190 = %scan3A_90 to %scan3A_92 step %scan3A_93 iter_args(%scan3A_191 = %scan3A_89) -> (i32)  : i32 {
        %get3A = arith.index_cast %scan3A_190 : i32 to index
        %get3A_192 = tpu.vector_load %arg8[%get3A] {strides = array<i32>} : memref<10016xi32, #tpu.memory_space<vmem>>, vector<16xi32>,
        %slice3A = vector.extract_strided_slice %get3A_192 {offsets = [0], sizes = [1], strides = [1]} : vector<16xi32> to vector<1xi32>
        %squeeze3A = vector.extract %slice3A[0] : i32 from vector<1xi32>
        %shift_right_arithmetic3A = arith.constant 22 : i32
        %shift_right_arithmetic3A_193 = arith.shrsi %squeeze3A, %shift_right_arithmetic3A : i32
        %and3A = arith.constant 2047 : i32
        %and3A_194 = arith.andi %shift_right_arithmetic3A_193, %and3A : i32
        %get3A_195 = arith.index_cast %and3A_194 : i32 to index
        %get3A_196 = tpu.vector_load %arg13[%get3A_195] {strides = array<i32>} : memref<2064xi32, #tpu.memory_space<vmem>>, vector<16xi32>,
        %slice3A_197 = vector.extract_strided_slice %get3A_196 {offsets = [0], sizes = [1], strides = [1]} : vector<16xi32> to vector<1xi32>
        %squeeze3A_198 = vector.extract %slice3A_197[0] : i32 from vector<1xi32>
        %add3A = arith.constant 1 : i32
        %add3A_199 = arith.addi %squeeze3A_198, %add3A : i32
        %get3A_200 = arith.index_cast %and3A_194 : i32 to index
        %get3A_201 = tpu.vector_load %arg13[%get3A_200] {strides = array<i32>} : memref<2064xi32, #tpu.memory_space<vmem>>, vector<16xi32>,
        %broadcast_in_dim3A = vector.broadcast %add3A_199 : i32 to vector<16xi32>
        %select_n3A = arith.select %eq3A_4, %broadcast_in_dim3A, %get3A_201 : vector<16xi1>, vector<16xi32>
        %swap3A = arith.index_cast %and3A_194 : i32 to index
        %swap3A_202 = tpu.vector_load %arg13[%swap3A] {strides = array<i32>} : memref<2064xi32, #tpu.memory_space<vmem>>, vector<16xi32>,
        tpu.vector_store %arg13[%swap3A], %select_n3A {strides = array<i32>} : memref<2064xi32, #tpu.memory_space<vmem>>, vector<16xi32>,
        %get3A_203 = arith.index_cast %squeeze3A_198 : i32 to index
        %get3A_204 = tpu.vector_load %arg9[%get3A_203] {strides = array<i32>} : memref<10016xi32, #tpu.memory_space<vmem>>, vector<16xi32>,
        %broadcast_in_dim3A_205 = vector.broadcast %squeeze3A : i32 to vector<16xi32>
        %select_n3A_206 = arith.select %eq3A_4, %broadcast_in_dim3A_205, %get3A_204 : vector<16xi1>, vector<16xi32>
        %swap3A_207 = arith.index_cast %squeeze3A_198 : i32 to index
        %swap3A_208 = tpu.vector_load %arg9[%swap3A_207] {strides = array<i32>} : memref<10016xi32, #tpu.memory_space<vmem>>, vector<16xi32>,
        tpu.vector_store %arg9[%swap3A_207], %select_n3A_206 {strides = array<i32>} : memref<10016xi32, #tpu.memory_space<vmem>>, vector<16xi32>,
        %get3A_209 = arith.index_cast %scan3A_190 : i32 to index
        %get3A_210 = tpu.vector_load %arg6[%get3A_209] {strides = array<i32>} : memref<10016xi32, #tpu.memory_space<vmem>>, vector<16xi32>,
        %slice3A_211 = vector.extract_strided_slice %get3A_210 {offsets = [0], sizes = [1], strides = [1]} : vector<16xi32> to vector<1xi32>
        %squeeze3A_212 = vector.extract %slice3A_211[0] : i32 from vector<1xi32>
        %get3A_213 = arith.index_cast %squeeze3A_198 : i32 to index
        %get3A_214 = tpu.vector_load %arg7[%get3A_213] {strides = array<i32>} : memref<10016xi32, #tpu.memory_space<vmem>>, vector<16xi32>,
        %broadcast_in_dim3A_215 = vector.broadcast %squeeze3A_212 : i32 to vector<16xi32>
        %select_n3A_216 = arith.select %eq3A_4, %broadcast_in_dim3A_215, %get3A_214 : vector<16xi1>, vector<16xi32>
        %swap3A_217 = arith.index_cast %squeeze3A_198 : i32 to index
        %swap3A_218 = tpu.vector_load %arg7[%swap3A_217] {strides = array<i32>} : memref<10016xi32, #tpu.memory_space<vmem>>, vector<16xi32>,
        tpu.vector_store %arg7[%swap3A_217], %select_n3A_216 {strides = array<i32>} : memref<10016xi32, #tpu.memory_space<vmem>>, vector<16xi32>,
        %scan3A_219 = arith.constant 0 : i32
        scf.yield %scan3A_219 : i32
      }
      %scan3A_95 = arith.constant 10000 : i32
      %scan3A_96 = arith.constant 0 : i32
      %scan3A_97 = arith.constant 0 : i32
      %scan3A_98 = arith.constant 625 : i32
      %scan3A_99 = arith.addi %scan3A_97, %scan3A_98 : i32
      %scan3A_100 = arith.constant 1 : i32
      %scan3A_101 = scf.for %scan3A_190 = %scan3A_97 to %scan3A_99 step %scan3A_100 iter_args(%scan3A_191 = %scan3A_96) -> (i32)  : i32 {
        %iota3A_192 = tpu.iota {dimensions = array<i32: 0>} : vector<16xi32>
        %mul3A_193 = arith.constant 16 : i32
        %mul3A_194 = arith.muli %scan3A_190, %mul3A_193 : i32
        %add3A = vector.broadcast %mul3A_194 : i32 to vector<16xi32>
        %add3A_195 = arith.addi %iota3A_192, %add3A : vector<16xi32>
        %mul3A_196 = arith.constant 16 : i32
        %mul3A_197 = arith.muli %scan3A_190, %mul3A_196 : i32
        %swap3A = arith.index_cast %mul3A_197 : i32 to index
        %swap3A_198 = tpu.vector_load %arg11[%swap3A] {strides = array<i32>} : memref<10016xi32, #tpu.memory_space<vmem>>, vector<16xi32>,
        tpu.vector_store %arg11[%swap3A], %add3A_195 {strides = array<i32>} : memref<10016xi32, #tpu.memory_space<vmem>>, vector<16xi32>,
        %broadcast_in_dim3A = arith.constant 0x7F800000 : f32
        %broadcast_in_dim3A_199 = vector.broadcast %broadcast_in_dim3A : f32 to vector<16xf32>
        %mul3A_200 = arith.constant 16 : i32
        %mul3A_201 = arith.muli %scan3A_190, %mul3A_200 : i32
        %swap3A_202 = arith.index_cast %mul3A_201 : i32 to index
        %swap3A_203 = tpu.vector_load %arg12[%swap3A_202] {strides = array<i32>} : memref<10016xf32, #tpu.memory_space<vmem>>, vector<16xf32>,
        tpu.vector_store %arg12[%swap3A_202], %broadcast_in_dim3A_199 {strides = array<i32>} : memref<10016xf32, #tpu.memory_space<vmem>>, vector<16xf32>,
        %scan3A_204 = arith.constant 0 : i32
        scf.yield %scan3A_204 : i32
      }
      %scan3A_102 = arith.constant 625 : i32
      %scan3A_103 = arith.constant 0 : i32
      %scan3A_104 = arith.constant 0 : i32
      %scan3A_105 = arith.constant 10000 : i32
      %scan3A_106 = arith.addi %scan3A_104, %scan3A_105 : i32
      %scan3A_107 = arith.constant 1 : i32
      %scan3A_108 = scf.for %scan3A_190 = %scan3A_104 to %scan3A_106 step %scan3A_107 iter_args(%scan3A_191 = %scan3A_103) -> (i32)  : i32 {
        %get3A = arith.index_cast %scan3A_190 : i32 to index
        %get3A_192 = tpu.vector_load %arg7[%get3A] {strides = array<i32>} : memref<10016xi32, #tpu.memory_space<vmem>>, vector<16xi32>,
        %slice3A = vector.extract_strided_slice %get3A_192 {offsets = [0], sizes = [1], strides = [1]} : vector<16xi32> to vector<1xi32>
        %squeeze3A = vector.extract %slice3A[0] : i32 from vector<1xi32>
        %get3A_193 = arith.index_cast %squeeze3A : i32 to index
        %get3A_194 = tpu.vector_load %arg10[%get3A_193] {strides = array<i32>} : memref<10016xi32, #tpu.memory_space<vmem>>, vector<16xi32>,
        %broadcast_in_dim3A = vector.broadcast %scan3A_190 : i32 to vector<16xi32>
        %select_n3A = arith.select %eq3A_4, %broadcast_in_dim3A, %get3A_194 : vector<16xi1>, vector<16xi32>
        %swap3A = arith.index_cast %squeeze3A : i32 to index
        %swap3A_195 = tpu.vector_load %arg10[%swap3A] {strides = array<i32>} : memref<10016xi32, #tpu.memory_space<vmem>>, vector<16xi32>,
        tpu.vector_store %arg10[%swap3A], %select_n3A {strides = array<i32>} : memref<10016xi32, #tpu.memory_space<vmem>>, vector<16xi32>,
        %scan3A_196 = arith.constant 0 : i32
        scf.yield %scan3A_196 : i32
      }
      %scan3A_109 = arith.constant 10000 : i32
      %scan3A_110 = arith.constant 0 : i32
      %scan3A_111 = arith.constant 0 : i32
      %scan3A_112 = arith.constant 8 : i32
      %scan3A_113 = arith.addi %scan3A_111, %scan3A_112 : i32
      %scan3A_114 = arith.constant 1 : i32
      %scan3A_115 = scf.for %scan3A_190 = %scan3A_111 to %scan3A_113 step %scan3A_114 iter_args(%scan3A_191 = %scan3A_110) -> (i32)  : i32 {
        %broadcast_in_dim3A = arith.constant 0 : i32
        %broadcast_in_dim3A_192 = vector.broadcast %broadcast_in_dim3A : i32 to vector<16xi32>
        %mul3A_193 = arith.constant 16 : i32
        %mul3A_194 = arith.muli %scan3A_190, %mul3A_193 : i32
        %swap3A = arith.index_cast %mul3A_194 : i32 to index
        %swap3A_195 = tpu.vector_load %arg14[%swap3A] {strides = array<i32>} : memref<144xi32, #tpu.memory_space<vmem>>, vector<16xi32>,
        tpu.vector_store %arg14[%swap3A], %broadcast_in_dim3A_192 {strides = array<i32>} : memref<144xi32, #tpu.memory_space<vmem>>, vector<16xi32>,
        %mul3A_196 = arith.constant 16 : i32
        %mul3A_197 = arith.muli %scan3A_190, %mul3A_196 : i32
        %swap3A_198 = arith.index_cast %mul3A_197 : i32 to index
        %swap3A_199 = tpu.vector_load %arg15[%swap3A_198] {strides = array<i32>} : memref<144xi32, #tpu.memory_space<vmem>>, vector<16xi32>,
        tpu.vector_store %arg15[%swap3A_198], %broadcast_in_dim3A_192 {strides = array<i32>} : memref<144xi32, #tpu.memory_space<vmem>>, vector<16xi32>,
        %mul3A_200 = arith.constant 16 : i32
        %mul3A_201 = arith.muli %scan3A_190, %mul3A_200 : i32
        %swap3A_202 = arith.index_cast %mul3A_201 : i32 to index
        %swap3A_203 = tpu.vector_load %arg22[%swap3A_202] {strides = array<i32>} : memref<144xi32, #tpu.memory_space<vmem>>, vector<16xi32>,
        tpu.vector_store %arg22[%swap3A_202], %broadcast_in_dim3A_192 {strides = array<i32>} : memref<144xi32, #tpu.memory_space<vmem>>, vector<16xi32>,
        %scan3A_204 = arith.constant 0 : i32
        scf.yield %scan3A_204 : i32
      }
      %scan3A_116 = arith.constant 8 : i32
      %scan3A_117 = arith.constant 0 : i32
      %scan3A_118 = arith.constant 0 : i32
      %scan3A_119 = arith.constant 80 : i32
      %scan3A_120 = arith.addi %scan3A_118, %scan3A_119 : i32
      %scan3A_121 = arith.constant 1 : i32
      %scan3A_122 = scf.for %scan3A_190 = %scan3A_118 to %scan3A_120 step %scan3A_121 iter_args(%scan3A_191 = %scan3A_117) -> (i32)  : i32 {
        %mul3A_192 = arith.constant 2000 : i32
        %mul3A_193 = arith.muli %scan3A_190, %mul3A_192 : i32
        %multiple_of3A_194 = tpu.assume_multiple %mul3A_193, 8 : i32
        "tpu.region"() ({
          %run_scoped3A = tpu.sem_alloc : memref<!tpu.dma_semaphore, #tpu.memory_space<semaphore_mem>>
          %dma_start3A = arith.constant 0 : i32
          %dma_start3A_206 = tpu.memref_slice %arg23[%dma_start3A] : memref<2016xi32, #tpu.memory_space<vmem>> -> memref<2000xi32, #tpu.memory_space<vmem>>
          %dma_start3A_207 = tpu.memref_slice %arg3[%multiple_of3A_194] : memref<160000xi32, #tpu.memory_space<hbm>> -> memref<2000xi32, #tpu.memory_space<hbm>>
          %dma_start3A_208 = arith.constant 0 : i32
          %dma_start3A_209 = tpu.memref_slice %arg23[%dma_start3A_208] : memref<2016xi32, #tpu.memory_space<vmem>> -> memref<2000xi32, #tpu.memory_space<vmem>>
          %dma_start3A_210 = tpu.memref_slice %arg3[%multiple_of3A_194] : memref<160000xi32, #tpu.memory_space<hbm>> -> memref<2000xi32, #tpu.memory_space<hbm>>
          tpu.enqueue_dma source(%dma_start3A_210 : memref<2000xi32, #tpu.memory_space<hbm>>) target(%dma_start3A_209 : memref<2000xi32, #tpu.memory_space<vmem>>) target_semaphore(%run_scoped3A : memref<!tpu.dma_semaphore, #tpu.memory_space<semaphore_mem>>)
          %dma_wait3A = arith.constant 0 : i32
          %dma_wait3A_211 = tpu.memref_slice %arg23[%dma_wait3A] : memref<2016xi32, #tpu.memory_space<vmem>> -> memref<2000xi32, #tpu.memory_space<vmem>>
          %dma_wait3A_212 = tpu.memref_slice %arg3[%multiple_of3A_194] : memref<160000xi32, #tpu.memory_space<hbm>> -> memref<2000xi32, #tpu.memory_space<hbm>>
          %dma_wait3A_213 = arith.constant 0 : i32
          %dma_wait3A_214 = tpu.memref_slice %arg23[%dma_wait3A_213] : memref<2016xi32, #tpu.memory_space<vmem>> -> memref<2000xi32, #tpu.memory_space<vmem>>
          %dma_wait3A_215 = tpu.memref_slice %arg3[%multiple_of3A_194] : memref<160000xi32, #tpu.memory_space<hbm>> -> memref<2000xi32, #tpu.memory_space<hbm>>
          tpu.wait_dma2 semaphore(%run_scoped3A : memref<!tpu.dma_semaphore, #tpu.memory_space<semaphore_mem>>) src(%dma_wait3A_215 : memref<2000xi32, #tpu.memory_space<hbm>>) dst(%dma_wait3A_214 : memref<2000xi32, #tpu.memory_space<vmem>>)
          tpu.yield
        }) : () -> ()
        %mul3A_195 = arith.constant 2000 : i32
        %mul3A_196 = arith.muli %scan3A_190, %mul3A_195 : i32
        %multiple_of3A_197 = tpu.assume_multiple %mul3A_196, 8 : i32
        "tpu.region"() ({
          %run_scoped3A = tpu.sem_alloc : memref<!tpu.dma_semaphore, #tpu.memory_space<semaphore_mem>>
          %dma_start3A = arith.constant 0 : i32
          %dma_start3A_206 = tpu.memref_slice %arg24[%dma_start3A] : memref<2016xi32, #tpu.memory_space<vmem>> -> memref<2000xi32, #tpu.memory_space<vmem>>
          %dma_start3A_207 = tpu.memref_slice %arg4[%multiple_of3A_197] : memref<160000xi32, #tpu.memory_space<hbm>> -> memref<2000xi32, #tpu.memory_space<hbm>>
          %dma_start3A_208 = arith.constant 0 : i32
          %dma_start3A_209 = tpu.memref_slice %arg24[%dma_start3A_208] : memref<2016xi32, #tpu.memory_space<vmem>> -> memref<2000xi32, #tpu.memory_space<vmem>>
          %dma_start3A_210 = tpu.memref_slice %arg4[%multiple_of3A_197] : memref<160000xi32, #tpu.memory_space<hbm>> -> memref<2000xi32, #tpu.memory_space<hbm>>
          tpu.enqueue_dma source(%dma_start3A_210 : memref<2000xi32, #tpu.memory_space<hbm>>) target(%dma_start3A_209 : memref<2000xi32, #tpu.memory_space<vmem>>) target_semaphore(%run_scoped3A : memref<!tpu.dma_semaphore, #tpu.memory_space<semaphore_mem>>)
          %dma_wait3A = arith.constant 0 : i32
          %dma_wait3A_211 = tpu.memref_slice %arg24[%dma_wait3A] : memref<2016xi32, #tpu.memory_space<vmem>> -> memref<2000xi32, #tpu.memory_space<vmem>>
          %dma_wait3A_212 = tpu.memref_slice %arg4[%multiple_of3A_197] : memref<160000xi32, #tpu.memory_space<hbm>> -> memref<2000xi32, #tpu.memory_space<hbm>>
          %dma_wait3A_213 = arith.constant 0 : i32
          %dma_wait3A_214 = tpu.memref_slice %arg24[%dma_wait3A_213] : memref<2016xi32, #tpu.memory_space<vmem>> -> memref<2000xi32, #tpu.memory_space<vmem>>
          %dma_wait3A_215 = tpu.memref_slice %arg4[%multiple_of3A_197] : memref<160000xi32, #tpu.memory_space<hbm>> -> memref<2000xi32, #tpu.memory_space<hbm>>
          tpu.wait_dma2 semaphore(%run_scoped3A : memref<!tpu.dma_semaphore, #tpu.memory_space<semaphore_mem>>) src(%dma_wait3A_215 : memref<2000xi32, #tpu.memory_space<hbm>>) dst(%dma_wait3A_214 : memref<2000xi32, #tpu.memory_space<vmem>>)
          tpu.yield
        }) : () -> ()
        %scan3A_198 = arith.constant 0 : i32
        %scan3A_199 = arith.constant 0 : i32
        %scan3A_200 = arith.constant 2000 : i32
        %scan3A_201 = arith.addi %scan3A_199, %scan3A_200 : i32
        %scan3A_202 = arith.constant 1 : i32
        %scan3A_203 = scf.for %scan3A_206 = %scan3A_199 to %scan3A_201 step %scan3A_202 iter_args(%scan3A_207 = %scan3A_198) -> (i32)  : i32 {
          %get3A = arith.index_cast %scan3A_206 : i32 to index
          %get3A_208 = tpu.vector_load %arg23[%get3A] {strides = array<i32>} : memref<2016xi32, #tpu.memory_space<vmem>>, vector<16xi32>,
          %slice3A = vector.extract_strided_slice %get3A_208 {offsets = [0], sizes = [1], strides = [1]} : vector<16xi32> to vector<1xi32>
          %squeeze3A = vector.extract %slice3A[0] : i32 from vector<1xi32>
          %get3A_209 = arith.index_cast %squeeze3A : i32 to index
          %get3A_210 = tpu.vector_load %arg10[%get3A_209] {strides = array<i32>} : memref<10016xi32, #tpu.memory_space<vmem>>, vector<16xi32>,
          %slice3A_211 = vector.extract_strided_slice %get3A_210 {offsets = [0], sizes = [1], strides = [1]} : vector<16xi32> to vector<1xi32>
          %squeeze3A_212 = vector.extract %slice3A_211[0] : i32 from vector<1xi32>
          %get3A_213 = arith.index_cast %scan3A_206 : i32 to index
          %get3A_214 = tpu.vector_load %arg24[%get3A_213] {strides = array<i32>} : memref<2016xi32, #tpu.memory_space<vmem>>, vector<16xi32>,
          %slice3A_215 = vector.extract_strided_slice %get3A_214 {offsets = [0], sizes = [1], strides = [1]} : vector<16xi32> to vector<1xi32>
          %squeeze3A_216 = vector.extract %slice3A_215[0] : i32 from vector<1xi32>
          %get3A_217 = arith.index_cast %squeeze3A_216 : i32 to index
          %get3A_218 = tpu.vector_load %arg10[%get3A_217] {strides = array<i32>} : memref<10016xi32, #tpu.memory_space<vmem>>, vector<16xi32>,
          %slice3A_219 = vector.extract_strided_slice %get3A_218 {offsets = [0], sizes = [1], strides = [1]} : vector<16xi32> to vector<1xi32>
          %squeeze3A_220 = vector.extract %slice3A_219[0] : i32 from vector<1xi32>
          %lt3A = arith.cmpi slt, %squeeze3A_220, %squeeze3A_212 : i32
          %convert_element_type3A_221 = arith.extui %lt3A : i1 to i32
          %cond3A_222 = arith.constant 0 : i32
          %cond3A_223 = arith.cmpi ne, %convert_element_type3A_221, %cond3A_222 : i32
          scf.if %cond3A_223 {
            %and3A = arith.constant 127 : i32
            %and3A_225 = arith.andi %squeeze3A_212, %and3A : i32
            %shift_right_arithmetic3A = arith.constant 7 : i32
            %shift_right_arithmetic3A_226 = arith.shrsi %squeeze3A_212, %shift_right_arithmetic3A : i32
            %and3A_227 = arith.constant 127 : i32
            %and3A_228 = arith.andi %shift_right_arithmetic3A_226, %and3A_227 : i32
            %get3A_229 = arith.index_cast %and3A_225 : i32 to index
            %get3A_230 = tpu.vector_load %arg14[%get3A_229] {strides = array<i32>} : memref<144xi32, #tpu.memory_space<vmem>>, vector<16xi32>,
            %slice3A_231 = vector.extract_strided_slice %get3A_230 {offsets = [0], sizes = [1], strides = [1]} : vector<16xi32> to vector<1xi32>
            %squeeze3A_232 = vector.extract %slice3A_231[0] : i32 from vector<1xi32>
            %add3A = arith.constant 1 : i32
            %add3A_233 = arith.addi %squeeze3A_232, %add3A : i32
            %get3A_234 = arith.index_cast %and3A_225 : i32 to index
            %get3A_235 = tpu.vector_load %arg14[%get3A_234] {strides = array<i32>} : memref<144xi32, #tpu.memory_space<vmem>>, vector<16xi32>,
            %broadcast_in_dim3A = vector.broadcast %add3A_233 : i32 to vector<16xi32>
            %select_n3A = arith.select %eq3A_4, %broadcast_in_dim3A, %get3A_235 : vector<16xi1>, vector<16xi32>
            %swap3A = arith.index_cast %and3A_225 : i32 to index
            %swap3A_236 = tpu.vector_load %arg14[%swap3A] {strides = array<i32>} : memref<144xi32, #tpu.memory_space<vmem>>, vector<16xi32>,
            tpu.vector_store %arg14[%swap3A], %select_n3A {strides = array<i32>} : memref<144xi32, #tpu.memory_space<vmem>>, vector<16xi32>,
            %get3A_237 = arith.index_cast %and3A_228 : i32 to index
            %get3A_238 = tpu.vector_load %arg15[%get3A_237] {strides = array<i32>} : memref<144xi32, #tpu.memory_space<vmem>>, vector<16xi32>,
            %slice3A_239 = vector.extract_strided_slice %get3A_238 {offsets = [0], sizes = [1], strides = [1]} : vector<16xi32> to vector<1xi32>
            %squeeze3A_240 = vector.extract %slice3A_239[0] : i32 from vector<1xi32>
            %add3A_241 = arith.constant 1 : i32
            %add3A_242 = arith.addi %squeeze3A_240, %add3A_241 : i32
            %get3A_243 = arith.index_cast %and3A_228 : i32 to index
            %get3A_244 = tpu.vector_load %arg15[%get3A_243] {strides = array<i32>} : memref<144xi32, #tpu.memory_space<vmem>>, vector<16xi32>,
            %broadcast_in_dim3A_245 = vector.broadcast %add3A_242 : i32 to vector<16xi32>
            %select_n3A_246 = arith.select %eq3A_4, %broadcast_in_dim3A_245, %get3A_244 : vector<16xi1>, vector<16xi32>
            %swap3A_247 = arith.index_cast %and3A_228 : i32 to index
            %swap3A_248 = tpu.vector_load %arg15[%swap3A_247] {strides = array<i32>} : memref<144xi32, #tpu.memory_space<vmem>>, vector<16xi32>,
            tpu.vector_store %arg15[%swap3A_247], %select_n3A_246 {strides = array<i32>} : memref<144xi32, #tpu.memory_space<vmem>>, vector<16xi32>,
          } else {
          }
          %scan3A_224 = arith.constant 0 : i32
          scf.yield %scan3A_224 : i32
        }
        %scan3A_204 = arith.constant 2000 : i32
        %scan3A_205 = arith.constant 0 : i32
        scf.yield %scan3A_205 : i32
      }
      %scan3A_123 = arith.constant 80 : i32
      %scan3A_124 = arith.constant 0 : i32
      %scan3A_125 = arith.constant 0 : i32
      %scan3A_126 = arith.constant 128 : i32
      %scan3A_127 = arith.addi %scan3A_125, %scan3A_126 : i32
      %scan3A_128 = arith.constant 1 : i32
      %scan3A_129 = scf.for %scan3A_190 = %scan3A_125 to %scan3A_127 step %scan3A_128 iter_args(%scan3A_191 = %scan3A_124) -> (i32)  : i32 {
        %get3A = arith.index_cast %scan3A_190 : i32 to index
        %get3A_192 = tpu.vector_load %arg14[%get3A] {strides = array<i32>} : memref<144xi32, #tpu.memory_space<vmem>>, vector<16xi32>,
        %slice3A = vector.extract_strided_slice %get3A_192 {offsets = [0], sizes = [1], strides = [1]} : vector<16xi32> to vector<1xi32>
        %squeeze3A = vector.extract %slice3A[0] : i32 from vector<1xi32>
        %get3A_193 = arith.index_cast %scan3A_190 : i32 to index
        %get3A_194 = tpu.vector_load %arg18[%get3A_193] {strides = array<i32>} : memref<144xi32, #tpu.memory_space<vmem>>, vector<16xi32>,
        %broadcast_in_dim3A = vector.broadcast %squeeze3A : i32 to vector<16xi32>
        %select_n3A = arith.select %eq3A_4, %broadcast_in_dim3A, %get3A_194 : vector<16xi1>, vector<16xi32>
        %swap3A = arith.index_cast %scan3A_190 : i32 to index
        %swap3A_195 = tpu.vector_load %arg18[%swap3A] {strides = array<i32>} : memref<144xi32, #tpu.memory_space<vmem>>, vector<16xi32>,
        tpu.vector_store %arg18[%swap3A], %select_n3A {strides = array<i32>} : memref<144xi32, #tpu.memory_space<vmem>>, vector<16xi32>,
        %get3A_196 = arith.index_cast %scan3A_190 : i32 to index
        %get3A_197 = tpu.vector_load %arg16[%get3A_196] {strides = array<i32>} : memref<144xi32, #tpu.memory_space<vmem>>, vector<16xi32>,
        %broadcast_in_dim3A_198 = vector.broadcast %scan3A_191 : i32 to vector<16xi32>
        %select_n3A_199 = arith.select %eq3A_4, %broadcast_in_dim3A_198, %get3A_197 : vector<16xi1>, vector<16xi32>
        %swap3A_200 = arith.index_cast %scan3A_190 : i32 to index
        %swap3A_201 = tpu.vector_load %arg16[%swap3A_200] {strides = array<i32>} : memref<144xi32, #tpu.memory_space<vmem>>, vector<16xi32>,
        tpu.vector_store %arg16[%swap3A_200], %select_n3A_199 {strides = array<i32>} : memref<144xi32, #tpu.memory_space<vmem>>, vector<16xi32>,
        %add3A = arith.constant 31 : i32
        %add3A_202 = arith.addi %squeeze3A, %add3A : i32
        %shift_right_arithmetic3A = arith.constant 5 : i32
        %shift_right_arithmetic3A_203 = arith.shrsi %add3A_202, %shift_right_arithmetic3A : i32
        %shift_left3A = arith.constant 5 : i32
        %shift_left3A_204 = arith.shli %shift_right_arithmetic3A_203, %shift_left3A : i32
        %add3A_205 = arith.addi %scan3A_191, %shift_left3A_204 : i32
        scf.yield %add3A_205 : i32
      }
      %scan3A_130 = arith.constant 128 : i32
      %scan3A_131 = arith.constant 0 : i32
      %scan3A_132 = arith.constant 0 : i32
      %scan3A_133 = arith.constant 128 : i32
      %scan3A_134 = arith.addi %scan3A_132, %scan3A_133 : i32
      %scan3A_135 = arith.constant 1 : i32
      %scan3A_136 = scf.for %scan3A_190 = %scan3A_132 to %scan3A_134 step %scan3A_135 iter_args(%scan3A_191 = %scan3A_131) -> (i32)  : i32 {
        %get3A = arith.index_cast %scan3A_190 : i32 to index
        %get3A_192 = tpu.vector_load %arg15[%get3A] {strides = array<i32>} : memref<144xi32, #tpu.memory_space<vmem>>, vector<16xi32>,
        %slice3A = vector.extract_strided_slice %get3A_192 {offsets = [0], sizes = [1], strides = [1]} : vector<16xi32> to vector<1xi32>
        %squeeze3A = vector.extract %slice3A[0] : i32 from vector<1xi32>
        %get3A_193 = arith.index_cast %scan3A_190 : i32 to index
        %get3A_194 = tpu.vector_load %arg19[%get3A_193] {strides = array<i32>} : memref<144xi32, #tpu.memory_space<vmem>>, vector<16xi32>,
        %broadcast_in_dim3A = vector.broadcast %squeeze3A : i32 to vector<16xi32>
        %select_n3A = arith.select %eq3A_4, %broadcast_in_dim3A, %get3A_194 : vector<16xi1>, vector<16xi32>
        %swap3A = arith.index_cast %scan3A_190 : i32 to index
        %swap3A_195 = tpu.vector_load %arg19[%swap3A] {strides = array<i32>} : memref<144xi32, #tpu.memory_space<vmem>>, vector<16xi32>,
        tpu.vector_store %arg19[%swap3A], %select_n3A {strides = array<i32>} : memref<144xi32, #tpu.memory_space<vmem>>, vector<16xi32>,
        %get3A_196 = arith.index_cast %scan3A_190 : i32 to index
        %get3A_197 = tpu.vector_load %arg17[%get3A_196] {strides = array<i32>} : memref<144xi32, #tpu.memory_space<vmem>>, vector<16xi32>,
        %broadcast_in_dim3A_198 = vector.broadcast %scan3A_191 : i32 to vector<16xi32>
        %select_n3A_199 = arith.select %eq3A_4, %broadcast_in_dim3A_198, %get3A_197 : vector<16xi1>, vector<16xi32>
        %swap3A_200 = arith.index_cast %scan3A_190 : i32 to index
        %swap3A_201 = tpu.vector_load %arg17[%swap3A_200] {strides = array<i32>} : memref<144xi32, #tpu.memory_space<vmem>>, vector<16xi32>,
        tpu.vector_store %arg17[%swap3A_200], %select_n3A_199 {strides = array<i32>} : memref<144xi32, #tpu.memory_space<vmem>>, vector<16xi32>,
        %add3A = arith.constant 31 : i32
        %add3A_202 = arith.addi %squeeze3A, %add3A : i32
        %shift_right_arithmetic3A = arith.constant 5 : i32
        %shift_right_arithmetic3A_203 = arith.shrsi %add3A_202, %shift_right_arithmetic3A : i32
        %shift_left3A = arith.constant 5 : i32
        %shift_left3A_204 = arith.shli %shift_right_arithmetic3A_203, %shift_left3A : i32
        %add3A_205 = arith.addi %scan3A_191, %shift_left3A_204 : i32
        scf.yield %add3A_205 : i32
      }
      %scan3A_137 = arith.constant 128 : i32
      %scan3A_138 = arith.constant 0 : i32
      %scan3A_139 = arith.constant 0 : i32
      %scan3A_140 = arith.constant 8 : i32
      %scan3A_141 = arith.addi %scan3A_139, %scan3A_140 : i32
      %scan3A_142 = arith.constant 1 : i32
      %scan3A_143 = scf.for %scan3A_190 = %scan3A_139 to %scan3A_141 step %scan3A_142 iter_args(%scan3A_191 = %scan3A_138) -> (i32)  : i32 {
        %mul3A_192 = arith.constant 16 : i32
        %mul3A_193 = arith.muli %scan3A_190, %mul3A_192 : i32
        %get3A = arith.index_cast %mul3A_193 : i32 to index
        %get3A_194 = tpu.vector_load %arg16[%get3A] {strides = array<i32>} : memref<144xi32, #tpu.memory_space<vmem>>, vector<16xi32>,
        %mul3A_195 = arith.constant 16 : i32
        %mul3A_196 = arith.muli %scan3A_190, %mul3A_195 : i32
        %swap3A = arith.index_cast %mul3A_196 : i32 to index
        %swap3A_197 = tpu.vector_load %arg20[%swap3A] {strides = array<i32>} : memref<144xi32, #tpu.memory_space<vmem>>, vector<16xi32>,
        tpu.vector_store %arg20[%swap3A], %get3A_194 {strides = array<i32>} : memref<144xi32, #tpu.memory_space<vmem>>, vector<16xi32>,
        %scan3A_198 = arith.constant 0 : i32
        scf.yield %scan3A_198 : i32
      }
      %scan3A_144 = arith.constant 8 : i32
      %scan3A_145 = arith.constant 0 : i32
      %scan3A_146 = arith.constant 0 : i32
      %scan3A_147 = arith.constant 80 : i32
      %scan3A_148 = arith.addi %scan3A_146, %scan3A_147 : i32
      %scan3A_149 = arith.constant 1 : i32
      %scan3A_150 = scf.for %scan3A_190 = %scan3A_146 to %scan3A_148 step %scan3A_149 iter_args(%scan3A_191 = %scan3A_145) -> (i32)  : i32 {
        %mul3A_192 = arith.constant 2000 : i32
        %mul3A_193 = arith.muli %scan3A_190, %mul3A_192 : i32
        %multiple_of3A_194 = tpu.assume_multiple %mul3A_193, 8 : i32
        "tpu.region"() ({
          %run_scoped3A = tpu.sem_alloc : memref<!tpu.dma_semaphore, #tpu.memory_space<semaphore_mem>>
          %dma_start3A = arith.constant 0 : i32
          %dma_start3A_206 = tpu.memref_slice %arg23[%dma_start3A] : memref<2016xi32, #tpu.memory_space<vmem>> -> memref<2000xi32, #tpu.memory_space<vmem>>
          %dma_start3A_207 = tpu.memref_slice %arg3[%multiple_of3A_194] : memref<160000xi32, #tpu.memory_space<hbm>> -> memref<2000xi32, #tpu.memory_space<hbm>>
          %dma_start3A_208 = arith.constant 0 : i32
          %dma_start3A_209 = tpu.memref_slice %arg23[%dma_start3A_208] : memref<2016xi32, #tpu.memory_space<vmem>> -> memref<2000xi32, #tpu.memory_space<vmem>>
          %dma_start3A_210 = tpu.memref_slice %arg3[%multiple_of3A_194] : memref<160000xi32, #tpu.memory_space<hbm>> -> memref<2000xi32, #tpu.memory_space<hbm>>
          tpu.enqueue_dma source(%dma_start3A_210 : memref<2000xi32, #tpu.memory_space<hbm>>) target(%dma_start3A_209 : memref<2000xi32, #tpu.memory_space<vmem>>) target_semaphore(%run_scoped3A : memref<!tpu.dma_semaphore, #tpu.memory_space<semaphore_mem>>)
          %dma_wait3A = arith.constant 0 : i32
          %dma_wait3A_211 = tpu.memref_slice %arg23[%dma_wait3A] : memref<2016xi32, #tpu.memory_space<vmem>> -> memref<2000xi32, #tpu.memory_space<vmem>>
          %dma_wait3A_212 = tpu.memref_slice %arg3[%multiple_of3A_194] : memref<160000xi32, #tpu.memory_space<hbm>> -> memref<2000xi32, #tpu.memory_space<hbm>>
          %dma_wait3A_213 = arith.constant 0 : i32
          %dma_wait3A_214 = tpu.memref_slice %arg23[%dma_wait3A_213] : memref<2016xi32, #tpu.memory_space<vmem>> -> memref<2000xi32, #tpu.memory_space<vmem>>
          %dma_wait3A_215 = tpu.memref_slice %arg3[%multiple_of3A_194] : memref<160000xi32, #tpu.memory_space<hbm>> -> memref<2000xi32, #tpu.memory_space<hbm>>
          tpu.wait_dma2 semaphore(%run_scoped3A : memref<!tpu.dma_semaphore, #tpu.memory_space<semaphore_mem>>) src(%dma_wait3A_215 : memref<2000xi32, #tpu.memory_space<hbm>>) dst(%dma_wait3A_214 : memref<2000xi32, #tpu.memory_space<vmem>>)
          tpu.yield
        }) : () -> ()
        %mul3A_195 = arith.constant 2000 : i32
        %mul3A_196 = arith.muli %scan3A_190, %mul3A_195 : i32
        %multiple_of3A_197 = tpu.assume_multiple %mul3A_196, 8 : i32
        "tpu.region"() ({
          %run_scoped3A = tpu.sem_alloc : memref<!tpu.dma_semaphore, #tpu.memory_space<semaphore_mem>>
          %dma_start3A = arith.constant 0 : i32
          %dma_start3A_206 = tpu.memref_slice %arg24[%dma_start3A] : memref<2016xi32, #tpu.memory_space<vmem>> -> memref<2000xi32, #tpu.memory_space<vmem>>
          %dma_start3A_207 = tpu.memref_slice %arg4[%multiple_of3A_197] : memref<160000xi32, #tpu.memory_space<hbm>> -> memref<2000xi32, #tpu.memory_space<hbm>>
          %dma_start3A_208 = arith.constant 0 : i32
          %dma_start3A_209 = tpu.memref_slice %arg24[%dma_start3A_208] : memref<2016xi32, #tpu.memory_space<vmem>> -> memref<2000xi32, #tpu.memory_space<vmem>>
          %dma_start3A_210 = tpu.memref_slice %arg4[%multiple_of3A_197] : memref<160000xi32, #tpu.memory_space<hbm>> -> memref<2000xi32, #tpu.memory_space<hbm>>
          tpu.enqueue_dma source(%dma_start3A_210 : memref<2000xi32, #tpu.memory_space<hbm>>) target(%dma_start3A_209 : memref<2000xi32, #tpu.memory_space<vmem>>) target_semaphore(%run_scoped3A : memref<!tpu.dma_semaphore, #tpu.memory_space<semaphore_mem>>)
          %dma_wait3A = arith.constant 0 : i32
          %dma_wait3A_211 = tpu.memref_slice %arg24[%dma_wait3A] : memref<2016xi32, #tpu.memory_space<vmem>> -> memref<2000xi32, #tpu.memory_space<vmem>>
          %dma_wait3A_212 = tpu.memref_slice %arg4[%multiple_of3A_197] : memref<160000xi32, #tpu.memory_space<hbm>> -> memref<2000xi32, #tpu.memory_space<hbm>>
          %dma_wait3A_213 = arith.constant 0 : i32
          %dma_wait3A_214 = tpu.memref_slice %arg24[%dma_wait3A_213] : memref<2016xi32, #tpu.memory_space<vmem>> -> memref<2000xi32, #tpu.memory_space<vmem>>
          %dma_wait3A_215 = tpu.memref_slice %arg4[%multiple_of3A_197] : memref<160000xi32, #tpu.memory_space<hbm>> -> memref<2000xi32, #tpu.memory_space<hbm>>
          tpu.wait_dma2 semaphore(%run_scoped3A : memref<!tpu.dma_semaphore, #tpu.memory_space<semaphore_mem>>) src(%dma_wait3A_215 : memref<2000xi32, #tpu.memory_space<hbm>>) dst(%dma_wait3A_214 : memref<2000xi32, #tpu.memory_space<vmem>>)
          tpu.yield
        }) : () -> ()
        %scan3A_198 = arith.constant 0 : i32
        %scan3A_199 = arith.constant 0 : i32
        %scan3A_200 = arith.constant 2000 : i32
        %scan3A_201 = arith.addi %scan3A_199, %scan3A_200 : i32
        %scan3A_202 = arith.constant 1 : i32
        %scan3A_203 = scf.for %scan3A_206 = %scan3A_199 to %scan3A_201 step %scan3A_202 iter_args(%scan3A_207 = %scan3A_198) -> (i32)  : i32 {
          %get3A = arith.index_cast %scan3A_206 : i32 to index
          %get3A_208 = tpu.vector_load %arg23[%get3A] {strides = array<i32>} : memref<2016xi32, #tpu.memory_space<vmem>>, vector<16xi32>,
          %slice3A = vector.extract_strided_slice %get3A_208 {offsets = [0], sizes = [1], strides = [1]} : vector<16xi32> to vector<1xi32>
          %squeeze3A = vector.extract %slice3A[0] : i32 from vector<1xi32>
          %get3A_209 = arith.index_cast %squeeze3A : i32 to index
          %get3A_210 = tpu.vector_load %arg10[%get3A_209] {strides = array<i32>} : memref<10016xi32, #tpu.memory_space<vmem>>, vector<16xi32>,
          %slice3A_211 = vector.extract_strided_slice %get3A_210 {offsets = [0], sizes = [1], strides = [1]} : vector<16xi32> to vector<1xi32>
          %squeeze3A_212 = vector.extract %slice3A_211[0] : i32 from vector<1xi32>
          %get3A_213 = arith.index_cast %scan3A_206 : i32 to index
          %get3A_214 = tpu.vector_load %arg24[%get3A_213] {strides = array<i32>} : memref<2016xi32, #tpu.memory_space<vmem>>, vector<16xi32>,
          %slice3A_215 = vector.extract_strided_slice %get3A_214 {offsets = [0], sizes = [1], strides = [1]} : vector<16xi32> to vector<1xi32>
          %squeeze3A_216 = vector.extract %slice3A_215[0] : i32 from vector<1xi32>
          %get3A_217 = arith.index_cast %squeeze3A_216 : i32 to index
          %get3A_218 = tpu.vector_load %arg10[%get3A_217] {strides = array<i32>} : memref<10016xi32, #tpu.memory_space<vmem>>, vector<16xi32>,
          %slice3A_219 = vector.extract_strided_slice %get3A_218 {offsets = [0], sizes = [1], strides = [1]} : vector<16xi32> to vector<1xi32>
          %squeeze3A_220 = vector.extract %slice3A_219[0] : i32 from vector<1xi32>
          %lt3A = arith.cmpi slt, %squeeze3A_220, %squeeze3A_212 : i32
          %convert_element_type3A_221 = arith.extui %lt3A : i1 to i32
          %cond3A_222 = arith.constant 0 : i32
          %cond3A_223 = arith.cmpi ne, %convert_element_type3A_221, %cond3A_222 : i32
          scf.if %cond3A_223 {
            %and3A = arith.constant 127 : i32
            %and3A_225 = arith.andi %squeeze3A_212, %and3A : i32
            %mul3A_226 = arith.constant 64 : i32
            %mul3A_227 = arith.muli %and3A_225, %mul3A_226 : i32
            %get3A_228 = arith.index_cast %and3A_225 : i32 to index
            %get3A_229 = tpu.vector_load %arg22[%get3A_228] {strides = array<i32>} : memref<144xi32, #tpu.memory_space<vmem>>, vector<16xi32>,
            %slice3A_230 = vector.extract_strided_slice %get3A_229 {offsets = [0], sizes = [1], strides = [1]} : vector<16xi32> to vector<1xi32>
            %squeeze3A_231 = vector.extract %slice3A_230[0] : i32 from vector<1xi32>
            %mul3A_232 = arith.constant 2 : i32
            %mul3A_233 = arith.muli %mul3A_232, %squeeze3A_231 : i32
            %add3A = arith.addi %mul3A_227, %mul3A_233 : i32
            %get3A_234 = arith.index_cast %add3A : i32 to index
            %get3A_235 = tpu.vector_load %arg21[%get3A_234] {strides = array<i32>} : memref<8192xi32, #tpu.memory_space<vmem>>, vector<16xi32>,
            %broadcast_in_dim3A = vector.broadcast %squeeze3A_212 : i32 to vector<16xi32>
            %select_n3A = arith.select %eq3A_4, %broadcast_in_dim3A, %get3A_235 : vector<16xi1>, vector<16xi32>
            %swap3A = arith.index_cast %add3A : i32 to index
            %swap3A_236 = tpu.vector_load %arg21[%swap3A] {strides = array<i32>} : memref<8192xi32, #tpu.memory_space<vmem>>, vector<16xi32>,
            tpu.vector_store %arg21[%swap3A], %select_n3A {strides = array<i32>} : memref<8192xi32, #tpu.memory_space<vmem>>, vector<16xi32>,
            %mul3A_237 = arith.constant 2 : i32
            %mul3A_238 = arith.muli %mul3A_237, %squeeze3A_231 : i32
            %add3A_239 = arith.addi %mul3A_227, %mul3A_238 : i32
            %add3A_240 = arith.constant 1 : i32
            %add3A_241 = arith.addi %add3A_239, %add3A_240 : i32
            %get3A_242 = arith.index_cast %add3A_241 : i32 to index
            %get3A_243 = tpu.vector_load %arg21[%get3A_242] {strides = array<i32>} : memref<8192xi32, #tpu.memory_space<vmem>>, vector<16xi32>,
            %broadcast_in_dim3A_244 = vector.broadcast %squeeze3A_220 : i32 to vector<16xi32>
            %select_n3A_245 = arith.select %eq3A_4, %broadcast_in_dim3A_244, %get3A_243 : vector<16xi1>, vector<16xi32>
            %swap3A_246 = arith.index_cast %add3A_241 : i32 to index
            %swap3A_247 = tpu.vector_load %arg21[%swap3A_246] {strides = array<i32>} : memref<8192xi32, #tpu.memory_space<vmem>>, vector<16xi32>,
            tpu.vector_store %arg21[%swap3A_246], %select_n3A_245 {strides = array<i32>} : memref<8192xi32, #tpu.memory_space<vmem>>, vector<16xi32>,
            %eq3A_248 = arith.constant 31 : i32
            %eq3A_249 = arith.cmpi eq, %squeeze3A_231, %eq3A_248 : i32
            %convert_element_type3A_250 = arith.extui %eq3A_249 : i1 to i32
            %cond3A_251 = arith.constant 0 : i32
            %cond3A_252 = arith.cmpi ne, %convert_element_type3A_250, %cond3A_251 : i32
            scf.if %cond3A_252 {
              %get3A_263 = arith.index_cast %and3A_225 : i32 to index
              %get3A_264 = tpu.vector_load %arg20[%get3A_263] {strides = array<i32>} : memref<144xi32, #tpu.memory_space<vmem>>, vector<16xi32>,
              %slice3A_265 = vector.extract_strided_slice %get3A_264 {offsets = [0], sizes = [1], strides = [1]} : vector<16xi32> to vector<1xi32>
              %squeeze3A_266 = vector.extract %slice3A_265[0] : i32 from vector<1xi32>
              %multiple_of3A_267 = tpu.assume_multiple %mul3A_227, 8 : i32
              %mul3A_268 = arith.constant 2 : i32
              %mul3A_269 = arith.muli %squeeze3A_266, %mul3A_268 : i32
              %multiple_of3A_270 = tpu.assume_multiple %mul3A_269, 8 : i32
              "tpu.region"() ({
                %run_scoped3A = tpu.sem_alloc : memref<!tpu.dma_semaphore, #tpu.memory_space<semaphore_mem>>
                %dma_start3A = tpu.memref_slice %arg21[%multiple_of3A_267] : memref<8192xi32, #tpu.memory_space<vmem>> -> memref<64xi32, #tpu.memory_space<vmem>>
                %dma_start3A_279 = tpu.memref_slice %arg26[%multiple_of3A_270] : memref<332288xi32, #tpu.memory_space<vmem_shared>> -> memref<64xi32, #tpu.memory_space<vmem_shared>>
                %dma_start3A_280 = tpu.memref_slice %arg26[%multiple_of3A_270] : memref<332288xi32, #tpu.memory_space<vmem_shared>> -> memref<64xi32, #tpu.memory_space<vmem_shared>>
                %dma_start3A_281 = tpu.memref_slice %arg21[%multiple_of3A_267] : memref<8192xi32, #tpu.memory_space<vmem>> -> memref<64xi32, #tpu.memory_space<vmem>>
                tpu.enqueue_dma source(%dma_start3A_281 : memref<64xi32, #tpu.memory_space<vmem>>) target(%dma_start3A_280 : memref<64xi32, #tpu.memory_space<vmem_shared>>) target_semaphore(%run_scoped3A : memref<!tpu.dma_semaphore, #tpu.memory_space<semaphore_mem>>)
                %dma_wait3A = tpu.memref_slice %arg21[%multiple_of3A_267] : memref<8192xi32, #tpu.memory_space<vmem>> -> memref<64xi32, #tpu.memory_space<vmem>>
                %dma_wait3A_282 = tpu.memref_slice %arg26[%multiple_of3A_270] : memref<332288xi32, #tpu.memory_space<vmem_shared>> -> memref<64xi32, #tpu.memory_space<vmem_shared>>
                %dma_wait3A_283 = tpu.memref_slice %arg26[%multiple_of3A_270] : memref<332288xi32, #tpu.memory_space<vmem_shared>> -> memref<64xi32, #tpu.memory_space<vmem_shared>>
                %dma_wait3A_284 = tpu.memref_slice %arg21[%multiple_of3A_267] : memref<8192xi32, #tpu.memory_space<vmem>> -> memref<64xi32, #tpu.memory_space<vmem>>
                tpu.wait_dma2 semaphore(%run_scoped3A : memref<!tpu.dma_semaphore, #tpu.memory_space<semaphore_mem>>) src(%dma_wait3A_284 : memref<64xi32, #tpu.memory_space<vmem>>) dst(%dma_wait3A_283 : memref<64xi32, #tpu.memory_space<vmem_shared>>)
                tpu.yield
              }) : () -> ()
              %add3A_271 = arith.constant 32 : i32
              %add3A_272 = arith.addi %squeeze3A_266, %add3A_271 : i32
              %get3A_273 = arith.index_cast %and3A_225 : i32 to index
              %get3A_274 = tpu.vector_load %arg20[%get3A_273] {strides = array<i32>} : memref<144xi32, #tpu.memory_space<vmem>>, vector<16xi32>,
              %broadcast_in_dim3A_275 = vector.broadcast %add3A_272 : i32 to vector<16xi32>
              %select_n3A_276 = arith.select %eq3A_4, %broadcast_in_dim3A_275, %get3A_274 : vector<16xi1>, vector<16xi32>
              %swap3A_277 = arith.index_cast %and3A_225 : i32 to index
              %swap3A_278 = tpu.vector_load %arg20[%swap3A_277] {strides = array<i32>} : memref<144xi32, #tpu.memory_space<vmem>>, vector<16xi32>,
              tpu.vector_store %arg20[%swap3A_277], %select_n3A_276 {strides = array<i32>} : memref<144xi32, #tpu.memory_space<vmem>>, vector<16xi32>,
            } else {
            }
            %add3A_253 = arith.constant 1 : i32
            %add3A_254 = arith.addi %squeeze3A_231, %add3A_253 : i32
            %and3A_255 = arith.constant 31 : i32
            %and3A_256 = arith.andi %add3A_254, %and3A_255 : i32
            %get3A_257 = arith.index_cast %and3A_225 : i32 to index
            %get3A_258 = tpu.vector_load %arg22[%get3A_257] {strides = array<i32>} : memref<144xi32, #tpu.memory_space<vmem>>, vector<16xi32>,
            %broadcast_in_dim3A_259 = vector.broadcast %and3A_256 : i32 to vector<16xi32>
            %select_n3A_260 = arith.select %eq3A_4, %broadcast_in_dim3A_259, %get3A_258 : vector<16xi1>, vector<16xi32>
            %swap3A_261 = arith.index_cast %and3A_225 : i32 to index
            %swap3A_262 = tpu.vector_load %arg22[%swap3A_261] {strides = array<i32>} : memref<144xi32, #tpu.memory_space<vmem>>, vector<16xi32>,
            tpu.vector_store %arg22[%swap3A_261], %select_n3A_260 {strides = array<i32>} : memref<144xi32, #tpu.memory_space<vmem>>, vector<16xi32>,
          } else {
          }
          %scan3A_224 = arith.constant 0 : i32
          scf.yield %scan3A_224 : i32
        }
        %scan3A_204 = arith.constant 2000 : i32
        %scan3A_205 = arith.constant 0 : i32
        scf.yield %scan3A_205 : i32
      }
      %scan3A_151 = arith.constant 80 : i32
      %scan3A_152 = arith.constant 0 : i32
      %scan3A_153 = arith.constant 0 : i32
      %scan3A_154 = arith.constant 128 : i32
      %scan3A_155 = arith.addi %scan3A_153, %scan3A_154 : i32
      %scan3A_156 = arith.constant 1 : i32
      %scan3A_157 = scf.for %scan3A_190 = %scan3A_153 to %scan3A_155 step %scan3A_156 iter_args(%scan3A_191 = %scan3A_152) -> (i32)  : i32 {
        %get3A = arith.index_cast %scan3A_190 : i32 to index
        %get3A_192 = tpu.vector_load %arg22[%get3A] {strides = array<i32>} : memref<144xi32, #tpu.memory_space<vmem>>, vector<16xi32>,
        %slice3A = vector.extract_strided_slice %get3A_192 {offsets = [0], sizes = [1], strides = [1]} : vector<16xi32> to vector<1xi32>
        %squeeze3A = vector.extract %slice3A[0] : i32 from vector<1xi32>
        %gt3A = arith.constant 0 : i32
        %gt3A_193 = arith.cmpi sgt, %squeeze3A, %gt3A : i32
        %convert_element_type3A_194 = arith.extui %gt3A_193 : i1 to i32
        %cond3A_195 = arith.constant 0 : i32
        %cond3A_196 = arith.cmpi ne, %convert_element_type3A_194, %cond3A_195 : i32
        scf.if %cond3A_196 {
          %mul3A_198 = arith.constant 64 : i32
          %mul3A_199 = arith.muli %scan3A_190, %mul3A_198 : i32
          %get3A_200 = arith.index_cast %scan3A_190 : i32 to index
          %get3A_201 = tpu.vector_load %arg20[%get3A_200] {strides = array<i32>} : memref<144xi32, #tpu.memory_space<vmem>>, vector<16xi32>,
          %slice3A_202 = vector.extract_strided_slice %get3A_201 {offsets = [0], sizes = [1], strides = [1]} : vector<16xi32> to vector<1xi32>
          %squeeze3A_203 = vector.extract %slice3A_202[0] : i32 from vector<1xi32>
          %mul3A_204 = arith.constant 2 : i32
          %mul3A_205 = arith.muli %squeeze3A_203, %mul3A_204 : i32
          %multiple_of3A_206 = tpu.assume_multiple %mul3A_205, 8 : i32
          "tpu.region"() ({
            %run_scoped3A = tpu.sem_alloc : memref<!tpu.dma_semaphore, #tpu.memory_space<semaphore_mem>>
            %dma_start3A = tpu.memref_slice %arg21[%mul3A_199] : memref<8192xi32, #tpu.memory_space<vmem>> -> memref<64xi32, #tpu.memory_space<vmem>>
            %dma_start3A_210 = tpu.memref_slice %arg26[%multiple_of3A_206] : memref<332288xi32, #tpu.memory_space<vmem_shared>> -> memref<64xi32, #tpu.memory_space<vmem_shared>>
            %dma_start3A_211 = tpu.memref_slice %arg26[%multiple_of3A_206] : memref<332288xi32, #tpu.memory_space<vmem_shared>> -> memref<64xi32, #tpu.memory_space<vmem_shared>>
            %dma_start3A_212 = tpu.memref_slice %arg21[%mul3A_199] : memref<8192xi32, #tpu.memory_space<vmem>> -> memref<64xi32, #tpu.memory_space<vmem>>
            tpu.enqueue_dma source(%dma_start3A_212 : memref<64xi32, #tpu.memory_space<vmem>>) target(%dma_start3A_211 : memref<64xi32, #tpu.memory_space<vmem_shared>>) target_semaphore(%run_scoped3A : memref<!tpu.dma_semaphore, #tpu.memory_space<semaphore_mem>>)
            %dma_wait3A = tpu.memref_slice %arg21[%mul3A_199] : memref<8192xi32, #tpu.memory_space<vmem>> -> memref<64xi32, #tpu.memory_space<vmem>>
            %dma_wait3A_213 = tpu.memref_slice %arg26[%multiple_of3A_206] : memref<332288xi32, #tpu.memory_space<vmem_shared>> -> memref<64xi32, #tpu.memory_space<vmem_shared>>
            %dma_wait3A_214 = tpu.memref_slice %arg26[%multiple_of3A_206] : memref<332288xi32, #tpu.memory_space<vmem_shared>> -> memref<64xi32, #tpu.memory_space<vmem_shared>>
            %dma_wait3A_215 = tpu.memref_slice %arg21[%mul3A_199] : memref<8192xi32, #tpu.memory_space<vmem>> -> memref<64xi32, #tpu.memory_space<vmem>>
            tpu.wait_dma2 semaphore(%run_scoped3A : memref<!tpu.dma_semaphore, #tpu.memory_space<semaphore_mem>>) src(%dma_wait3A_215 : memref<64xi32, #tpu.memory_space<vmem>>) dst(%dma_wait3A_214 : memref<64xi32, #tpu.memory_space<vmem_shared>>)
            tpu.yield
          }) : () -> ()
          %get3A_207 = arith.index_cast %scan3A_190 : i32 to index
          %get3A_208 = tpu.vector_load %arg22[%get3A_207] {strides = array<i32>} : memref<144xi32, #tpu.memory_space<vmem>>, vector<16xi32>,
          %jit3A = arith.constant 0 : i32
          %broadcast_in_dim3A = vector.broadcast %jit3A : i32 to vector<16xi32>
          %select_n3A = arith.select %eq3A_4, %broadcast_in_dim3A, %get3A_208 : vector<16xi1>, vector<16xi32>
          %swap3A = arith.index_cast %scan3A_190 : i32 to index
          %swap3A_209 = tpu.vector_load %arg22[%swap3A] {strides = array<i32>} : memref<144xi32, #tpu.memory_space<vmem>>, vector<16xi32>,
          tpu.vector_store %arg22[%swap3A], %select_n3A {strides = array<i32>} : memref<144xi32, #tpu.memory_space<vmem>>, vector<16xi32>,
        } else {
        }
        %scan3A_197 = arith.constant 0 : i32
        scf.yield %scan3A_197 : i32
      }
      %scan3A_158 = arith.constant 128 : i32
      %scan3A_159 = arith.constant 0 : i32
      %scan3A_160 = arith.constant 0 : i32
      %scan3A_161 = arith.constant 8 : i32
      %scan3A_162 = arith.addi %scan3A_160, %scan3A_161 : i32
      %scan3A_163 = arith.constant 1 : i32
      %scan3A_164 = scf.for %scan3A_190 = %scan3A_160 to %scan3A_162 step %scan3A_163 iter_args(%scan3A_191 = %scan3A_159) -> (i32)  : i32 {
        %mul3A_192 = arith.constant 16 : i32
        %mul3A_193 = arith.muli %scan3A_190, %mul3A_192 : i32
        %get3A = arith.index_cast %mul3A_193 : i32 to index
        %get3A_194 = tpu.vector_load %arg17[%get3A] {strides = array<i32>} : memref<144xi32, #tpu.memory_space<vmem>>, vector<16xi32>,
        %mul3A_195 = arith.constant 16 : i32
        %mul3A_196 = arith.muli %scan3A_190, %mul3A_195 : i32
        %swap3A = arith.index_cast %mul3A_196 : i32 to index
        %swap3A_197 = tpu.vector_load %arg20[%swap3A] {strides = array<i32>} : memref<144xi32, #tpu.memory_space<vmem>>, vector<16xi32>,
        tpu.vector_store %arg20[%swap3A], %get3A_194 {strides = array<i32>} : memref<144xi32, #tpu.memory_space<vmem>>, vector<16xi32>,
        %scan3A_198 = arith.constant 0 : i32
        scf.yield %scan3A_198 : i32
      }
      %scan3A_165 = arith.constant 8 : i32
      %scan3A_166 = arith.constant 0 : i32
      %scan3A_167 = arith.constant 0 : i32
      %scan3A_168 = arith.constant 128 : i32
      %scan3A_169 = arith.addi %scan3A_167, %scan3A_168 : i32
      %scan3A_170 = arith.constant 1 : i32
      %scan3A_171 = scf.for %scan3A_190 = %scan3A_167 to %scan3A_169 step %scan3A_170 iter_args(%scan3A_191 = %scan3A_166) -> (i32)  : i32 {
        %get3A = arith.index_cast %scan3A_190 : i32 to index
        %get3A_192 = tpu.vector_load %arg18[%get3A] {strides = array<i32>} : memref<144xi32, #tpu.memory_space<vmem>>, vector<16xi32>,
        %slice3A = vector.extract_strided_slice %get3A_192 {offsets = [0], sizes = [1], strides = [1]} : vector<16xi32> to vector<1xi32>
        %squeeze3A = vector.extract %slice3A[0] : i32 from vector<1xi32>
        %get3A_193 = arith.index_cast %scan3A_190 : i32 to index
        %get3A_194 = tpu.vector_load %arg16[%get3A_193] {strides = array<i32>} : memref<144xi32, #tpu.memory_space<vmem>>, vector<16xi32>,
        %slice3A_195 = vector.extract_strided_slice %get3A_194 {offsets = [0], sizes = [1], strides = [1]} : vector<16xi32> to vector<1xi32>
        %squeeze3A_196 = vector.extract %slice3A_195[0] : i32 from vector<1xi32>
        %mul3A_197 = arith.constant 2 : i32
        %mul3A_198 = arith.muli %squeeze3A_196, %mul3A_197 : i32
        %add3A = arith.constant 1024 : i32
        %add3A_199 = arith.addi %squeeze3A, %add3A : i32
        %sub3A = arith.constant 1 : i32
        %sub3A_200 = arith.subi %add3A_199, %sub3A : i32
        %shift_right_arithmetic3A = arith.constant 10 : i32
        %shift_right_arithmetic3A_201 = arith.shrsi %sub3A_200, %shift_right_arithmetic3A : i32
        %while3A = arith.constant 0 : i32
        %while3A_202 = arith.constant 0 : i32
        %while3A_203 = arith.subi %shift_right_arithmetic3A_201, %while3A : i32
        %while3A_204 = arith.addi %while3A, %while3A_203 : i32
        %while3A_205 = arith.constant 1 : i32
        %while3A_206 = arith.divsi %while3A_203, %while3A_205 : i32
        %while3A_207 = arith.muli %while3A_206, %while3A_205 : i32
        %while3A_208 = arith.addi %while3A, %while3A_207 : i32
        %while3A_209 = arith.constant 1 : i32
        %while3A_210 = scf.for %while3A_214 = %while3A to %while3A_208 step %while3A_209 iter_args(%while3A_215 = %while3A_202) -> (i32)  : i32 {
          %mul3A_216 = arith.constant 2048 : i32
          %mul3A_217 = arith.muli %while3A_214, %mul3A_216 : i32
          %add3A_218 = arith.addi %mul3A_198, %mul3A_217 : i32
          %multiple_of3A_219 = tpu.assume_multiple %add3A_218, 8 : i32
          "tpu.region"() ({
            %run_scoped3A = tpu.sem_alloc : memref<!tpu.dma_semaphore, #tpu.memory_space<semaphore_mem>>
            %dma_start3A = arith.constant 0 : i32
            %dma_start3A_237 = tpu.memref_slice %arg25[%dma_start3A] : memref<2064xi32, #tpu.memory_space<vmem>> -> memref<2048xi32, #tpu.memory_space<vmem>>
            %dma_start3A_238 = tpu.memref_slice %arg26[%multiple_of3A_219] : memref<332288xi32, #tpu.memory_space<vmem_shared>> -> memref<2048xi32, #tpu.memory_space<vmem_shared>>
            %dma_start3A_239 = arith.constant 0 : i32
            %dma_start3A_240 = tpu.memref_slice %arg25[%dma_start3A_239] : memref<2064xi32, #tpu.memory_space<vmem>> -> memref<2048xi32, #tpu.memory_space<vmem>>
            %dma_start3A_241 = tpu.memref_slice %arg26[%multiple_of3A_219] : memref<332288xi32, #tpu.memory_space<vmem_shared>> -> memref<2048xi32, #tpu.memory_space<vmem_shared>>
            tpu.enqueue_dma source(%dma_start3A_241 : memref<2048xi32, #tpu.memory_space<vmem_shared>>) target(%dma_start3A_240 : memref<2048xi32, #tpu.memory_space<vmem>>) target_semaphore(%run_scoped3A : memref<!tpu.dma_semaphore, #tpu.memory_space<semaphore_mem>>)
            %dma_wait3A = arith.constant 0 : i32
            %dma_wait3A_242 = tpu.memref_slice %arg25[%dma_wait3A] : memref<2064xi32, #tpu.memory_space<vmem>> -> memref<2048xi32, #tpu.memory_space<vmem>>
            %dma_wait3A_243 = tpu.memref_slice %arg26[%multiple_of3A_219] : memref<332288xi32, #tpu.memory_space<vmem_shared>> -> memref<2048xi32, #tpu.memory_space<vmem_shared>>
            %dma_wait3A_244 = arith.constant 0 : i32
            %dma_wait3A_245 = tpu.memref_slice %arg25[%dma_wait3A_244] : memref<2064xi32, #tpu.memory_space<vmem>> -> memref<2048xi32, #tpu.memory_space<vmem>>
            %dma_wait3A_246 = tpu.memref_slice %arg26[%multiple_of3A_219] : memref<332288xi32, #tpu.memory_space<vmem_shared>> -> memref<2048xi32, #tpu.memory_space<vmem_shared>>
            tpu.wait_dma2 semaphore(%run_scoped3A : memref<!tpu.dma_semaphore, #tpu.memory_space<semaphore_mem>>) src(%dma_wait3A_246 : memref<2048xi32, #tpu.memory_space<vmem_shared>>) dst(%dma_wait3A_245 : memref<2048xi32, #tpu.memory_space<vmem>>)
            tpu.yield
          }) : () -> ()
          %mul3A_220 = arith.constant 1024 : i32
          %mul3A_221 = arith.muli %while3A_214, %mul3A_220 : i32
          %sub3A_222 = arith.subi %squeeze3A, %mul3A_221 : i32
          %min3A = arith.constant 1024 : i32
          %min3A_223 = arith.minsi %sub3A_222, %min3A : i32
          %while3A_224 = arith.constant 0 : i32
          %while3A_225 = arith.constant 0 : i32
          %while3A_226 = arith.subi %min3A_223, %while3A_224 : i32
          %while3A_227 = arith.addi %while3A_224, %while3A_226 : i32
          %while3A_228 = arith.constant 1 : i32
          %while3A_229 = arith.divsi %while3A_226, %while3A_228 : i32
          %while3A_230 = arith.muli %while3A_229, %while3A_228 : i32
          %while3A_231 = arith.addi %while3A_224, %while3A_230 : i32
          %while3A_232 = arith.constant 1 : i32
          %while3A_233 = scf.for %while3A_237 = %while3A_224 to %while3A_231 step %while3A_232 iter_args(%while3A_238 = %while3A_225) -> (i32)  : i32 {
            %mul3A_239 = arith.constant 2 : i32
            %mul3A_240 = arith.muli %mul3A_239, %while3A_237 : i32
            %get3A_241 = arith.index_cast %mul3A_240 : i32 to index
            %get3A_242 = tpu.vector_load %arg25[%get3A_241] {strides = array<i32>} : memref<2064xi32, #tpu.memory_space<vmem>>, vector<16xi32>,
            %slice3A_243 = vector.extract_strided_slice %get3A_242 {offsets = [0], sizes = [1], strides = [1]} : vector<16xi32> to vector<1xi32>
            %squeeze3A_244 = vector.extract %slice3A_243[0] : i32 from vector<1xi32>
            %mul3A_245 = arith.constant 2 : i32
            %mul3A_246 = arith.muli %mul3A_245, %while3A_237 : i32
            %add3A_247 = arith.constant 1 : i32
            %add3A_248 = arith.addi %mul3A_246, %add3A_247 : i32
            %get3A_249 = arith.index_cast %add3A_248 : i32 to index
            %get3A_250 = tpu.vector_load %arg25[%get3A_249] {strides = array<i32>} : memref<2064xi32, #tpu.memory_space<vmem>>, vector<16xi32>,
            %slice3A_251 = vector.extract_strided_slice %get3A_250 {offsets = [0], sizes = [1], strides = [1]} : vector<16xi32> to vector<1xi32>
            %squeeze3A_252 = vector.extract %slice3A_251[0] : i32 from vector<1xi32>
            %shift_right_arithmetic3A_253 = arith.constant 7 : i32
            %shift_right_arithmetic3A_254 = arith.shrsi %squeeze3A_244, %shift_right_arithmetic3A_253 : i32
            %and3A = arith.constant 127 : i32
            %and3A_255 = arith.andi %shift_right_arithmetic3A_254, %and3A : i32
            %mul3A_256 = arith.constant 64 : i32
            %mul3A_257 = arith.muli %and3A_255, %mul3A_256 : i32
            %get3A_258 = arith.index_cast %and3A_255 : i32 to index
            %get3A_259 = tpu.vector_load %arg22[%get3A_258] {strides = array<i32>} : memref<144xi32, #tpu.memory_space<vmem>>, vector<16xi32>,
            %slice3A_260 = vector.extract_strided_slice %get3A_259 {offsets = [0], sizes = [1], strides = [1]} : vector<16xi32> to vector<1xi32>
            %squeeze3A_261 = vector.extract %slice3A_260[0] : i32 from vector<1xi32>
            %mul3A_262 = arith.constant 2 : i32
            %mul3A_263 = arith.muli %mul3A_262, %squeeze3A_261 : i32
            %add3A_264 = arith.addi %mul3A_257, %mul3A_263 : i32
            %get3A_265 = arith.index_cast %add3A_264 : i32 to index
            %get3A_266 = tpu.vector_load %arg21[%get3A_265] {strides = array<i32>} : memref<8192xi32, #tpu.memory_space<vmem>>, vector<16xi32>,
            %broadcast_in_dim3A = vector.broadcast %squeeze3A_244 : i32 to vector<16xi32>
            %select_n3A = arith.select %eq3A_4, %broadcast_in_dim3A, %get3A_266 : vector<16xi1>, vector<16xi32>
            %swap3A = arith.index_cast %add3A_264 : i32 to index
            %swap3A_267 = tpu.vector_load %arg21[%swap3A] {strides = array<i32>} : memref<8192xi32, #tpu.memory_space<vmem>>, vector<16xi32>,
            tpu.vector_store %arg21[%swap3A], %select_n3A {strides = array<i32>} : memref<8192xi32, #tpu.memory_space<vmem>>, vector<16xi32>,
            %mul3A_268 = arith.constant 2 : i32
            %mul3A_269 = arith.muli %mul3A_268, %squeeze3A_261 : i32
            %add3A_270 = arith.addi %mul3A_257, %mul3A_269 : i32
            %add3A_271 = arith.constant 1 : i32
            %add3A_272 = arith.addi %add3A_270, %add3A_271 : i32
            %get3A_273 = arith.index_cast %add3A_272 : i32 to index
            %get3A_274 = tpu.vector_load %arg21[%get3A_273] {strides = array<i32>} : memref<8192xi32, #tpu.memory_space<vmem>>, vector<16xi32>,
            %broadcast_in_dim3A_275 = vector.broadcast %squeeze3A_252 : i32 to vector<16xi32>
            %select_n3A_276 = arith.select %eq3A_4, %broadcast_in_dim3A_275, %get3A_274 : vector<16xi1>, vector<16xi32>
            %swap3A_277 = arith.index_cast %add3A_272 : i32 to index
            %swap3A_278 = tpu.vector_load %arg21[%swap3A_277] {strides = array<i32>} : memref<8192xi32, #tpu.memory_space<vmem>>, vector<16xi32>,
            tpu.vector_store %arg21[%swap3A_277], %select_n3A_276 {strides = array<i32>} : memref<8192xi32, #tpu.memory_space<vmem>>, vector<16xi32>,
            %eq3A_279 = arith.constant 31 : i32
            %eq3A_280 = arith.cmpi eq, %squeeze3A_261, %eq3A_279 : i32
            %convert_element_type3A_281 = arith.extui %eq3A_280 : i1 to i32
            %cond3A_282 = arith.constant 0 : i32
            %cond3A_283 = arith.cmpi ne, %convert_element_type3A_281, %cond3A_282 : i32
            scf.if %cond3A_283 {
              %get3A_295 = arith.index_cast %and3A_255 : i32 to index
              %get3A_296 = tpu.vector_load %arg20[%get3A_295] {strides = array<i32>} : memref<144xi32, #tpu.memory_space<vmem>>, vector<16xi32>,
              %slice3A_297 = vector.extract_strided_slice %get3A_296 {offsets = [0], sizes = [1], strides = [1]} : vector<16xi32> to vector<1xi32>
              %squeeze3A_298 = vector.extract %slice3A_297[0] : i32 from vector<1xi32>
              %multiple_of3A_299 = tpu.assume_multiple %mul3A_257, 8 : i32
              %mul3A_300 = arith.constant 2 : i32
              %mul3A_301 = arith.muli %squeeze3A_298, %mul3A_300 : i32
              %multiple_of3A_302 = tpu.assume_multiple %mul3A_301, 8 : i32
              "tpu.region"() ({
                %run_scoped3A = tpu.sem_alloc : memref<!tpu.dma_semaphore, #tpu.memory_space<semaphore_mem>>
                %dma_start3A = tpu.memref_slice %arg21[%multiple_of3A_299] : memref<8192xi32, #tpu.memory_space<vmem>> -> memref<64xi32, #tpu.memory_space<vmem>>
                %dma_start3A_311 = tpu.memref_slice %arg27[%multiple_of3A_302] : memref<332288xi32, #tpu.memory_space<vmem_shared>> -> memref<64xi32, #tpu.memory_space<vmem_shared>>
                %dma_start3A_312 = tpu.memref_slice %arg27[%multiple_of3A_302] : memref<332288xi32, #tpu.memory_space<vmem_shared>> -> memref<64xi32, #tpu.memory_space<vmem_shared>>
                %dma_start3A_313 = tpu.memref_slice %arg21[%multiple_of3A_299] : memref<8192xi32, #tpu.memory_space<vmem>> -> memref<64xi32, #tpu.memory_space<vmem>>
                tpu.enqueue_dma source(%dma_start3A_313 : memref<64xi32, #tpu.memory_space<vmem>>) target(%dma_start3A_312 : memref<64xi32, #tpu.memory_space<vmem_shared>>) target_semaphore(%run_scoped3A : memref<!tpu.dma_semaphore, #tpu.memory_space<semaphore_mem>>)
                %dma_wait3A = tpu.memref_slice %arg21[%multiple_of3A_299] : memref<8192xi32, #tpu.memory_space<vmem>> -> memref<64xi32, #tpu.memory_space<vmem>>
                %dma_wait3A_314 = tpu.memref_slice %arg27[%multiple_of3A_302] : memref<332288xi32, #tpu.memory_space<vmem_shared>> -> memref<64xi32, #tpu.memory_space<vmem_shared>>
                %dma_wait3A_315 = tpu.memref_slice %arg27[%multiple_of3A_302] : memref<332288xi32, #tpu.memory_space<vmem_shared>> -> memref<64xi32, #tpu.memory_space<vmem_shared>>
                %dma_wait3A_316 = tpu.memref_slice %arg21[%multiple_of3A_299] : memref<8192xi32, #tpu.memory_space<vmem>> -> memref<64xi32, #tpu.memory_space<vmem>>
                tpu.wait_dma2 semaphore(%run_scoped3A : memref<!tpu.dma_semaphore, #tpu.memory_space<semaphore_mem>>) src(%dma_wait3A_316 : memref<64xi32, #tpu.memory_space<vmem>>) dst(%dma_wait3A_315 : memref<64xi32, #tpu.memory_space<vmem_shared>>)
                tpu.yield
              }) : () -> ()
              %add3A_303 = arith.constant 32 : i32
              %add3A_304 = arith.addi %squeeze3A_298, %add3A_303 : i32
              %get3A_305 = arith.index_cast %and3A_255 : i32 to index
              %get3A_306 = tpu.vector_load %arg20[%get3A_305] {strides = array<i32>} : memref<144xi32, #tpu.memory_space<vmem>>, vector<16xi32>,
              %broadcast_in_dim3A_307 = vector.broadcast %add3A_304 : i32 to vector<16xi32>
              %select_n3A_308 = arith.select %eq3A_4, %broadcast_in_dim3A_307, %get3A_306 : vector<16xi1>, vector<16xi32>
              %swap3A_309 = arith.index_cast %and3A_255 : i32 to index
              %swap3A_310 = tpu.vector_load %arg20[%swap3A_309] {strides = array<i32>} : memref<144xi32, #tpu.memory_space<vmem>>, vector<16xi32>,
              tpu.vector_store %arg20[%swap3A_309], %select_n3A_308 {strides = array<i32>} : memref<144xi32, #tpu.memory_space<vmem>>, vector<16xi32>,
            } else {
            }
            %add3A_284 = arith.constant 1 : i32
            %add3A_285 = arith.addi %squeeze3A_261, %add3A_284 : i32
            %and3A_286 = arith.constant 31 : i32
            %and3A_287 = arith.andi %add3A_285, %and3A_286 : i32
            %get3A_288 = arith.index_cast %and3A_255 : i32 to index
            %get3A_289 = tpu.vector_load %arg22[%get3A_288] {strides = array<i32>} : memref<144xi32, #tpu.memory_space<vmem>>, vector<16xi32>,
            %broadcast_in_dim3A_290 = vector.broadcast %and3A_287 : i32 to vector<16xi32>
            %select_n3A_291 = arith.select %eq3A_4, %broadcast_in_dim3A_290, %get3A_289 : vector<16xi1>, vector<16xi32>
            %swap3A_292 = arith.index_cast %and3A_255 : i32 to index
            %swap3A_293 = tpu.vector_load %arg22[%swap3A_292] {strides = array<i32>} : memref<144xi32, #tpu.memory_space<vmem>>, vector<16xi32>,
            tpu.vector_store %arg22[%swap3A_292], %select_n3A_291 {strides = array<i32>} : memref<144xi32, #tpu.memory_space<vmem>>, vector<16xi32>,
            %while3A_294 = arith.constant 0 : i32
            scf.yield %while3A_294 : i32
          }
          %while3A_234 = arith.constant 1 : i32
          %while3A_235 = scf.for %while3A_237 = %while3A_231 to %while3A_227 step %while3A_234 iter_args(%while3A_238 = %while3A_233) -> (i32)  : i32 {
            %mul3A_239 = arith.constant 2 : i32
            %mul3A_240 = arith.muli %mul3A_239, %while3A_237 : i32
            %get3A_241 = arith.index_cast %mul3A_240 : i32 to index
            %get3A_242 = tpu.vector_load %arg25[%get3A_241] {strides = array<i32>} : memref<2064xi32, #tpu.memory_space<vmem>>, vector<16xi32>,
            %slice3A_243 = vector.extract_strided_slice %get3A_242 {offsets = [0], sizes = [1], strides = [1]} : vector<16xi32> to vector<1xi32>
            %squeeze3A_244 = vector.extract %slice3A_243[0] : i32 from vector<1xi32>
            %mul3A_245 = arith.constant 2 : i32
            %mul3A_246 = arith.muli %mul3A_245, %while3A_237 : i32
            %add3A_247 = arith.constant 1 : i32
            %add3A_248 = arith.addi %mul3A_246, %add3A_247 : i32
            %get3A_249 = arith.index_cast %add3A_248 : i32 to index
            %get3A_250 = tpu.vector_load %arg25[%get3A_249] {strides = array<i32>} : memref<2064xi32, #tpu.memory_space<vmem>>, vector<16xi32>,
            %slice3A_251 = vector.extract_strided_slice %get3A_250 {offsets = [0], sizes = [1], strides = [1]} : vector<16xi32> to vector<1xi32>
            %squeeze3A_252 = vector.extract %slice3A_251[0] : i32 from vector<1xi32>
            %shift_right_arithmetic3A_253 = arith.constant 7 : i32
            %shift_right_arithmetic3A_254 = arith.shrsi %squeeze3A_244, %shift_right_arithmetic3A_253 : i32
            %and3A = arith.constant 127 : i32
            %and3A_255 = arith.andi %shift_right_arithmetic3A_254, %and3A : i32
            %mul3A_256 = arith.constant 64 : i32
            %mul3A_257 = arith.muli %and3A_255, %mul3A_256 : i32
            %get3A_258 = arith.index_cast %and3A_255 : i32 to index
            %get3A_259 = tpu.vector_load %arg22[%get3A_258] {strides = array<i32>} : memref<144xi32, #tpu.memory_space<vmem>>, vector<16xi32>,
            %slice3A_260 = vector.extract_strided_slice %get3A_259 {offsets = [0], sizes = [1], strides = [1]} : vector<16xi32> to vector<1xi32>
            %squeeze3A_261 = vector.extract %slice3A_260[0] : i32 from vector<1xi32>
            %mul3A_262 = arith.constant 2 : i32
            %mul3A_263 = arith.muli %mul3A_262, %squeeze3A_261 : i32
            %add3A_264 = arith.addi %mul3A_257, %mul3A_263 : i32
            %get3A_265 = arith.index_cast %add3A_264 : i32 to index
            %get3A_266 = tpu.vector_load %arg21[%get3A_265] {strides = array<i32>} : memref<8192xi32, #tpu.memory_space<vmem>>, vector<16xi32>,
            %broadcast_in_dim3A = vector.broadcast %squeeze3A_244 : i32 to vector<16xi32>
            %select_n3A = arith.select %eq3A_4, %broadcast_in_dim3A, %get3A_266 : vector<16xi1>, vector<16xi32>
            %swap3A = arith.index_cast %add3A_264 : i32 to index
            %swap3A_267 = tpu.vector_load %arg21[%swap3A] {strides = array<i32>} : memref<8192xi32, #tpu.memory_space<vmem>>, vector<16xi32>,
            tpu.vector_store %arg21[%swap3A], %select_n3A {strides = array<i32>} : memref<8192xi32, #tpu.memory_space<vmem>>, vector<16xi32>,
            %mul3A_268 = arith.constant 2 : i32
            %mul3A_269 = arith.muli %mul3A_268, %squeeze3A_261 : i32
            %add3A_270 = arith.addi %mul3A_257, %mul3A_269 : i32
            %add3A_271 = arith.constant 1 : i32
            %add3A_272 = arith.addi %add3A_270, %add3A_271 : i32
            %get3A_273 = arith.index_cast %add3A_272 : i32 to index
            %get3A_274 = tpu.vector_load %arg21[%get3A_273] {strides = array<i32>} : memref<8192xi32, #tpu.memory_space<vmem>>, vector<16xi32>,
            %broadcast_in_dim3A_275 = vector.broadcast %squeeze3A_252 : i32 to vector<16xi32>
            %select_n3A_276 = arith.select %eq3A_4, %broadcast_in_dim3A_275, %get3A_274 : vector<16xi1>, vector<16xi32>
            %swap3A_277 = arith.index_cast %add3A_272 : i32 to index
            %swap3A_278 = tpu.vector_load %arg21[%swap3A_277] {strides = array<i32>} : memref<8192xi32, #tpu.memory_space<vmem>>, vector<16xi32>,
            tpu.vector_store %arg21[%swap3A_277], %select_n3A_276 {strides = array<i32>} : memref<8192xi32, #tpu.memory_space<vmem>>, vector<16xi32>,
            %eq3A_279 = arith.constant 31 : i32
            %eq3A_280 = arith.cmpi eq, %squeeze3A_261, %eq3A_279 : i32
            %convert_element_type3A_281 = arith.extui %eq3A_280 : i1 to i32
            %cond3A_282 = arith.constant 0 : i32
            %cond3A_283 = arith.cmpi ne, %convert_element_type3A_281, %cond3A_282 : i32
            scf.if %cond3A_283 {
              %get3A_295 = arith.index_cast %and3A_255 : i32 to index
              %get3A_296 = tpu.vector_load %arg20[%get3A_295] {strides = array<i32>} : memref<144xi32, #tpu.memory_space<vmem>>, vector<16xi32>,
              %slice3A_297 = vector.extract_strided_slice %get3A_296 {offsets = [0], sizes = [1], strides = [1]} : vector<16xi32> to vector<1xi32>
              %squeeze3A_298 = vector.extract %slice3A_297[0] : i32 from vector<1xi32>
              %multiple_of3A_299 = tpu.assume_multiple %mul3A_257, 8 : i32
              %mul3A_300 = arith.constant 2 : i32
              %mul3A_301 = arith.muli %squeeze3A_298, %mul3A_300 : i32
              %multiple_of3A_302 = tpu.assume_multiple %mul3A_301, 8 : i32
              "tpu.region"() ({
                %run_scoped3A = tpu.sem_alloc : memref<!tpu.dma_semaphore, #tpu.memory_space<semaphore_mem>>
                %dma_start3A = tpu.memref_slice %arg21[%multiple_of3A_299] : memref<8192xi32, #tpu.memory_space<vmem>> -> memref<64xi32, #tpu.memory_space<vmem>>
                %dma_start3A_311 = tpu.memref_slice %arg27[%multiple_of3A_302] : memref<332288xi32, #tpu.memory_space<vmem_shared>> -> memref<64xi32, #tpu.memory_space<vmem_shared>>
                %dma_start3A_312 = tpu.memref_slice %arg27[%multiple_of3A_302] : memref<332288xi32, #tpu.memory_space<vmem_shared>> -> memref<64xi32, #tpu.memory_space<vmem_shared>>
                %dma_start3A_313 = tpu.memref_slice %arg21[%multiple_of3A_299] : memref<8192xi32, #tpu.memory_space<vmem>> -> memref<64xi32, #tpu.memory_space<vmem>>
                tpu.enqueue_dma source(%dma_start3A_313 : memref<64xi32, #tpu.memory_space<vmem>>) target(%dma_start3A_312 : memref<64xi32, #tpu.memory_space<vmem_shared>>) target_semaphore(%run_scoped3A : memref<!tpu.dma_semaphore, #tpu.memory_space<semaphore_mem>>)
                %dma_wait3A = tpu.memref_slice %arg21[%multiple_of3A_299] : memref<8192xi32, #tpu.memory_space<vmem>> -> memref<64xi32, #tpu.memory_space<vmem>>
                %dma_wait3A_314 = tpu.memref_slice %arg27[%multiple_of3A_302] : memref<332288xi32, #tpu.memory_space<vmem_shared>> -> memref<64xi32, #tpu.memory_space<vmem_shared>>
                %dma_wait3A_315 = tpu.memref_slice %arg27[%multiple_of3A_302] : memref<332288xi32, #tpu.memory_space<vmem_shared>> -> memref<64xi32, #tpu.memory_space<vmem_shared>>
                %dma_wait3A_316 = tpu.memref_slice %arg21[%multiple_of3A_299] : memref<8192xi32, #tpu.memory_space<vmem>> -> memref<64xi32, #tpu.memory_space<vmem>>
                tpu.wait_dma2 semaphore(%run_scoped3A : memref<!tpu.dma_semaphore, #tpu.memory_space<semaphore_mem>>) src(%dma_wait3A_316 : memref<64xi32, #tpu.memory_space<vmem>>) dst(%dma_wait3A_315 : memref<64xi32, #tpu.memory_space<vmem_shared>>)
                tpu.yield
              }) : () -> ()
              %add3A_303 = arith.constant 32 : i32
              %add3A_304 = arith.addi %squeeze3A_298, %add3A_303 : i32
              %get3A_305 = arith.index_cast %and3A_255 : i32 to index
              %get3A_306 = tpu.vector_load %arg20[%get3A_305] {strides = array<i32>} : memref<144xi32, #tpu.memory_space<vmem>>, vector<16xi32>,
              %broadcast_in_dim3A_307 = vector.broadcast %add3A_304 : i32 to vector<16xi32>
              %select_n3A_308 = arith.select %eq3A_4, %broadcast_in_dim3A_307, %get3A_306 : vector<16xi1>, vector<16xi32>
              %swap3A_309 = arith.index_cast %and3A_255 : i32 to index
              %swap3A_310 = tpu.vector_load %arg20[%swap3A_309] {strides = array<i32>} : memref<144xi32, #tpu.memory_space<vmem>>, vector<16xi32>,
              tpu.vector_store %arg20[%swap3A_309], %select_n3A_308 {strides = array<i32>} : memref<144xi32, #tpu.memory_space<vmem>>, vector<16xi32>,
            } else {
            }
            %add3A_284 = arith.constant 1 : i32
            %add3A_285 = arith.addi %squeeze3A_261, %add3A_284 : i32
            %and3A_286 = arith.constant 31 : i32
            %and3A_287 = arith.andi %add3A_285, %and3A_286 : i32
            %get3A_288 = arith.index_cast %and3A_255 : i32 to index
            %get3A_289 = tpu.vector_load %arg22[%get3A_288] {strides = array<i32>} : memref<144xi32, #tpu.memory_space<vmem>>, vector<16xi32>,
            %broadcast_in_dim3A_290 = vector.broadcast %and3A_287 : i32 to vector<16xi32>
            %select_n3A_291 = arith.select %eq3A_4, %broadcast_in_dim3A_290, %get3A_289 : vector<16xi1>, vector<16xi32>
            %swap3A_292 = arith.index_cast %and3A_255 : i32 to index
            %swap3A_293 = tpu.vector_load %arg22[%swap3A_292] {strides = array<i32>} : memref<144xi32, #tpu.memory_space<vmem>>, vector<16xi32>,
            tpu.vector_store %arg22[%swap3A_292], %select_n3A_291 {strides = array<i32>} : memref<144xi32, #tpu.memory_space<vmem>>, vector<16xi32>,
            %while3A_294 = arith.constant 0 : i32
            scf.yield %while3A_294 : i32
          }
          %while3A_236 = arith.constant 0 : i32
          scf.yield %while3A_236 : i32
        }
        %while3A_211 = arith.constant 1 : i32
        %while3A_212 = scf.for %while3A_214 = %while3A_208 to %while3A_204 step %while3A_211 iter_args(%while3A_215 = %while3A_210) -> (i32)  : i32 {
          %mul3A_216 = arith.constant 2048 : i32
          %mul3A_217 = arith.muli %while3A_214, %mul3A_216 : i32
          %add3A_218 = arith.addi %mul3A_198, %mul3A_217 : i32
          %multiple_of3A_219 = tpu.assume_multiple %add3A_218, 8 : i32
          "tpu.region"() ({
            %run_scoped3A = tpu.sem_alloc : memref<!tpu.dma_semaphore, #tpu.memory_space<semaphore_mem>>
            %dma_start3A = arith.constant 0 : i32
            %dma_start3A_237 = tpu.memref_slice %arg25[%dma_start3A] : memref<2064xi32, #tpu.memory_space<vmem>> -> memref<2048xi32, #tpu.memory_space<vmem>>
            %dma_start3A_238 = tpu.memref_slice %arg26[%multiple_of3A_219] : memref<332288xi32, #tpu.memory_space<vmem_shared>> -> memref<2048xi32, #tpu.memory_space<vmem_shared>>
            %dma_start3A_239 = arith.constant 0 : i32
            %dma_start3A_240 = tpu.memref_slice %arg25[%dma_start3A_239] : memref<2064xi32, #tpu.memory_space<vmem>> -> memref<2048xi32, #tpu.memory_space<vmem>>
            %dma_start3A_241 = tpu.memref_slice %arg26[%multiple_of3A_219] : memref<332288xi32, #tpu.memory_space<vmem_shared>> -> memref<2048xi32, #tpu.memory_space<vmem_shared>>
            tpu.enqueue_dma source(%dma_start3A_241 : memref<2048xi32, #tpu.memory_space<vmem_shared>>) target(%dma_start3A_240 : memref<2048xi32, #tpu.memory_space<vmem>>) target_semaphore(%run_scoped3A : memref<!tpu.dma_semaphore, #tpu.memory_space<semaphore_mem>>)
            %dma_wait3A = arith.constant 0 : i32
            %dma_wait3A_242 = tpu.memref_slice %arg25[%dma_wait3A] : memref<2064xi32, #tpu.memory_space<vmem>> -> memref<2048xi32, #tpu.memory_space<vmem>>
            %dma_wait3A_243 = tpu.memref_slice %arg26[%multiple_of3A_219] : memref<332288xi32, #tpu.memory_space<vmem_shared>> -> memref<2048xi32, #tpu.memory_space<vmem_shared>>
            %dma_wait3A_244 = arith.constant 0 : i32
            %dma_wait3A_245 = tpu.memref_slice %arg25[%dma_wait3A_244] : memref<2064xi32, #tpu.memory_space<vmem>> -> memref<2048xi32, #tpu.memory_space<vmem>>
            %dma_wait3A_246 = tpu.memref_slice %arg26[%multiple_of3A_219] : memref<332288xi32, #tpu.memory_space<vmem_shared>> -> memref<2048xi32, #tpu.memory_space<vmem_shared>>
            tpu.wait_dma2 semaphore(%run_scoped3A : memref<!tpu.dma_semaphore, #tpu.memory_space<semaphore_mem>>) src(%dma_wait3A_246 : memref<2048xi32, #tpu.memory_space<vmem_shared>>) dst(%dma_wait3A_245 : memref<2048xi32, #tpu.memory_space<vmem>>)
            tpu.yield
          }) : () -> ()
          %mul3A_220 = arith.constant 1024 : i32
          %mul3A_221 = arith.muli %while3A_214, %mul3A_220 : i32
          %sub3A_222 = arith.subi %squeeze3A, %mul3A_221 : i32
          %min3A = arith.constant 1024 : i32
          %min3A_223 = arith.minsi %sub3A_222, %min3A : i32
          %while3A_224 = arith.constant 0 : i32
          %while3A_225 = arith.constant 0 : i32
          %while3A_226 = arith.subi %min3A_223, %while3A_224 : i32
          %while3A_227 = arith.addi %while3A_224, %while3A_226 : i32
          %while3A_228 = arith.constant 1 : i32
          %while3A_229 = arith.divsi %while3A_226, %while3A_228 : i32
          %while3A_230 = arith.muli %while3A_229, %while3A_228 : i32
          %while3A_231 = arith.addi %while3A_224, %while3A_230 : i32
          %while3A_232 = arith.constant 1 : i32
          %while3A_233 = scf.for %while3A_237 = %while3A_224 to %while3A_231 step %while3A_232 iter_args(%while3A_238 = %while3A_225) -> (i32)  : i32 {
            %mul3A_239 = arith.constant 2 : i32
            %mul3A_240 = arith.muli %mul3A_239, %while3A_237 : i32
            %get3A_241 = arith.index_cast %mul3A_240 : i32 to index
            %get3A_242 = tpu.vector_load %arg25[%get3A_241] {strides = array<i32>} : memref<2064xi32, #tpu.memory_space<vmem>>, vector<16xi32>,
            %slice3A_243 = vector.extract_strided_slice %get3A_242 {offsets = [0], sizes = [1], strides = [1]} : vector<16xi32> to vector<1xi32>
            %squeeze3A_244 = vector.extract %slice3A_243[0] : i32 from vector<1xi32>
            %mul3A_245 = arith.constant 2 : i32
            %mul3A_246 = arith.muli %mul3A_245, %while3A_237 : i32
            %add3A_247 = arith.constant 1 : i32
            %add3A_248 = arith.addi %mul3A_246, %add3A_247 : i32
            %get3A_249 = arith.index_cast %add3A_248 : i32 to index
            %get3A_250 = tpu.vector_load %arg25[%get3A_249] {strides = array<i32>} : memref<2064xi32, #tpu.memory_space<vmem>>, vector<16xi32>,
            %slice3A_251 = vector.extract_strided_slice %get3A_250 {offsets = [0], sizes = [1], strides = [1]} : vector<16xi32> to vector<1xi32>
            %squeeze3A_252 = vector.extract %slice3A_251[0] : i32 from vector<1xi32>
            %shift_right_arithmetic3A_253 = arith.constant 7 : i32
            %shift_right_arithmetic3A_254 = arith.shrsi %squeeze3A_244, %shift_right_arithmetic3A_253 : i32
            %and3A = arith.constant 127 : i32
            %and3A_255 = arith.andi %shift_right_arithmetic3A_254, %and3A : i32
            %mul3A_256 = arith.constant 64 : i32
            %mul3A_257 = arith.muli %and3A_255, %mul3A_256 : i32
            %get3A_258 = arith.index_cast %and3A_255 : i32 to index
            %get3A_259 = tpu.vector_load %arg22[%get3A_258] {strides = array<i32>} : memref<144xi32, #tpu.memory_space<vmem>>, vector<16xi32>,
            %slice3A_260 = vector.extract_strided_slice %get3A_259 {offsets = [0], sizes = [1], strides = [1]} : vector<16xi32> to vector<1xi32>
            %squeeze3A_261 = vector.extract %slice3A_260[0] : i32 from vector<1xi32>
            %mul3A_262 = arith.constant 2 : i32
            %mul3A_263 = arith.muli %mul3A_262, %squeeze3A_261 : i32
            %add3A_264 = arith.addi %mul3A_257, %mul3A_263 : i32
            %get3A_265 = arith.index_cast %add3A_264 : i32 to index
            %get3A_266 = tpu.vector_load %arg21[%get3A_265] {strides = array<i32>} : memref<8192xi32, #tpu.memory_space<vmem>>, vector<16xi32>,
            %broadcast_in_dim3A = vector.broadcast %squeeze3A_244 : i32 to vector<16xi32>
            %select_n3A = arith.select %eq3A_4, %broadcast_in_dim3A, %get3A_266 : vector<16xi1>, vector<16xi32>
            %swap3A = arith.index_cast %add3A_264 : i32 to index
            %swap3A_267 = tpu.vector_load %arg21[%swap3A] {strides = array<i32>} : memref<8192xi32, #tpu.memory_space<vmem>>, vector<16xi32>,
            tpu.vector_store %arg21[%swap3A], %select_n3A {strides = array<i32>} : memref<8192xi32, #tpu.memory_space<vmem>>, vector<16xi32>,
            %mul3A_268 = arith.constant 2 : i32
            %mul3A_269 = arith.muli %mul3A_268, %squeeze3A_261 : i32
            %add3A_270 = arith.addi %mul3A_257, %mul3A_269 : i32
            %add3A_271 = arith.constant 1 : i32
            %add3A_272 = arith.addi %add3A_270, %add3A_271 : i32
            %get3A_273 = arith.index_cast %add3A_272 : i32 to index
            %get3A_274 = tpu.vector_load %arg21[%get3A_273] {strides = array<i32>} : memref<8192xi32, #tpu.memory_space<vmem>>, vector<16xi32>,
            %broadcast_in_dim3A_275 = vector.broadcast %squeeze3A_252 : i32 to vector<16xi32>
            %select_n3A_276 = arith.select %eq3A_4, %broadcast_in_dim3A_275, %get3A_274 : vector<16xi1>, vector<16xi32>
            %swap3A_277 = arith.index_cast %add3A_272 : i32 to index
            %swap3A_278 = tpu.vector_load %arg21[%swap3A_277] {strides = array<i32>} : memref<8192xi32, #tpu.memory_space<vmem>>, vector<16xi32>,
            tpu.vector_store %arg21[%swap3A_277], %select_n3A_276 {strides = array<i32>} : memref<8192xi32, #tpu.memory_space<vmem>>, vector<16xi32>,
            %eq3A_279 = arith.constant 31 : i32
            %eq3A_280 = arith.cmpi eq, %squeeze3A_261, %eq3A_279 : i32
            %convert_element_type3A_281 = arith.extui %eq3A_280 : i1 to i32
            %cond3A_282 = arith.constant 0 : i32
            %cond3A_283 = arith.cmpi ne, %convert_element_type3A_281, %cond3A_282 : i32
            scf.if %cond3A_283 {
              %get3A_295 = arith.index_cast %and3A_255 : i32 to index
              %get3A_296 = tpu.vector_load %arg20[%get3A_295] {strides = array<i32>} : memref<144xi32, #tpu.memory_space<vmem>>, vector<16xi32>,
              %slice3A_297 = vector.extract_strided_slice %get3A_296 {offsets = [0], sizes = [1], strides = [1]} : vector<16xi32> to vector<1xi32>
              %squeeze3A_298 = vector.extract %slice3A_297[0] : i32 from vector<1xi32>
              %multiple_of3A_299 = tpu.assume_multiple %mul3A_257, 8 : i32
              %mul3A_300 = arith.constant 2 : i32
              %mul3A_301 = arith.muli %squeeze3A_298, %mul3A_300 : i32
              %multiple_of3A_302 = tpu.assume_multiple %mul3A_301, 8 : i32
              "tpu.region"() ({
                %run_scoped3A = tpu.sem_alloc : memref<!tpu.dma_semaphore, #tpu.memory_space<semaphore_mem>>
                %dma_start3A = tpu.memref_slice %arg21[%multiple_of3A_299] : memref<8192xi32, #tpu.memory_space<vmem>> -> memref<64xi32, #tpu.memory_space<vmem>>
                %dma_start3A_311 = tpu.memref_slice %arg27[%multiple_of3A_302] : memref<332288xi32, #tpu.memory_space<vmem_shared>> -> memref<64xi32, #tpu.memory_space<vmem_shared>>
                %dma_start3A_312 = tpu.memref_slice %arg27[%multiple_of3A_302] : memref<332288xi32, #tpu.memory_space<vmem_shared>> -> memref<64xi32, #tpu.memory_space<vmem_shared>>
                %dma_start3A_313 = tpu.memref_slice %arg21[%multiple_of3A_299] : memref<8192xi32, #tpu.memory_space<vmem>> -> memref<64xi32, #tpu.memory_space<vmem>>
                tpu.enqueue_dma source(%dma_start3A_313 : memref<64xi32, #tpu.memory_space<vmem>>) target(%dma_start3A_312 : memref<64xi32, #tpu.memory_space<vmem_shared>>) target_semaphore(%run_scoped3A : memref<!tpu.dma_semaphore, #tpu.memory_space<semaphore_mem>>)
                %dma_wait3A = tpu.memref_slice %arg21[%multiple_of3A_299] : memref<8192xi32, #tpu.memory_space<vmem>> -> memref<64xi32, #tpu.memory_space<vmem>>
                %dma_wait3A_314 = tpu.memref_slice %arg27[%multiple_of3A_302] : memref<332288xi32, #tpu.memory_space<vmem_shared>> -> memref<64xi32, #tpu.memory_space<vmem_shared>>
                %dma_wait3A_315 = tpu.memref_slice %arg27[%multiple_of3A_302] : memref<332288xi32, #tpu.memory_space<vmem_shared>> -> memref<64xi32, #tpu.memory_space<vmem_shared>>
                %dma_wait3A_316 = tpu.memref_slice %arg21[%multiple_of3A_299] : memref<8192xi32, #tpu.memory_space<vmem>> -> memref<64xi32, #tpu.memory_space<vmem>>
                tpu.wait_dma2 semaphore(%run_scoped3A : memref<!tpu.dma_semaphore, #tpu.memory_space<semaphore_mem>>) src(%dma_wait3A_316 : memref<64xi32, #tpu.memory_space<vmem>>) dst(%dma_wait3A_315 : memref<64xi32, #tpu.memory_space<vmem_shared>>)
                tpu.yield
              }) : () -> ()
              %add3A_303 = arith.constant 32 : i32
              %add3A_304 = arith.addi %squeeze3A_298, %add3A_303 : i32
              %get3A_305 = arith.index_cast %and3A_255 : i32 to index
              %get3A_306 = tpu.vector_load %arg20[%get3A_305] {strides = array<i32>} : memref<144xi32, #tpu.memory_space<vmem>>, vector<16xi32>,
              %broadcast_in_dim3A_307 = vector.broadcast %add3A_304 : i32 to vector<16xi32>
              %select_n3A_308 = arith.select %eq3A_4, %broadcast_in_dim3A_307, %get3A_306 : vector<16xi1>, vector<16xi32>
              %swap3A_309 = arith.index_cast %and3A_255 : i32 to index
              %swap3A_310 = tpu.vector_load %arg20[%swap3A_309] {strides = array<i32>} : memref<144xi32, #tpu.memory_space<vmem>>, vector<16xi32>,
              tpu.vector_store %arg20[%swap3A_309], %select_n3A_308 {strides = array<i32>} : memref<144xi32, #tpu.memory_space<vmem>>, vector<16xi32>,
            } else {
            }
            %add3A_284 = arith.constant 1 : i32
            %add3A_285 = arith.addi %squeeze3A_261, %add3A_284 : i32
            %and3A_286 = arith.constant 31 : i32
            %and3A_287 = arith.andi %add3A_285, %and3A_286 : i32
            %get3A_288 = arith.index_cast %and3A_255 : i32 to index
            %get3A_289 = tpu.vector_load %arg22[%get3A_288] {strides = array<i32>} : memref<144xi32, #tpu.memory_space<vmem>>, vector<16xi32>,
            %broadcast_in_dim3A_290 = vector.broadcast %and3A_287 : i32 to vector<16xi32>
            %select_n3A_291 = arith.select %eq3A_4, %broadcast_in_dim3A_290, %get3A_289 : vector<16xi1>, vector<16xi32>
            %swap3A_292 = arith.index_cast %and3A_255 : i32 to index
            %swap3A_293 = tpu.vector_load %arg22[%swap3A_292] {strides = array<i32>} : memref<144xi32, #tpu.memory_space<vmem>>, vector<16xi32>,
            tpu.vector_store %arg22[%swap3A_292], %select_n3A_291 {strides = array<i32>} : memref<144xi32, #tpu.memory_space<vmem>>, vector<16xi32>,
            %while3A_294 = arith.constant 0 : i32
            scf.yield %while3A_294 : i32
          }
          %while3A_234 = arith.constant 1 : i32
          %while3A_235 = scf.for %while3A_237 = %while3A_231 to %while3A_227 step %while3A_234 iter_args(%while3A_238 = %while3A_233) -> (i32)  : i32 {
            %mul3A_239 = arith.constant 2 : i32
            %mul3A_240 = arith.muli %mul3A_239, %while3A_237 : i32
            %get3A_241 = arith.index_cast %mul3A_240 : i32 to index
            %get3A_242 = tpu.vector_load %arg25[%get3A_241] {strides = array<i32>} : memref<2064xi32, #tpu.memory_space<vmem>>, vector<16xi32>,
            %slice3A_243 = vector.extract_strided_slice %get3A_242 {offsets = [0], sizes = [1], strides = [1]} : vector<16xi32> to vector<1xi32>
            %squeeze3A_244 = vector.extract %slice3A_243[0] : i32 from vector<1xi32>
            %mul3A_245 = arith.constant 2 : i32
            %mul3A_246 = arith.muli %mul3A_245, %while3A_237 : i32
            %add3A_247 = arith.constant 1 : i32
            %add3A_248 = arith.addi %mul3A_246, %add3A_247 : i32
            %get3A_249 = arith.index_cast %add3A_248 : i32 to index
            %get3A_250 = tpu.vector_load %arg25[%get3A_249] {strides = array<i32>} : memref<2064xi32, #tpu.memory_space<vmem>>, vector<16xi32>,
            %slice3A_251 = vector.extract_strided_slice %get3A_250 {offsets = [0], sizes = [1], strides = [1]} : vector<16xi32> to vector<1xi32>
            %squeeze3A_252 = vector.extract %slice3A_251[0] : i32 from vector<1xi32>
            %shift_right_arithmetic3A_253 = arith.constant 7 : i32
            %shift_right_arithmetic3A_254 = arith.shrsi %squeeze3A_244, %shift_right_arithmetic3A_253 : i32
            %and3A = arith.constant 127 : i32
            %and3A_255 = arith.andi %shift_right_arithmetic3A_254, %and3A : i32
            %mul3A_256 = arith.constant 64 : i32
            %mul3A_257 = arith.muli %and3A_255, %mul3A_256 : i32
            %get3A_258 = arith.index_cast %and3A_255 : i32 to index
            %get3A_259 = tpu.vector_load %arg22[%get3A_258] {strides = array<i32>} : memref<144xi32, #tpu.memory_space<vmem>>, vector<16xi32>,
            %slice3A_260 = vector.extract_strided_slice %get3A_259 {offsets = [0], sizes = [1], strides = [1]} : vector<16xi32> to vector<1xi32>
            %squeeze3A_261 = vector.extract %slice3A_260[0] : i32 from vector<1xi32>
            %mul3A_262 = arith.constant 2 : i32
            %mul3A_263 = arith.muli %mul3A_262, %squeeze3A_261 : i32
            %add3A_264 = arith.addi %mul3A_257, %mul3A_263 : i32
            %get3A_265 = arith.index_cast %add3A_264 : i32 to index
            %get3A_266 = tpu.vector_load %arg21[%get3A_265] {strides = array<i32>} : memref<8192xi32, #tpu.memory_space<vmem>>, vector<16xi32>,
            %broadcast_in_dim3A = vector.broadcast %squeeze3A_244 : i32 to vector<16xi32>
            %select_n3A = arith.select %eq3A_4, %broadcast_in_dim3A, %get3A_266 : vector<16xi1>, vector<16xi32>
            %swap3A = arith.index_cast %add3A_264 : i32 to index
            %swap3A_267 = tpu.vector_load %arg21[%swap3A] {strides = array<i32>} : memref<8192xi32, #tpu.memory_space<vmem>>, vector<16xi32>,
            tpu.vector_store %arg21[%swap3A], %select_n3A {strides = array<i32>} : memref<8192xi32, #tpu.memory_space<vmem>>, vector<16xi32>,
            %mul3A_268 = arith.constant 2 : i32
            %mul3A_269 = arith.muli %mul3A_268, %squeeze3A_261 : i32
            %add3A_270 = arith.addi %mul3A_257, %mul3A_269 : i32
            %add3A_271 = arith.constant 1 : i32
            %add3A_272 = arith.addi %add3A_270, %add3A_271 : i32
            %get3A_273 = arith.index_cast %add3A_272 : i32 to index
            %get3A_274 = tpu.vector_load %arg21[%get3A_273] {strides = array<i32>} : memref<8192xi32, #tpu.memory_space<vmem>>, vector<16xi32>,
            %broadcast_in_dim3A_275 = vector.broadcast %squeeze3A_252 : i32 to vector<16xi32>
            %select_n3A_276 = arith.select %eq3A_4, %broadcast_in_dim3A_275, %get3A_274 : vector<16xi1>, vector<16xi32>
            %swap3A_277 = arith.index_cast %add3A_272 : i32 to index
            %swap3A_278 = tpu.vector_load %arg21[%swap3A_277] {strides = array<i32>} : memref<8192xi32, #tpu.memory_space<vmem>>, vector<16xi32>,
            tpu.vector_store %arg21[%swap3A_277], %select_n3A_276 {strides = array<i32>} : memref<8192xi32, #tpu.memory_space<vmem>>, vector<16xi32>,
            %eq3A_279 = arith.constant 31 : i32
            %eq3A_280 = arith.cmpi eq, %squeeze3A_261, %eq3A_279 : i32
            %convert_element_type3A_281 = arith.extui %eq3A_280 : i1 to i32
            %cond3A_282 = arith.constant 0 : i32
            %cond3A_283 = arith.cmpi ne, %convert_element_type3A_281, %cond3A_282 : i32
            scf.if %cond3A_283 {
              %get3A_295 = arith.index_cast %and3A_255 : i32 to index
              %get3A_296 = tpu.vector_load %arg20[%get3A_295] {strides = array<i32>} : memref<144xi32, #tpu.memory_space<vmem>>, vector<16xi32>,
              %slice3A_297 = vector.extract_strided_slice %get3A_296 {offsets = [0], sizes = [1], strides = [1]} : vector<16xi32> to vector<1xi32>
              %squeeze3A_298 = vector.extract %slice3A_297[0] : i32 from vector<1xi32>
              %multiple_of3A_299 = tpu.assume_multiple %mul3A_257, 8 : i32
              %mul3A_300 = arith.constant 2 : i32
              %mul3A_301 = arith.muli %squeeze3A_298, %mul3A_300 : i32
              %multiple_of3A_302 = tpu.assume_multiple %mul3A_301, 8 : i32
              "tpu.region"() ({
                %run_scoped3A = tpu.sem_alloc : memref<!tpu.dma_semaphore, #tpu.memory_space<semaphore_mem>>
                %dma_start3A = tpu.memref_slice %arg21[%multiple_of3A_299] : memref<8192xi32, #tpu.memory_space<vmem>> -> memref<64xi32, #tpu.memory_space<vmem>>
                %dma_start3A_311 = tpu.memref_slice %arg27[%multiple_of3A_302] : memref<332288xi32, #tpu.memory_space<vmem_shared>> -> memref<64xi32, #tpu.memory_space<vmem_shared>>
                %dma_start3A_312 = tpu.memref_slice %arg27[%multiple_of3A_302] : memref<332288xi32, #tpu.memory_space<vmem_shared>> -> memref<64xi32, #tpu.memory_space<vmem_shared>>
                %dma_start3A_313 = tpu.memref_slice %arg21[%multiple_of3A_299] : memref<8192xi32, #tpu.memory_space<vmem>> -> memref<64xi32, #tpu.memory_space<vmem>>
                tpu.enqueue_dma source(%dma_start3A_313 : memref<64xi32, #tpu.memory_space<vmem>>) target(%dma_start3A_312 : memref<64xi32, #tpu.memory_space<vmem_shared>>) target_semaphore(%run_scoped3A : memref<!tpu.dma_semaphore, #tpu.memory_space<semaphore_mem>>)
                %dma_wait3A = tpu.memref_slice %arg21[%multiple_of3A_299] : memref<8192xi32, #tpu.memory_space<vmem>> -> memref<64xi32, #tpu.memory_space<vmem>>
                %dma_wait3A_314 = tpu.memref_slice %arg27[%multiple_of3A_302] : memref<332288xi32, #tpu.memory_space<vmem_shared>> -> memref<64xi32, #tpu.memory_space<vmem_shared>>
                %dma_wait3A_315 = tpu.memref_slice %arg27[%multiple_of3A_302] : memref<332288xi32, #tpu.memory_space<vmem_shared>> -> memref<64xi32, #tpu.memory_space<vmem_shared>>
                %dma_wait3A_316 = tpu.memref_slice %arg21[%multiple_of3A_299] : memref<8192xi32, #tpu.memory_space<vmem>> -> memref<64xi32, #tpu.memory_space<vmem>>
                tpu.wait_dma2 semaphore(%run_scoped3A : memref<!tpu.dma_semaphore, #tpu.memory_space<semaphore_mem>>) src(%dma_wait3A_316 : memref<64xi32, #tpu.memory_space<vmem>>) dst(%dma_wait3A_315 : memref<64xi32, #tpu.memory_space<vmem_shared>>)
                tpu.yield
              }) : () -> ()
              %add3A_303 = arith.constant 32 : i32
              %add3A_304 = arith.addi %squeeze3A_298, %add3A_303 : i32
              %get3A_305 = arith.index_cast %and3A_255 : i32 to index
              %get3A_306 = tpu.vector_load %arg20[%get3A_305] {strides = array<i32>} : memref<144xi32, #tpu.memory_space<vmem>>, vector<16xi32>,
              %broadcast_in_dim3A_307 = vector.broadcast %add3A_304 : i32 to vector<16xi32>
              %select_n3A_308 = arith.select %eq3A_4, %broadcast_in_dim3A_307, %get3A_306 : vector<16xi1>, vector<16xi32>
              %swap3A_309 = arith.index_cast %and3A_255 : i32 to index
              %swap3A_310 = tpu.vector_load %arg20[%swap3A_309] {strides = array<i32>} : memref<144xi32, #tpu.memory_space<vmem>>, vector<16xi32>,
              tpu.vector_store %arg20[%swap3A_309], %select_n3A_308 {strides = array<i32>} : memref<144xi32, #tpu.memory_space<vmem>>, vector<16xi32>,
            } else {
            }
            %add3A_284 = arith.constant 1 : i32
            %add3A_285 = arith.addi %squeeze3A_261, %add3A_284 : i32
            %and3A_286 = arith.constant 31 : i32
            %and3A_287 = arith.andi %add3A_285, %and3A_286 : i32
            %get3A_288 = arith.index_cast %and3A_255 : i32 to index
            %get3A_289 = tpu.vector_load %arg22[%get3A_288] {strides = array<i32>} : memref<144xi32, #tpu.memory_space<vmem>>, vector<16xi32>,
            %broadcast_in_dim3A_290 = vector.broadcast %and3A_287 : i32 to vector<16xi32>
            %select_n3A_291 = arith.select %eq3A_4, %broadcast_in_dim3A_290, %get3A_289 : vector<16xi1>, vector<16xi32>
            %swap3A_292 = arith.index_cast %and3A_255 : i32 to index
            %swap3A_293 = tpu.vector_load %arg22[%swap3A_292] {strides = array<i32>} : memref<144xi32, #tpu.memory_space<vmem>>, vector<16xi32>,
            tpu.vector_store %arg22[%swap3A_292], %select_n3A_291 {strides = array<i32>} : memref<144xi32, #tpu.memory_space<vmem>>, vector<16xi32>,
            %while3A_294 = arith.constant 0 : i32
            scf.yield %while3A_294 : i32
          }
          %while3A_236 = arith.constant 0 : i32
          scf.yield %while3A_236 : i32
        }
        %scan3A_213 = arith.constant 0 : i32
        scf.yield %scan3A_213 : i32
      }
      %scan3A_172 = arith.constant 128 : i32
      %scan3A_173 = arith.constant 0 : i32
      %scan3A_174 = arith.constant 0 : i32
      %scan3A_175 = arith.constant 128 : i32
      %scan3A_176 = arith.addi %scan3A_174, %scan3A_175 : i32
      %scan3A_177 = arith.constant 1 : i32
      %scan3A_178 = scf.for %scan3A_190 = %scan3A_174 to %scan3A_176 step %scan3A_177 iter_args(%scan3A_191 = %scan3A_173) -> (i32)  : i32 {
        %get3A = arith.index_cast %scan3A_190 : i32 to index
        %get3A_192 = tpu.vector_load %arg22[%get3A] {strides = array<i32>} : memref<144xi32, #tpu.memory_space<vmem>>, vector<16xi32>,
        %slice3A = vector.extract_strided_slice %get3A_192 {offsets = [0], sizes = [1], strides = [1]} : vector<16xi32> to vector<1xi32>
        %squeeze3A = vector.extract %slice3A[0] : i32 from vector<1xi32>
        %gt3A = arith.constant 0 : i32
        %gt3A_193 = arith.cmpi sgt, %squeeze3A, %gt3A : i32
        %convert_element_type3A_194 = arith.extui %gt3A_193 : i1 to i32
        %cond3A_195 = arith.constant 0 : i32
        %cond3A_196 = arith.cmpi ne, %convert_element_type3A_194, %cond3A_195 : i32
        scf.if %cond3A_196 {
          %mul3A_198 = arith.constant 64 : i32
          %mul3A_199 = arith.muli %scan3A_190, %mul3A_198 : i32
          %get3A_200 = arith.index_cast %scan3A_190 : i32 to index
          %get3A_201 = tpu.vector_load %arg20[%get3A_200] {strides = array<i32>} : memref<144xi32, #tpu.memory_space<vmem>>, vector<16xi32>,
          %slice3A_202 = vector.extract_strided_slice %get3A_201 {offsets = [0], sizes = [1], strides = [1]} : vector<16xi32> to vector<1xi32>
          %squeeze3A_203 = vector.extract %slice3A_202[0] : i32 from vector<1xi32>
          %mul3A_204 = arith.constant 2 : i32
          %mul3A_205 = arith.muli %squeeze3A_203, %mul3A_204 : i32
          %multiple_of3A_206 = tpu.assume_multiple %mul3A_205, 8 : i32
          "tpu.region"() ({
            %run_scoped3A = tpu.sem_alloc : memref<!tpu.dma_semaphore, #tpu.memory_space<semaphore_mem>>
            %dma_start3A = tpu.memref_slice %arg21[%mul3A_199] : memref<8192xi32, #tpu.memory_space<vmem>> -> memref<64xi32, #tpu.memory_space<vmem>>
            %dma_start3A_210 = tpu.memref_slice %arg27[%multiple_of3A_206] : memref<332288xi32, #tpu.memory_space<vmem_shared>> -> memref<64xi32, #tpu.memory_space<vmem_shared>>
            %dma_start3A_211 = tpu.memref_slice %arg27[%multiple_of3A_206] : memref<332288xi32, #tpu.memory_space<vmem_shared>> -> memref<64xi32, #tpu.memory_space<vmem_shared>>
            %dma_start3A_212 = tpu.memref_slice %arg21[%mul3A_199] : memref<8192xi32, #tpu.memory_space<vmem>> -> memref<64xi32, #tpu.memory_space<vmem>>
            tpu.enqueue_dma source(%dma_start3A_212 : memref<64xi32, #tpu.memory_space<vmem>>) target(%dma_start3A_211 : memref<64xi32, #tpu.memory_space<vmem_shared>>) target_semaphore(%run_scoped3A : memref<!tpu.dma_semaphore, #tpu.memory_space<semaphore_mem>>)
            %dma_wait3A = tpu.memref_slice %arg21[%mul3A_199] : memref<8192xi32, #tpu.memory_space<vmem>> -> memref<64xi32, #tpu.memory_space<vmem>>
            %dma_wait3A_213 = tpu.memref_slice %arg27[%multiple_of3A_206] : memref<332288xi32, #tpu.memory_space<vmem_shared>> -> memref<64xi32, #tpu.memory_space<vmem_shared>>
            %dma_wait3A_214 = tpu.memref_slice %arg27[%multiple_of3A_206] : memref<332288xi32, #tpu.memory_space<vmem_shared>> -> memref<64xi32, #tpu.memory_space<vmem_shared>>
            %dma_wait3A_215 = tpu.memref_slice %arg21[%mul3A_199] : memref<8192xi32, #tpu.memory_space<vmem>> -> memref<64xi32, #tpu.memory_space<vmem>>
            tpu.wait_dma2 semaphore(%run_scoped3A : memref<!tpu.dma_semaphore, #tpu.memory_space<semaphore_mem>>) src(%dma_wait3A_215 : memref<64xi32, #tpu.memory_space<vmem>>) dst(%dma_wait3A_214 : memref<64xi32, #tpu.memory_space<vmem_shared>>)
            tpu.yield
          }) : () -> ()
          %get3A_207 = arith.index_cast %scan3A_190 : i32 to index
          %get3A_208 = tpu.vector_load %arg22[%get3A_207] {strides = array<i32>} : memref<144xi32, #tpu.memory_space<vmem>>, vector<16xi32>,
          %jit3A = arith.constant 0 : i32
          %broadcast_in_dim3A = vector.broadcast %jit3A : i32 to vector<16xi32>
          %select_n3A = arith.select %eq3A_4, %broadcast_in_dim3A, %get3A_208 : vector<16xi1>, vector<16xi32>
          %swap3A = arith.index_cast %scan3A_190 : i32 to index
          %swap3A_209 = tpu.vector_load %arg22[%swap3A] {strides = array<i32>} : memref<144xi32, #tpu.memory_space<vmem>>, vector<16xi32>,
          tpu.vector_store %arg22[%swap3A], %select_n3A {strides = array<i32>} : memref<144xi32, #tpu.memory_space<vmem>>, vector<16xi32>,
        } else {
        }
        %scan3A_197 = arith.constant 0 : i32
        scf.yield %scan3A_197 : i32
      }
      %scan3A_179 = arith.constant 128 : i32
      %scan3A_180 = arith.constant 0 : i32
      %scan3A_181 = arith.constant 0 : i32
      %scan3A_182 = arith.constant 128 : i32
      %scan3A_183 = arith.addi %scan3A_181, %scan3A_182 : i32
      %scan3A_184 = arith.constant 1 : i32
      %scan3A_185 = scf.for %scan3A_190 = %scan3A_181 to %scan3A_183 step %scan3A_184 iter_args(%scan3A_191 = %scan3A_180) -> (i32)  : i32 {
        %get3A = arith.index_cast %scan3A_190 : i32 to index
        %get3A_192 = tpu.vector_load %arg19[%get3A] {strides = array<i32>} : memref<144xi32, #tpu.memory_space<vmem>>, vector<16xi32>,
        %slice3A = vector.extract_strided_slice %get3A_192 {offsets = [0], sizes = [1], strides = [1]} : vector<16xi32> to vector<1xi32>
        %squeeze3A = vector.extract %slice3A[0] : i32 from vector<1xi32>
        %get3A_193 = arith.index_cast %scan3A_190 : i32 to index
        %get3A_194 = tpu.vector_load %arg17[%get3A_193] {strides = array<i32>} : memref<144xi32, #tpu.memory_space<vmem>>, vector<16xi32>,
        %slice3A_195 = vector.extract_strided_slice %get3A_194 {offsets = [0], sizes = [1], strides = [1]} : vector<16xi32> to vector<1xi32>
        %squeeze3A_196 = vector.extract %slice3A_195[0] : i32 from vector<1xi32>
        %mul3A_197 = arith.constant 2 : i32
        %mul3A_198 = arith.muli %squeeze3A_196, %mul3A_197 : i32
        %add3A = arith.constant 1024 : i32
        %add3A_199 = arith.addi %squeeze3A, %add3A : i32
        %sub3A = arith.constant 1 : i32
        %sub3A_200 = arith.subi %add3A_199, %sub3A : i32
        %shift_right_arithmetic3A = arith.constant 10 : i32
        %shift_right_arithmetic3A_201 = arith.shrsi %sub3A_200, %shift_right_arithmetic3A : i32
        %while3A = arith.constant 0 : i32
        %while3A_202 = arith.constant 0 : i32
        %while3A_203 = arith.subi %shift_right_arithmetic3A_201, %while3A : i32
        %while3A_204 = arith.addi %while3A, %while3A_203 : i32
        %while3A_205 = arith.constant 1 : i32
        %while3A_206 = arith.divsi %while3A_203, %while3A_205 : i32
        %while3A_207 = arith.muli %while3A_206, %while3A_205 : i32
        %while3A_208 = arith.addi %while3A, %while3A_207 : i32
        %while3A_209 = arith.constant 1 : i32
        %while3A_210 = scf.for %while3A_214 = %while3A to %while3A_208 step %while3A_209 iter_args(%while3A_215 = %while3A_202) -> (i32)  : i32 {
          %mul3A_216 = arith.constant 2048 : i32
          %mul3A_217 = arith.muli %while3A_214, %mul3A_216 : i32
          %add3A_218 = arith.addi %mul3A_198, %mul3A_217 : i32
          %multiple_of3A_219 = tpu.assume_multiple %add3A_218, 8 : i32
          "tpu.region"() ({
            %run_scoped3A = tpu.sem_alloc : memref<!tpu.dma_semaphore, #tpu.memory_space<semaphore_mem>>
            %dma_start3A = arith.constant 0 : i32
            %dma_start3A_237 = tpu.memref_slice %arg25[%dma_start3A] : memref<2064xi32, #tpu.memory_space<vmem>> -> memref<2048xi32, #tpu.memory_space<vmem>>
            %dma_start3A_238 = tpu.memref_slice %arg27[%multiple_of3A_219] : memref<332288xi32, #tpu.memory_space<vmem_shared>> -> memref<2048xi32, #tpu.memory_space<vmem_shared>>
            %dma_start3A_239 = arith.constant 0 : i32
            %dma_start3A_240 = tpu.memref_slice %arg25[%dma_start3A_239] : memref<2064xi32, #tpu.memory_space<vmem>> -> memref<2048xi32, #tpu.memory_space<vmem>>
            %dma_start3A_241 = tpu.memref_slice %arg27[%multiple_of3A_219] : memref<332288xi32, #tpu.memory_space<vmem_shared>> -> memref<2048xi32, #tpu.memory_space<vmem_shared>>
            tpu.enqueue_dma source(%dma_start3A_241 : memref<2048xi32, #tpu.memory_space<vmem_shared>>) target(%dma_start3A_240 : memref<2048xi32, #tpu.memory_space<vmem>>) target_semaphore(%run_scoped3A : memref<!tpu.dma_semaphore, #tpu.memory_space<semaphore_mem>>)
            %dma_wait3A = arith.constant 0 : i32
            %dma_wait3A_242 = tpu.memref_slice %arg25[%dma_wait3A] : memref<2064xi32, #tpu.memory_space<vmem>> -> memref<2048xi32, #tpu.memory_space<vmem>>
            %dma_wait3A_243 = tpu.memref_slice %arg27[%multiple_of3A_219] : memref<332288xi32, #tpu.memory_space<vmem_shared>> -> memref<2048xi32, #tpu.memory_space<vmem_shared>>
            %dma_wait3A_244 = arith.constant 0 : i32
            %dma_wait3A_245 = tpu.memref_slice %arg25[%dma_wait3A_244] : memref<2064xi32, #tpu.memory_space<vmem>> -> memref<2048xi32, #tpu.memory_space<vmem>>
            %dma_wait3A_246 = tpu.memref_slice %arg27[%multiple_of3A_219] : memref<332288xi32, #tpu.memory_space<vmem_shared>> -> memref<2048xi32, #tpu.memory_space<vmem_shared>>
            tpu.wait_dma2 semaphore(%run_scoped3A : memref<!tpu.dma_semaphore, #tpu.memory_space<semaphore_mem>>) src(%dma_wait3A_246 : memref<2048xi32, #tpu.memory_space<vmem_shared>>) dst(%dma_wait3A_245 : memref<2048xi32, #tpu.memory_space<vmem>>)
            tpu.yield
          }) : () -> ()
          %mul3A_220 = arith.constant 1024 : i32
          %mul3A_221 = arith.muli %while3A_214, %mul3A_220 : i32
          %sub3A_222 = arith.subi %squeeze3A, %mul3A_221 : i32
          %min3A = arith.constant 1024 : i32
          %min3A_223 = arith.minsi %sub3A_222, %min3A : i32
          %while3A_224 = arith.constant 0 : i32
          %while3A_225 = arith.constant 0 : i32
          %while3A_226 = arith.subi %min3A_223, %while3A_224 : i32
          %while3A_227 = arith.addi %while3A_224, %while3A_226 : i32
          %while3A_228 = arith.constant 1 : i32
          %while3A_229 = arith.divsi %while3A_226, %while3A_228 : i32
          %while3A_230 = arith.muli %while3A_229, %while3A_228 : i32
          %while3A_231 = arith.addi %while3A_224, %while3A_230 : i32
          %while3A_232 = arith.constant 1 : i32
          %while3A_233 = scf.for %while3A_237 = %while3A_224 to %while3A_231 step %while3A_232 iter_args(%while3A_238 = %while3A_225) -> (i32)  : i32 {
            %mul3A_239 = arith.constant 2 : i32
            %mul3A_240 = arith.muli %mul3A_239, %while3A_237 : i32
            %get3A_241 = arith.index_cast %mul3A_240 : i32 to index
            %get3A_242 = tpu.vector_load %arg25[%get3A_241] {strides = array<i32>} : memref<2064xi32, #tpu.memory_space<vmem>>, vector<16xi32>,
            %slice3A_243 = vector.extract_strided_slice %get3A_242 {offsets = [0], sizes = [1], strides = [1]} : vector<16xi32> to vector<1xi32>
            %squeeze3A_244 = vector.extract %slice3A_243[0] : i32 from vector<1xi32>
            %mul3A_245 = arith.constant 2 : i32
            %mul3A_246 = arith.muli %mul3A_245, %while3A_237 : i32
            %add3A_247 = arith.constant 1 : i32
            %add3A_248 = arith.addi %mul3A_246, %add3A_247 : i32
            %get3A_249 = arith.index_cast %add3A_248 : i32 to index
            %get3A_250 = tpu.vector_load %arg25[%get3A_249] {strides = array<i32>} : memref<2064xi32, #tpu.memory_space<vmem>>, vector<16xi32>,
            %slice3A_251 = vector.extract_strided_slice %get3A_250 {offsets = [0], sizes = [1], strides = [1]} : vector<16xi32> to vector<1xi32>
            %squeeze3A_252 = vector.extract %slice3A_251[0] : i32 from vector<1xi32>
            %while3A_253 = scf.while (%while3A_259 = %squeeze3A_244) : (i32) -> i32 {
              %get3A_260 = arith.index_cast %while3A_259 : i32 to index
              %get3A_261 = tpu.vector_load %arg11[%get3A_260] {strides = array<i32>} : memref<10016xi32, #tpu.memory_space<vmem>>, vector<16xi32>,
              %slice3A_262 = vector.extract_strided_slice %get3A_261 {offsets = [0], sizes = [1], strides = [1]} : vector<16xi32> to vector<1xi32>
              %squeeze3A_263 = vector.extract %slice3A_262[0] : i32 from vector<1xi32>
              %ne3A_264 = arith.cmpi ne, %squeeze3A_263, %while3A_259 : i32
              scf.condition(%ne3A_264) %while3A_259 : i32
            } do {
            ^bb0(%while3A_259: i32):
              %get3A_260 = arith.index_cast %while3A_259 : i32 to index
              %get3A_261 = tpu.vector_load %arg11[%get3A_260] {strides = array<i32>} : memref<10016xi32, #tpu.memory_space<vmem>>, vector<16xi32>,
              %slice3A_262 = vector.extract_strided_slice %get3A_261 {offsets = [0], sizes = [1], strides = [1]} : vector<16xi32> to vector<1xi32>
              %squeeze3A_263 = vector.extract %slice3A_262[0] : i32 from vector<1xi32>
              %get3A_264 = arith.index_cast %squeeze3A_263 : i32 to index
              %get3A_265 = tpu.vector_load %arg11[%get3A_264] {strides = array<i32>} : memref<10016xi32, #tpu.memory_space<vmem>>, vector<16xi32>,
              %slice3A_266 = vector.extract_strided_slice %get3A_265 {offsets = [0], sizes = [1], strides = [1]} : vector<16xi32> to vector<1xi32>
              %squeeze3A_267 = vector.extract %slice3A_266[0] : i32 from vector<1xi32>
              %get3A_268 = arith.index_cast %while3A_259 : i32 to index
              %get3A_269 = tpu.vector_load %arg11[%get3A_268] {strides = array<i32>} : memref<10016xi32, #tpu.memory_space<vmem>>, vector<16xi32>,
              %broadcast_in_dim3A = vector.broadcast %squeeze3A_267 : i32 to vector<16xi32>
              %select_n3A = arith.select %eq3A_4, %broadcast_in_dim3A, %get3A_269 : vector<16xi1>, vector<16xi32>
              %swap3A = arith.index_cast %while3A_259 : i32 to index
              %swap3A_270 = tpu.vector_load %arg11[%swap3A] {strides = array<i32>} : memref<10016xi32, #tpu.memory_space<vmem>>, vector<16xi32>,
              tpu.vector_store %arg11[%swap3A], %select_n3A {strides = array<i32>} : memref<10016xi32, #tpu.memory_space<vmem>>, vector<16xi32>,
              scf.yield %squeeze3A_267 : i32
            }
            %while3A_254 = scf.while (%while3A_259 = %squeeze3A_252) : (i32) -> i32 {
              %get3A_260 = arith.index_cast %while3A_259 : i32 to index
              %get3A_261 = tpu.vector_load %arg11[%get3A_260] {strides = array<i32>} : memref<10016xi32, #tpu.memory_space<vmem>>, vector<16xi32>,
              %slice3A_262 = vector.extract_strided_slice %get3A_261 {offsets = [0], sizes = [1], strides = [1]} : vector<16xi32> to vector<1xi32>
              %squeeze3A_263 = vector.extract %slice3A_262[0] : i32 from vector<1xi32>
              %ne3A_264 = arith.cmpi ne, %squeeze3A_263, %while3A_259 : i32
              scf.condition(%ne3A_264) %while3A_259 : i32
            } do {
            ^bb0(%while3A_259: i32):
              %get3A_260 = arith.index_cast %while3A_259 : i32 to index
              %get3A_261 = tpu.vector_load %arg11[%get3A_260] {strides = array<i32>} : memref<10016xi32, #tpu.memory_space<vmem>>, vector<16xi32>,
              %slice3A_262 = vector.extract_strided_slice %get3A_261 {offsets = [0], sizes = [1], strides = [1]} : vector<16xi32> to vector<1xi32>
              %squeeze3A_263 = vector.extract %slice3A_262[0] : i32 from vector<1xi32>
              %get3A_264 = arith.index_cast %squeeze3A_263 : i32 to index
              %get3A_265 = tpu.vector_load %arg11[%get3A_264] {strides = array<i32>} : memref<10016xi32, #tpu.memory_space<vmem>>, vector<16xi32>,
              %slice3A_266 = vector.extract_strided_slice %get3A_265 {offsets = [0], sizes = [1], strides = [1]} : vector<16xi32> to vector<1xi32>
              %squeeze3A_267 = vector.extract %slice3A_266[0] : i32 from vector<1xi32>
              %get3A_268 = arith.index_cast %while3A_259 : i32 to index
              %get3A_269 = tpu.vector_load %arg11[%get3A_268] {strides = array<i32>} : memref<10016xi32, #tpu.memory_space<vmem>>, vector<16xi32>,
              %broadcast_in_dim3A = vector.broadcast %squeeze3A_267 : i32 to vector<16xi32>
              %select_n3A = arith.select %eq3A_4, %broadcast_in_dim3A, %get3A_269 : vector<16xi1>, vector<16xi32>
              %swap3A = arith.index_cast %while3A_259 : i32 to index
              %swap3A_270 = tpu.vector_load %arg11[%swap3A] {strides = array<i32>} : memref<10016xi32, #tpu.memory_space<vmem>>, vector<16xi32>,
              tpu.vector_store %arg11[%swap3A], %select_n3A {strides = array<i32>} : memref<10016xi32, #tpu.memory_space<vmem>>, vector<16xi32>,
              scf.yield %squeeze3A_267 : i32
            }
            %ne3A = arith.cmpi ne, %while3A_253, %while3A_254 : i32
            %convert_element_type3A_255 = arith.extui %ne3A : i1 to i32
            %cond3A_256 = arith.constant 0 : i32
            %cond3A_257 = arith.cmpi ne, %convert_element_type3A_255, %cond3A_256 : i32
            scf.if %cond3A_257 {
              %max3A = arith.maxsi %while3A_253, %while3A_254 : i32
              %min3A_259 = arith.minsi %while3A_253, %while3A_254 : i32
              %get3A_260 = arith.index_cast %max3A : i32 to index
              %get3A_261 = tpu.vector_load %arg11[%get3A_260] {strides = array<i32>} : memref<10016xi32, #tpu.memory_space<vmem>>, vector<16xi32>,
              %broadcast_in_dim3A = vector.broadcast %min3A_259 : i32 to vector<16xi32>
              %select_n3A = arith.select %eq3A_4, %broadcast_in_dim3A, %get3A_261 : vector<16xi1>, vector<16xi32>
              %swap3A = arith.index_cast %max3A : i32 to index
              %swap3A_262 = tpu.vector_load %arg11[%swap3A] {strides = array<i32>} : memref<10016xi32, #tpu.memory_space<vmem>>, vector<16xi32>,
              tpu.vector_store %arg11[%swap3A], %select_n3A {strides = array<i32>} : memref<10016xi32, #tpu.memory_space<vmem>>, vector<16xi32>,
              %convert_element_type3A_263 = arith.sitofp %squeeze3A_244 : i32 to f32
              %get3A_264 = arith.index_cast %max3A : i32 to index
              %get3A_265 = tpu.vector_load %arg12[%get3A_264] {strides = array<i32>} : memref<10016xf32, #tpu.memory_space<vmem>>, vector<16xf32>,
              %broadcast_in_dim3A_266 = vector.broadcast %convert_element_type3A_263 : f32 to vector<16xf32>
              %select_n3A_267 = arith.select %eq3A_4, %broadcast_in_dim3A_266, %get3A_265 : vector<16xi1>, vector<16xf32>
              %swap3A_268 = arith.index_cast %max3A : i32 to index
              %swap3A_269 = tpu.vector_load %arg12[%swap3A_268] {strides = array<i32>} : memref<10016xf32, #tpu.memory_space<vmem>>, vector<16xf32>,
              tpu.vector_store %arg12[%swap3A_268], %select_n3A_267 {strides = array<i32>} : memref<10016xf32, #tpu.memory_space<vmem>>, vector<16xf32>,
            } else {
            }
            %while3A_258 = arith.constant 0 : i32
            scf.yield %while3A_258 : i32
          }
          %while3A_234 = arith.constant 1 : i32
          %while3A_235 = scf.for %while3A_237 = %while3A_231 to %while3A_227 step %while3A_234 iter_args(%while3A_238 = %while3A_233) -> (i32)  : i32 {
            %mul3A_239 = arith.constant 2 : i32
            %mul3A_240 = arith.muli %mul3A_239, %while3A_237 : i32
            %get3A_241 = arith.index_cast %mul3A_240 : i32 to index
            %get3A_242 = tpu.vector_load %arg25[%get3A_241] {strides = array<i32>} : memref<2064xi32, #tpu.memory_space<vmem>>, vector<16xi32>,
            %slice3A_243 = vector.extract_strided_slice %get3A_242 {offsets = [0], sizes = [1], strides = [1]} : vector<16xi32> to vector<1xi32>
            %squeeze3A_244 = vector.extract %slice3A_243[0] : i32 from vector<1xi32>
            %mul3A_245 = arith.constant 2 : i32
            %mul3A_246 = arith.muli %mul3A_245, %while3A_237 : i32
            %add3A_247 = arith.constant 1 : i32
            %add3A_248 = arith.addi %mul3A_246, %add3A_247 : i32
            %get3A_249 = arith.index_cast %add3A_248 : i32 to index
            %get3A_250 = tpu.vector_load %arg25[%get3A_249] {strides = array<i32>} : memref<2064xi32, #tpu.memory_space<vmem>>, vector<16xi32>,
            %slice3A_251 = vector.extract_strided_slice %get3A_250 {offsets = [0], sizes = [1], strides = [1]} : vector<16xi32> to vector<1xi32>
            %squeeze3A_252 = vector.extract %slice3A_251[0] : i32 from vector<1xi32>
            %while3A_253 = scf.while (%while3A_259 = %squeeze3A_244) : (i32) -> i32 {
              %get3A_260 = arith.index_cast %while3A_259 : i32 to index
              %get3A_261 = tpu.vector_load %arg11[%get3A_260] {strides = array<i32>} : memref<10016xi32, #tpu.memory_space<vmem>>, vector<16xi32>,
              %slice3A_262 = vector.extract_strided_slice %get3A_261 {offsets = [0], sizes = [1], strides = [1]} : vector<16xi32> to vector<1xi32>
              %squeeze3A_263 = vector.extract %slice3A_262[0] : i32 from vector<1xi32>
              %ne3A_264 = arith.cmpi ne, %squeeze3A_263, %while3A_259 : i32
              scf.condition(%ne3A_264) %while3A_259 : i32
            } do {
            ^bb0(%while3A_259: i32):
              %get3A_260 = arith.index_cast %while3A_259 : i32 to index
              %get3A_261 = tpu.vector_load %arg11[%get3A_260] {strides = array<i32>} : memref<10016xi32, #tpu.memory_space<vmem>>, vector<16xi32>,
              %slice3A_262 = vector.extract_strided_slice %get3A_261 {offsets = [0], sizes = [1], strides = [1]} : vector<16xi32> to vector<1xi32>
              %squeeze3A_263 = vector.extract %slice3A_262[0] : i32 from vector<1xi32>
              %get3A_264 = arith.index_cast %squeeze3A_263 : i32 to index
              %get3A_265 = tpu.vector_load %arg11[%get3A_264] {strides = array<i32>} : memref<10016xi32, #tpu.memory_space<vmem>>, vector<16xi32>,
              %slice3A_266 = vector.extract_strided_slice %get3A_265 {offsets = [0], sizes = [1], strides = [1]} : vector<16xi32> to vector<1xi32>
              %squeeze3A_267 = vector.extract %slice3A_266[0] : i32 from vector<1xi32>
              %get3A_268 = arith.index_cast %while3A_259 : i32 to index
              %get3A_269 = tpu.vector_load %arg11[%get3A_268] {strides = array<i32>} : memref<10016xi32, #tpu.memory_space<vmem>>, vector<16xi32>,
              %broadcast_in_dim3A = vector.broadcast %squeeze3A_267 : i32 to vector<16xi32>
              %select_n3A = arith.select %eq3A_4, %broadcast_in_dim3A, %get3A_269 : vector<16xi1>, vector<16xi32>
              %swap3A = arith.index_cast %while3A_259 : i32 to index
              %swap3A_270 = tpu.vector_load %arg11[%swap3A] {strides = array<i32>} : memref<10016xi32, #tpu.memory_space<vmem>>, vector<16xi32>,
              tpu.vector_store %arg11[%swap3A], %select_n3A {strides = array<i32>} : memref<10016xi32, #tpu.memory_space<vmem>>, vector<16xi32>,
              scf.yield %squeeze3A_267 : i32
            }
            %while3A_254 = scf.while (%while3A_259 = %squeeze3A_252) : (i32) -> i32 {
              %get3A_260 = arith.index_cast %while3A_259 : i32 to index
              %get3A_261 = tpu.vector_load %arg11[%get3A_260] {strides = array<i32>} : memref<10016xi32, #tpu.memory_space<vmem>>, vector<16xi32>,
              %slice3A_262 = vector.extract_strided_slice %get3A_261 {offsets = [0], sizes = [1], strides = [1]} : vector<16xi32> to vector<1xi32>
              %squeeze3A_263 = vector.extract %slice3A_262[0] : i32 from vector<1xi32>
              %ne3A_264 = arith.cmpi ne, %squeeze3A_263, %while3A_259 : i32
              scf.condition(%ne3A_264) %while3A_259 : i32
            } do {
            ^bb0(%while3A_259: i32):
              %get3A_260 = arith.index_cast %while3A_259 : i32 to index
              %get3A_261 = tpu.vector_load %arg11[%get3A_260] {strides = array<i32>} : memref<10016xi32, #tpu.memory_space<vmem>>, vector<16xi32>,
              %slice3A_262 = vector.extract_strided_slice %get3A_261 {offsets = [0], sizes = [1], strides = [1]} : vector<16xi32> to vector<1xi32>
              %squeeze3A_263 = vector.extract %slice3A_262[0] : i32 from vector<1xi32>
              %get3A_264 = arith.index_cast %squeeze3A_263 : i32 to index
              %get3A_265 = tpu.vector_load %arg11[%get3A_264] {strides = array<i32>} : memref<10016xi32, #tpu.memory_space<vmem>>, vector<16xi32>,
              %slice3A_266 = vector.extract_strided_slice %get3A_265 {offsets = [0], sizes = [1], strides = [1]} : vector<16xi32> to vector<1xi32>
              %squeeze3A_267 = vector.extract %slice3A_266[0] : i32 from vector<1xi32>
              %get3A_268 = arith.index_cast %while3A_259 : i32 to index
              %get3A_269 = tpu.vector_load %arg11[%get3A_268] {strides = array<i32>} : memref<10016xi32, #tpu.memory_space<vmem>>, vector<16xi32>,
              %broadcast_in_dim3A = vector.broadcast %squeeze3A_267 : i32 to vector<16xi32>
              %select_n3A = arith.select %eq3A_4, %broadcast_in_dim3A, %get3A_269 : vector<16xi1>, vector<16xi32>
              %swap3A = arith.index_cast %while3A_259 : i32 to index
              %swap3A_270 = tpu.vector_load %arg11[%swap3A] {strides = array<i32>} : memref<10016xi32, #tpu.memory_space<vmem>>, vector<16xi32>,
              tpu.vector_store %arg11[%swap3A], %select_n3A {strides = array<i32>} : memref<10016xi32, #tpu.memory_space<vmem>>, vector<16xi32>,
              scf.yield %squeeze3A_267 : i32
            }
            %ne3A = arith.cmpi ne, %while3A_253, %while3A_254 : i32
            %convert_element_type3A_255 = arith.extui %ne3A : i1 to i32
            %cond3A_256 = arith.constant 0 : i32
            %cond3A_257 = arith.cmpi ne, %convert_element_type3A_255, %cond3A_256 : i32
            scf.if %cond3A_257 {
              %max3A = arith.maxsi %while3A_253, %while3A_254 : i32
              %min3A_259 = arith.minsi %while3A_253, %while3A_254 : i32
              %get3A_260 = arith.index_cast %max3A : i32 to index
              %get3A_261 = tpu.vector_load %arg11[%get3A_260] {strides = array<i32>} : memref<10016xi32, #tpu.memory_space<vmem>>, vector<16xi32>,
              %broadcast_in_dim3A = vector.broadcast %min3A_259 : i32 to vector<16xi32>
              %select_n3A = arith.select %eq3A_4, %broadcast_in_dim3A, %get3A_261 : vector<16xi1>, vector<16xi32>
              %swap3A = arith.index_cast %max3A : i32 to index
              %swap3A_262 = tpu.vector_load %arg11[%swap3A] {strides = array<i32>} : memref<10016xi32, #tpu.memory_space<vmem>>, vector<16xi32>,
              tpu.vector_store %arg11[%swap3A], %select_n3A {strides = array<i32>} : memref<10016xi32, #tpu.memory_space<vmem>>, vector<16xi32>,
              %convert_element_type3A_263 = arith.sitofp %squeeze3A_244 : i32 to f32
              %get3A_264 = arith.index_cast %max3A : i32 to index
              %get3A_265 = tpu.vector_load %arg12[%get3A_264] {strides = array<i32>} : memref<10016xf32, #tpu.memory_space<vmem>>, vector<16xf32>,
              %broadcast_in_dim3A_266 = vector.broadcast %convert_element_type3A_263 : f32 to vector<16xf32>
              %select_n3A_267 = arith.select %eq3A_4, %broadcast_in_dim3A_266, %get3A_265 : vector<16xi1>, vector<16xf32>
              %swap3A_268 = arith.index_cast %max3A : i32 to index
              %swap3A_269 = tpu.vector_load %arg12[%swap3A_268] {strides = array<i32>} : memref<10016xf32, #tpu.memory_space<vmem>>, vector<16xf32>,
              tpu.vector_store %arg12[%swap3A_268], %select_n3A_267 {strides = array<i32>} : memref<10016xf32, #tpu.memory_space<vmem>>, vector<16xf32>,
            } else {
            }
            %while3A_258 = arith.constant 0 : i32
            scf.yield %while3A_258 : i32
          }
          %while3A_236 = arith.constant 0 : i32
          scf.yield %while3A_236 : i32
        }
        %while3A_211 = arith.constant 1 : i32
        %while3A_212 = scf.for %while3A_214 = %while3A_208 to %while3A_204 step %while3A_211 iter_args(%while3A_215 = %while3A_210) -> (i32)  : i32 {
          %mul3A_216 = arith.constant 2048 : i32
          %mul3A_217 = arith.muli %while3A_214, %mul3A_216 : i32
          %add3A_218 = arith.addi %mul3A_198, %mul3A_217 : i32
          %multiple_of3A_219 = tpu.assume_multiple %add3A_218, 8 : i32
          "tpu.region"() ({
            %run_scoped3A = tpu.sem_alloc : memref<!tpu.dma_semaphore, #tpu.memory_space<semaphore_mem>>
            %dma_start3A = arith.constant 0 : i32
            %dma_start3A_237 = tpu.memref_slice %arg25[%dma_start3A] : memref<2064xi32, #tpu.memory_space<vmem>> -> memref<2048xi32, #tpu.memory_space<vmem>>
            %dma_start3A_238 = tpu.memref_slice %arg27[%multiple_of3A_219] : memref<332288xi32, #tpu.memory_space<vmem_shared>> -> memref<2048xi32, #tpu.memory_space<vmem_shared>>
            %dma_start3A_239 = arith.constant 0 : i32
            %dma_start3A_240 = tpu.memref_slice %arg25[%dma_start3A_239] : memref<2064xi32, #tpu.memory_space<vmem>> -> memref<2048xi32, #tpu.memory_space<vmem>>
            %dma_start3A_241 = tpu.memref_slice %arg27[%multiple_of3A_219] : memref<332288xi32, #tpu.memory_space<vmem_shared>> -> memref<2048xi32, #tpu.memory_space<vmem_shared>>
            tpu.enqueue_dma source(%dma_start3A_241 : memref<2048xi32, #tpu.memory_space<vmem_shared>>) target(%dma_start3A_240 : memref<2048xi32, #tpu.memory_space<vmem>>) target_semaphore(%run_scoped3A : memref<!tpu.dma_semaphore, #tpu.memory_space<semaphore_mem>>)
            %dma_wait3A = arith.constant 0 : i32
            %dma_wait3A_242 = tpu.memref_slice %arg25[%dma_wait3A] : memref<2064xi32, #tpu.memory_space<vmem>> -> memref<2048xi32, #tpu.memory_space<vmem>>
            %dma_wait3A_243 = tpu.memref_slice %arg27[%multiple_of3A_219] : memref<332288xi32, #tpu.memory_space<vmem_shared>> -> memref<2048xi32, #tpu.memory_space<vmem_shared>>
            %dma_wait3A_244 = arith.constant 0 : i32
            %dma_wait3A_245 = tpu.memref_slice %arg25[%dma_wait3A_244] : memref<2064xi32, #tpu.memory_space<vmem>> -> memref<2048xi32, #tpu.memory_space<vmem>>
            %dma_wait3A_246 = tpu.memref_slice %arg27[%multiple_of3A_219] : memref<332288xi32, #tpu.memory_space<vmem_shared>> -> memref<2048xi32, #tpu.memory_space<vmem_shared>>
            tpu.wait_dma2 semaphore(%run_scoped3A : memref<!tpu.dma_semaphore, #tpu.memory_space<semaphore_mem>>) src(%dma_wait3A_246 : memref<2048xi32, #tpu.memory_space<vmem_shared>>) dst(%dma_wait3A_245 : memref<2048xi32, #tpu.memory_space<vmem>>)
            tpu.yield
          }) : () -> ()
          %mul3A_220 = arith.constant 1024 : i32
          %mul3A_221 = arith.muli %while3A_214, %mul3A_220 : i32
          %sub3A_222 = arith.subi %squeeze3A, %mul3A_221 : i32
          %min3A = arith.constant 1024 : i32
          %min3A_223 = arith.minsi %sub3A_222, %min3A : i32
          %while3A_224 = arith.constant 0 : i32
          %while3A_225 = arith.constant 0 : i32
          %while3A_226 = arith.subi %min3A_223, %while3A_224 : i32
          %while3A_227 = arith.addi %while3A_224, %while3A_226 : i32
          %while3A_228 = arith.constant 1 : i32
          %while3A_229 = arith.divsi %while3A_226, %while3A_228 : i32
          %while3A_230 = arith.muli %while3A_229, %while3A_228 : i32
          %while3A_231 = arith.addi %while3A_224, %while3A_230 : i32
          %while3A_232 = arith.constant 1 : i32
          %while3A_233 = scf.for %while3A_237 = %while3A_224 to %while3A_231 step %while3A_232 iter_args(%while3A_238 = %while3A_225) -> (i32)  : i32 {
            %mul3A_239 = arith.constant 2 : i32
            %mul3A_240 = arith.muli %mul3A_239, %while3A_237 : i32
            %get3A_241 = arith.index_cast %mul3A_240 : i32 to index
            %get3A_242 = tpu.vector_load %arg25[%get3A_241] {strides = array<i32>} : memref<2064xi32, #tpu.memory_space<vmem>>, vector<16xi32>,
            %slice3A_243 = vector.extract_strided_slice %get3A_242 {offsets = [0], sizes = [1], strides = [1]} : vector<16xi32> to vector<1xi32>
            %squeeze3A_244 = vector.extract %slice3A_243[0] : i32 from vector<1xi32>
            %mul3A_245 = arith.constant 2 : i32
            %mul3A_246 = arith.muli %mul3A_245, %while3A_237 : i32
            %add3A_247 = arith.constant 1 : i32
            %add3A_248 = arith.addi %mul3A_246, %add3A_247 : i32
            %get3A_249 = arith.index_cast %add3A_248 : i32 to index
            %get3A_250 = tpu.vector_load %arg25[%get3A_249] {strides = array<i32>} : memref<2064xi32, #tpu.memory_space<vmem>>, vector<16xi32>,
            %slice3A_251 = vector.extract_strided_slice %get3A_250 {offsets = [0], sizes = [1], strides = [1]} : vector<16xi32> to vector<1xi32>
            %squeeze3A_252 = vector.extract %slice3A_251[0] : i32 from vector<1xi32>
            %while3A_253 = scf.while (%while3A_259 = %squeeze3A_244) : (i32) -> i32 {
              %get3A_260 = arith.index_cast %while3A_259 : i32 to index
              %get3A_261 = tpu.vector_load %arg11[%get3A_260] {strides = array<i32>} : memref<10016xi32, #tpu.memory_space<vmem>>, vector<16xi32>,
              %slice3A_262 = vector.extract_strided_slice %get3A_261 {offsets = [0], sizes = [1], strides = [1]} : vector<16xi32> to vector<1xi32>
              %squeeze3A_263 = vector.extract %slice3A_262[0] : i32 from vector<1xi32>
              %ne3A_264 = arith.cmpi ne, %squeeze3A_263, %while3A_259 : i32
              scf.condition(%ne3A_264) %while3A_259 : i32
            } do {
            ^bb0(%while3A_259: i32):
              %get3A_260 = arith.index_cast %while3A_259 : i32 to index
              %get3A_261 = tpu.vector_load %arg11[%get3A_260] {strides = array<i32>} : memref<10016xi32, #tpu.memory_space<vmem>>, vector<16xi32>,
              %slice3A_262 = vector.extract_strided_slice %get3A_261 {offsets = [0], sizes = [1], strides = [1]} : vector<16xi32> to vector<1xi32>
              %squeeze3A_263 = vector.extract %slice3A_262[0] : i32 from vector<1xi32>
              %get3A_264 = arith.index_cast %squeeze3A_263 : i32 to index
              %get3A_265 = tpu.vector_load %arg11[%get3A_264] {strides = array<i32>} : memref<10016xi32, #tpu.memory_space<vmem>>, vector<16xi32>,
              %slice3A_266 = vector.extract_strided_slice %get3A_265 {offsets = [0], sizes = [1], strides = [1]} : vector<16xi32> to vector<1xi32>
              %squeeze3A_267 = vector.extract %slice3A_266[0] : i32 from vector<1xi32>
              %get3A_268 = arith.index_cast %while3A_259 : i32 to index
              %get3A_269 = tpu.vector_load %arg11[%get3A_268] {strides = array<i32>} : memref<10016xi32, #tpu.memory_space<vmem>>, vector<16xi32>,
              %broadcast_in_dim3A = vector.broadcast %squeeze3A_267 : i32 to vector<16xi32>
              %select_n3A = arith.select %eq3A_4, %broadcast_in_dim3A, %get3A_269 : vector<16xi1>, vector<16xi32>
              %swap3A = arith.index_cast %while3A_259 : i32 to index
              %swap3A_270 = tpu.vector_load %arg11[%swap3A] {strides = array<i32>} : memref<10016xi32, #tpu.memory_space<vmem>>, vector<16xi32>,
              tpu.vector_store %arg11[%swap3A], %select_n3A {strides = array<i32>} : memref<10016xi32, #tpu.memory_space<vmem>>, vector<16xi32>,
              scf.yield %squeeze3A_267 : i32
            }
            %while3A_254 = scf.while (%while3A_259 = %squeeze3A_252) : (i32) -> i32 {
              %get3A_260 = arith.index_cast %while3A_259 : i32 to index
              %get3A_261 = tpu.vector_load %arg11[%get3A_260] {strides = array<i32>} : memref<10016xi32, #tpu.memory_space<vmem>>, vector<16xi32>,
              %slice3A_262 = vector.extract_strided_slice %get3A_261 {offsets = [0], sizes = [1], strides = [1]} : vector<16xi32> to vector<1xi32>
              %squeeze3A_263 = vector.extract %slice3A_262[0] : i32 from vector<1xi32>
              %ne3A_264 = arith.cmpi ne, %squeeze3A_263, %while3A_259 : i32
              scf.condition(%ne3A_264) %while3A_259 : i32
            } do {
            ^bb0(%while3A_259: i32):
              %get3A_260 = arith.index_cast %while3A_259 : i32 to index
              %get3A_261 = tpu.vector_load %arg11[%get3A_260] {strides = array<i32>} : memref<10016xi32, #tpu.memory_space<vmem>>, vector<16xi32>,
              %slice3A_262 = vector.extract_strided_slice %get3A_261 {offsets = [0], sizes = [1], strides = [1]} : vector<16xi32> to vector<1xi32>
              %squeeze3A_263 = vector.extract %slice3A_262[0] : i32 from vector<1xi32>
              %get3A_264 = arith.index_cast %squeeze3A_263 : i32 to index
              %get3A_265 = tpu.vector_load %arg11[%get3A_264] {strides = array<i32>} : memref<10016xi32, #tpu.memory_space<vmem>>, vector<16xi32>,
              %slice3A_266 = vector.extract_strided_slice %get3A_265 {offsets = [0], sizes = [1], strides = [1]} : vector<16xi32> to vector<1xi32>
              %squeeze3A_267 = vector.extract %slice3A_266[0] : i32 from vector<1xi32>
              %get3A_268 = arith.index_cast %while3A_259 : i32 to index
              %get3A_269 = tpu.vector_load %arg11[%get3A_268] {strides = array<i32>} : memref<10016xi32, #tpu.memory_space<vmem>>, vector<16xi32>,
              %broadcast_in_dim3A = vector.broadcast %squeeze3A_267 : i32 to vector<16xi32>
              %select_n3A = arith.select %eq3A_4, %broadcast_in_dim3A, %get3A_269 : vector<16xi1>, vector<16xi32>
              %swap3A = arith.index_cast %while3A_259 : i32 to index
              %swap3A_270 = tpu.vector_load %arg11[%swap3A] {strides = array<i32>} : memref<10016xi32, #tpu.memory_space<vmem>>, vector<16xi32>,
              tpu.vector_store %arg11[%swap3A], %select_n3A {strides = array<i32>} : memref<10016xi32, #tpu.memory_space<vmem>>, vector<16xi32>,
              scf.yield %squeeze3A_267 : i32
            }
            %ne3A = arith.cmpi ne, %while3A_253, %while3A_254 : i32
            %convert_element_type3A_255 = arith.extui %ne3A : i1 to i32
            %cond3A_256 = arith.constant 0 : i32
            %cond3A_257 = arith.cmpi ne, %convert_element_type3A_255, %cond3A_256 : i32
            scf.if %cond3A_257 {
              %max3A = arith.maxsi %while3A_253, %while3A_254 : i32
              %min3A_259 = arith.minsi %while3A_253, %while3A_254 : i32
              %get3A_260 = arith.index_cast %max3A : i32 to index
              %get3A_261 = tpu.vector_load %arg11[%get3A_260] {strides = array<i32>} : memref<10016xi32, #tpu.memory_space<vmem>>, vector<16xi32>,
              %broadcast_in_dim3A = vector.broadcast %min3A_259 : i32 to vector<16xi32>
              %select_n3A = arith.select %eq3A_4, %broadcast_in_dim3A, %get3A_261 : vector<16xi1>, vector<16xi32>
              %swap3A = arith.index_cast %max3A : i32 to index
              %swap3A_262 = tpu.vector_load %arg11[%swap3A] {strides = array<i32>} : memref<10016xi32, #tpu.memory_space<vmem>>, vector<16xi32>,
              tpu.vector_store %arg11[%swap3A], %select_n3A {strides = array<i32>} : memref<10016xi32, #tpu.memory_space<vmem>>, vector<16xi32>,
              %convert_element_type3A_263 = arith.sitofp %squeeze3A_244 : i32 to f32
              %get3A_264 = arith.index_cast %max3A : i32 to index
              %get3A_265 = tpu.vector_load %arg12[%get3A_264] {strides = array<i32>} : memref<10016xf32, #tpu.memory_space<vmem>>, vector<16xf32>,
              %broadcast_in_dim3A_266 = vector.broadcast %convert_element_type3A_263 : f32 to vector<16xf32>
              %select_n3A_267 = arith.select %eq3A_4, %broadcast_in_dim3A_266, %get3A_265 : vector<16xi1>, vector<16xf32>
              %swap3A_268 = arith.index_cast %max3A : i32 to index
              %swap3A_269 = tpu.vector_load %arg12[%swap3A_268] {strides = array<i32>} : memref<10016xf32, #tpu.memory_space<vmem>>, vector<16xf32>,
              tpu.vector_store %arg12[%swap3A_268], %select_n3A_267 {strides = array<i32>} : memref<10016xf32, #tpu.memory_space<vmem>>, vector<16xf32>,
            } else {
            }
            %while3A_258 = arith.constant 0 : i32
            scf.yield %while3A_258 : i32
          }
          %while3A_234 = arith.constant 1 : i32
          %while3A_235 = scf.for %while3A_237 = %while3A_231 to %while3A_227 step %while3A_234 iter_args(%while3A_238 = %while3A_233) -> (i32)  : i32 {
            %mul3A_239 = arith.constant 2 : i32
            %mul3A_240 = arith.muli %mul3A_239, %while3A_237 : i32
            %get3A_241 = arith.index_cast %mul3A_240 : i32 to index
            %get3A_242 = tpu.vector_load %arg25[%get3A_241] {strides = array<i32>} : memref<2064xi32, #tpu.memory_space<vmem>>, vector<16xi32>,
            %slice3A_243 = vector.extract_strided_slice %get3A_242 {offsets = [0], sizes = [1], strides = [1]} : vector<16xi32> to vector<1xi32>
            %squeeze3A_244 = vector.extract %slice3A_243[0] : i32 from vector<1xi32>
            %mul3A_245 = arith.constant 2 : i32
            %mul3A_246 = arith.muli %mul3A_245, %while3A_237 : i32
            %add3A_247 = arith.constant 1 : i32
            %add3A_248 = arith.addi %mul3A_246, %add3A_247 : i32
            %get3A_249 = arith.index_cast %add3A_248 : i32 to index
            %get3A_250 = tpu.vector_load %arg25[%get3A_249] {strides = array<i32>} : memref<2064xi32, #tpu.memory_space<vmem>>, vector<16xi32>,
            %slice3A_251 = vector.extract_strided_slice %get3A_250 {offsets = [0], sizes = [1], strides = [1]} : vector<16xi32> to vector<1xi32>
            %squeeze3A_252 = vector.extract %slice3A_251[0] : i32 from vector<1xi32>
            %while3A_253 = scf.while (%while3A_259 = %squeeze3A_244) : (i32) -> i32 {
              %get3A_260 = arith.index_cast %while3A_259 : i32 to index
              %get3A_261 = tpu.vector_load %arg11[%get3A_260] {strides = array<i32>} : memref<10016xi32, #tpu.memory_space<vmem>>, vector<16xi32>,
              %slice3A_262 = vector.extract_strided_slice %get3A_261 {offsets = [0], sizes = [1], strides = [1]} : vector<16xi32> to vector<1xi32>
              %squeeze3A_263 = vector.extract %slice3A_262[0] : i32 from vector<1xi32>
              %ne3A_264 = arith.cmpi ne, %squeeze3A_263, %while3A_259 : i32
              scf.condition(%ne3A_264) %while3A_259 : i32
            } do {
            ^bb0(%while3A_259: i32):
              %get3A_260 = arith.index_cast %while3A_259 : i32 to index
              %get3A_261 = tpu.vector_load %arg11[%get3A_260] {strides = array<i32>} : memref<10016xi32, #tpu.memory_space<vmem>>, vector<16xi32>,
              %slice3A_262 = vector.extract_strided_slice %get3A_261 {offsets = [0], sizes = [1], strides = [1]} : vector<16xi32> to vector<1xi32>
              %squeeze3A_263 = vector.extract %slice3A_262[0] : i32 from vector<1xi32>
              %get3A_264 = arith.index_cast %squeeze3A_263 : i32 to index
              %get3A_265 = tpu.vector_load %arg11[%get3A_264] {strides = array<i32>} : memref<10016xi32, #tpu.memory_space<vmem>>, vector<16xi32>,
              %slice3A_266 = vector.extract_strided_slice %get3A_265 {offsets = [0], sizes = [1], strides = [1]} : vector<16xi32> to vector<1xi32>
              %squeeze3A_267 = vector.extract %slice3A_266[0] : i32 from vector<1xi32>
              %get3A_268 = arith.index_cast %while3A_259 : i32 to index
              %get3A_269 = tpu.vector_load %arg11[%get3A_268] {strides = array<i32>} : memref<10016xi32, #tpu.memory_space<vmem>>, vector<16xi32>,
              %broadcast_in_dim3A = vector.broadcast %squeeze3A_267 : i32 to vector<16xi32>
              %select_n3A = arith.select %eq3A_4, %broadcast_in_dim3A, %get3A_269 : vector<16xi1>, vector<16xi32>
              %swap3A = arith.index_cast %while3A_259 : i32 to index
              %swap3A_270 = tpu.vector_load %arg11[%swap3A] {strides = array<i32>} : memref<10016xi32, #tpu.memory_space<vmem>>, vector<16xi32>,
              tpu.vector_store %arg11[%swap3A], %select_n3A {strides = array<i32>} : memref<10016xi32, #tpu.memory_space<vmem>>, vector<16xi32>,
              scf.yield %squeeze3A_267 : i32
            }
            %while3A_254 = scf.while (%while3A_259 = %squeeze3A_252) : (i32) -> i32 {
              %get3A_260 = arith.index_cast %while3A_259 : i32 to index
              %get3A_261 = tpu.vector_load %arg11[%get3A_260] {strides = array<i32>} : memref<10016xi32, #tpu.memory_space<vmem>>, vector<16xi32>,
              %slice3A_262 = vector.extract_strided_slice %get3A_261 {offsets = [0], sizes = [1], strides = [1]} : vector<16xi32> to vector<1xi32>
              %squeeze3A_263 = vector.extract %slice3A_262[0] : i32 from vector<1xi32>
              %ne3A_264 = arith.cmpi ne, %squeeze3A_263, %while3A_259 : i32
              scf.condition(%ne3A_264) %while3A_259 : i32
            } do {
            ^bb0(%while3A_259: i32):
              %get3A_260 = arith.index_cast %while3A_259 : i32 to index
              %get3A_261 = tpu.vector_load %arg11[%get3A_260] {strides = array<i32>} : memref<10016xi32, #tpu.memory_space<vmem>>, vector<16xi32>,
              %slice3A_262 = vector.extract_strided_slice %get3A_261 {offsets = [0], sizes = [1], strides = [1]} : vector<16xi32> to vector<1xi32>
              %squeeze3A_263 = vector.extract %slice3A_262[0] : i32 from vector<1xi32>
              %get3A_264 = arith.index_cast %squeeze3A_263 : i32 to index
              %get3A_265 = tpu.vector_load %arg11[%get3A_264] {strides = array<i32>} : memref<10016xi32, #tpu.memory_space<vmem>>, vector<16xi32>,
              %slice3A_266 = vector.extract_strided_slice %get3A_265 {offsets = [0], sizes = [1], strides = [1]} : vector<16xi32> to vector<1xi32>
              %squeeze3A_267 = vector.extract %slice3A_266[0] : i32 from vector<1xi32>
              %get3A_268 = arith.index_cast %while3A_259 : i32 to index
              %get3A_269 = tpu.vector_load %arg11[%get3A_268] {strides = array<i32>} : memref<10016xi32, #tpu.memory_space<vmem>>, vector<16xi32>,
              %broadcast_in_dim3A = vector.broadcast %squeeze3A_267 : i32 to vector<16xi32>
              %select_n3A = arith.select %eq3A_4, %broadcast_in_dim3A, %get3A_269 : vector<16xi1>, vector<16xi32>
              %swap3A = arith.index_cast %while3A_259 : i32 to index
              %swap3A_270 = tpu.vector_load %arg11[%swap3A] {strides = array<i32>} : memref<10016xi32, #tpu.memory_space<vmem>>, vector<16xi32>,
              tpu.vector_store %arg11[%swap3A], %select_n3A {strides = array<i32>} : memref<10016xi32, #tpu.memory_space<vmem>>, vector<16xi32>,
              scf.yield %squeeze3A_267 : i32
            }
            %ne3A = arith.cmpi ne, %while3A_253, %while3A_254 : i32
            %convert_element_type3A_255 = arith.extui %ne3A : i1 to i32
            %cond3A_256 = arith.constant 0 : i32
            %cond3A_257 = arith.cmpi ne, %convert_element_type3A_255, %cond3A_256 : i32
            scf.if %cond3A_257 {
              %max3A = arith.maxsi %while3A_253, %while3A_254 : i32
              %min3A_259 = arith.minsi %while3A_253, %while3A_254 : i32
              %get3A_260 = arith.index_cast %max3A : i32 to index
              %get3A_261 = tpu.vector_load %arg11[%get3A_260] {strides = array<i32>} : memref<10016xi32, #tpu.memory_space<vmem>>, vector<16xi32>,
              %broadcast_in_dim3A = vector.broadcast %min3A_259 : i32 to vector<16xi32>
              %select_n3A = arith.select %eq3A_4, %broadcast_in_dim3A, %get3A_261 : vector<16xi1>, vector<16xi32>
              %swap3A = arith.index_cast %max3A : i32 to index
              %swap3A_262 = tpu.vector_load %arg11[%swap3A] {strides = array<i32>} : memref<10016xi32, #tpu.memory_space<vmem>>, vector<16xi32>,
              tpu.vector_store %arg11[%swap3A], %select_n3A {strides = array<i32>} : memref<10016xi32, #tpu.memory_space<vmem>>, vector<16xi32>,
              %convert_element_type3A_263 = arith.sitofp %squeeze3A_244 : i32 to f32
              %get3A_264 = arith.index_cast %max3A : i32 to index
              %get3A_265 = tpu.vector_load %arg12[%get3A_264] {strides = array<i32>} : memref<10016xf32, #tpu.memory_space<vmem>>, vector<16xf32>,
              %broadcast_in_dim3A_266 = vector.broadcast %convert_element_type3A_263 : f32 to vector<16xf32>
              %select_n3A_267 = arith.select %eq3A_4, %broadcast_in_dim3A_266, %get3A_265 : vector<16xi1>, vector<16xf32>
              %swap3A_268 = arith.index_cast %max3A : i32 to index
              %swap3A_269 = tpu.vector_load %arg12[%swap3A_268] {strides = array<i32>} : memref<10016xf32, #tpu.memory_space<vmem>>, vector<16xf32>,
              tpu.vector_store %arg12[%swap3A_268], %select_n3A_267 {strides = array<i32>} : memref<10016xf32, #tpu.memory_space<vmem>>, vector<16xf32>,
            } else {
            }
            %while3A_258 = arith.constant 0 : i32
            scf.yield %while3A_258 : i32
          }
          %while3A_236 = arith.constant 0 : i32
          scf.yield %while3A_236 : i32
        }
        %scan3A_213 = arith.constant 0 : i32
        scf.yield %scan3A_213 : i32
      }
      %scan3A_186 = arith.constant 128 : i32
      %mul3A_187 = arith.constant 10000 : i32
      %mul3A_188 = arith.muli %arg0, %mul3A_187 : i32
      %multiple_of3A_189 = tpu.assume_multiple %mul3A_188, 8 : i32
      "tpu.region"() ({
        %run_scoped3A = tpu.sem_alloc : memref<!tpu.dma_semaphore, #tpu.memory_space<semaphore_mem>>
        %dma_start3A = arith.constant 0 : i32
        %dma_start3A_190 = tpu.memref_slice %arg12[%dma_start3A] : memref<10016xf32, #tpu.memory_space<vmem>> -> memref<10000xf32, #tpu.memory_space<vmem>>
        %dma_start3A_191 = tpu.memref_slice %arg5[%multiple_of3A_189] : memref<20000xf32, #tpu.memory_space<hbm>> -> memref<10000xf32, #tpu.memory_space<hbm>>
        %dma_start3A_192 = tpu.memref_slice %arg5[%multiple_of3A_189] : memref<20000xf32, #tpu.memory_space<hbm>> -> memref<10000xf32, #tpu.memory_space<hbm>>
        %dma_start3A_193 = arith.constant 0 : i32
        %dma_start3A_194 = tpu.memref_slice %arg12[%dma_start3A_193] : memref<10016xf32, #tpu.memory_space<vmem>> -> memref<10000xf32, #tpu.memory_space<vmem>>
        tpu.enqueue_dma source(%dma_start3A_194 : memref<10000xf32, #tpu.memory_space<vmem>>) target(%dma_start3A_192 : memref<10000xf32, #tpu.memory_space<hbm>>) target_semaphore(%run_scoped3A : memref<!tpu.dma_semaphore, #tpu.memory_space<semaphore_mem>>)
        %dma_wait3A = arith.constant 0 : i32
        %dma_wait3A_195 = tpu.memref_slice %arg12[%dma_wait3A] : memref<10016xf32, #tpu.memory_space<vmem>> -> memref<10000xf32, #tpu.memory_space<vmem>>
        %dma_wait3A_196 = tpu.memref_slice %arg5[%multiple_of3A_189] : memref<20000xf32, #tpu.memory_space<hbm>> -> memref<10000xf32, #tpu.memory_space<hbm>>
        %dma_wait3A_197 = tpu.memref_slice %arg5[%multiple_of3A_189] : memref<20000xf32, #tpu.memory_space<hbm>> -> memref<10000xf32, #tpu.memory_space<hbm>>
        %dma_wait3A_198 = arith.constant 0 : i32
        %dma_wait3A_199 = tpu.memref_slice %arg12[%dma_wait3A_198] : memref<10016xf32, #tpu.memory_space<vmem>> -> memref<10000xf32, #tpu.memory_space<vmem>>
        tpu.wait_dma2 semaphore(%run_scoped3A : memref<!tpu.dma_semaphore, #tpu.memory_space<semaphore_mem>>) src(%dma_wait3A_199 : memref<10000xf32, #tpu.memory_space<vmem>>) dst(%dma_wait3A_197 : memref<10000xf32, #tpu.memory_space<hbm>>)
        tpu.yield
      }) : () -> ()
    } else {
    }
    return
  }
}

module attributes {stable_mosaic.version = 14 : i64} {
  func.func @_mlp_body(%arg0: i32, %arg1: memref<1000x128xf32, #tpu.memory_space<vmem>>, %arg2: memref<128x64xf32, #tpu.memory_space<vmem>>, %arg3: memref<1x64xf32, #tpu.memory_space<vmem>>, %arg4: memref<64x2xf32, #tpu.memory_space<vmem>>, %arg5: memref<1x2xf32, #tpu.memory_space<vmem>>, %arg6: memref<1000x2xf32, #tpu.memory_space<vmem>>, %arg7: memref<1000x2xi32, #tpu.memory_space<vmem>>) attributes {dimension_semantics = [#tpu.dimension_semantics<arbitrary>], iteration_bounds = array<i64: 10>, scalar_prefetch = 0 : i64, scratch_operands = 0 : i64, tpu.core_type = #tpu.core_type<tc>, window_params = [{transform_indices = @transform_0, window_bounds = array<i64: 1000, 128>}, {pipeline_mode = #tpu.pipeline_mode<synchronous>, transform_indices = @transform_1, window_bounds = array<i64: 128, 64>}, {pipeline_mode = #tpu.pipeline_mode<synchronous>, transform_indices = @transform_2, window_bounds = array<i64: 1, 64>}, {pipeline_mode = #tpu.pipeline_mode<synchronous>, transform_indices = @transform_3, window_bounds = array<i64: 64, 2>}, {pipeline_mode = #tpu.pipeline_mode<synchronous>, transform_indices = @transform_4, window_bounds = array<i64: 1, 2>}, {transform_indices = @transform_5, window_bounds = array<i64: 1000, 2>}, {transform_indices = @transform_6, window_bounds = array<i64: 1000, 2>}]} {
    %get3A = arith.constant 0 : index
    %get3A_0 = arith.constant 0 : index
    %get3A_1 = vector.load %arg1[%get3A, %get3A_0] : memref<1000x128xf32, #tpu.memory_space<vmem>>, vector<1000x128xf32>
    %get3A_2 = arith.constant 0 : index
    %get3A_3 = arith.constant 0 : index
    %get3A_4 = vector.load %arg2[%get3A_2, %get3A_3] : memref<128x64xf32, #tpu.memory_space<vmem>>, vector<128x64xf32>
    %dot_general3A = arith.constant dense<0.000000e+00> : vector<1000x64xf32>
    %dot_general3A_5 = tpu.matmul %get3A_1, %get3A_4, %dot_general3A {dimension_numbers = #tpu.dot_dimension_numbers<[1], [0], [0], [1], [0, 0, 1, 1], [], []>, transpose_lhs_hint = false} : vector<1000x128xf32>, vector<128x64xf32>, vector<1000x64xf32> -> vector<1000x64xf32>
    %get3A_6 = arith.constant 0 : index
    %get3A_7 = arith.constant 0 : index
    %get3A_8 = vector.load %arg3[%get3A_6, %get3A_7] : memref<1x64xf32, #tpu.memory_space<vmem>>, vector<1x64xf32>
    %add3A = vector.broadcast %get3A_8 : vector<1x64xf32> to vector<1000x64xf32>
    %add3A_9 = arith.addf %dot_general3A_5, %add3A : vector<1000x64xf32>
    %max3A = arith.constant 0.000000e+00 : f32
    %max3A_10 = vector.broadcast %max3A : f32 to vector<1000x64xf32>
    %max3A_11 = arith.maximumf %add3A_9, %max3A_10 : vector<1000x64xf32>
    %get3A_12 = arith.constant 0 : index
    %get3A_13 = arith.constant 0 : index
    %get3A_14 = vector.load %arg4[%get3A_12, %get3A_13] : memref<64x2xf32, #tpu.memory_space<vmem>>, vector<64x2xf32>
    %dot_general3A_15 = arith.constant dense<0.000000e+00> : vector<1000x2xf32>
    %dot_general3A_16 = tpu.matmul %max3A_11, %get3A_14, %dot_general3A_15 {dimension_numbers = #tpu.dot_dimension_numbers<[1], [0], [0], [1], [0, 0, 1, 1], [], []>, transpose_lhs_hint = false} : vector<1000x64xf32>, vector<64x2xf32>, vector<1000x2xf32> -> vector<1000x2xf32>
    %get3A_17 = arith.constant 0 : index
    %get3A_18 = arith.constant 0 : index
    %get3A_19 = vector.load %arg5[%get3A_17, %get3A_18] : memref<1x2xf32, #tpu.memory_space<vmem>>, vector<1x2xf32>
    %add3A_20 = vector.broadcast %get3A_19 : vector<1x2xf32> to vector<1000x2xf32>
    %add3A_21 = arith.addf %dot_general3A_16, %add3A_20 : vector<1000x2xf32>
    %swap3A = arith.constant 0 : index
    %swap3A_22 = arith.constant 0 : index
    %swap3A_23 = vector.load %arg6[%swap3A, %swap3A_22] : memref<1000x2xf32, #tpu.memory_space<vmem>>, vector<1000x2xf32>
    tpu.vector_store %arg6[%swap3A, %swap3A_22], %add3A_21 {strides = array<i32>} : memref<1000x2xf32, #tpu.memory_space<vmem>>, vector<1000x2xf32>,
    %add3A_24 = arith.constant 0.000000e+00 : f32
    %add3A_25 = vector.broadcast %add3A_24 : f32 to vector<1000x2xf32>
    %add3A_26 = arith.addf %add3A_21, %add3A_25 : vector<1000x2xf32>
    %bitcast_convert_type3A = tpu.bitcast %add3A_26 : vector<1000x2xf32> -> vector<1000x2xi32>
    %lt3A = arith.constant 0 : i32
    %lt3A_27 = vector.broadcast %lt3A : i32 to vector<1000x2xi32>
    %lt3A_28 = arith.cmpi slt, %bitcast_convert_type3A, %lt3A_27 : vector<1000x2xi32>
    %not3A = arith.constant dense<-1> : vector<1000x2xi32>
    %not3A_29 = arith.xori %bitcast_convert_type3A, %not3A : vector<1000x2xi32>
    %or3A = arith.constant -2147483648 : i32
    %or3A_30 = vector.broadcast %or3A : i32 to vector<1000x2xi32>
    %or3A_31 = arith.ori %bitcast_convert_type3A, %or3A_30 : vector<1000x2xi32>
    %select_n3A = arith.select %lt3A_28, %not3A_29, %or3A_31 : vector<1000x2xi1>, vector<1000x2xi32>
    %swap3A_32 = arith.constant 0 : index
    %swap3A_33 = arith.constant 0 : index
    %swap3A_34 = vector.load %arg7[%swap3A_32, %swap3A_33] : memref<1000x2xi32, #tpu.memory_space<vmem>>, vector<1000x2xi32>
    tpu.vector_store %arg7[%swap3A_32, %swap3A_33], %select_n3A {strides = array<i32>} : memref<1000x2xi32, #tpu.memory_space<vmem>>, vector<1000x2xi32>,
    return
  }
  func.func @transform_0(%arg0: i32) -> (i32, i32) {
    %c0_i32 = arith.constant 0 : i32
    %c0_i32_0 = arith.constant 0 : i32
    return %arg0, %c0_i32 : i32, i32
  }
  func.func @transform_1(%arg0: i32) -> (i32, i32) {
    %c0_i32 = arith.constant 0 : i32
    %c0_i32_0 = arith.constant 0 : i32
    %c0_i32_1 = arith.constant 0 : i32
    return %c0_i32, %c0_i32_0 : i32, i32
  }
  func.func @transform_2(%arg0: i32) -> (i32, i32) {
    %c0_i32 = arith.constant 0 : i32
    %c0_i32_0 = arith.constant 0 : i32
    %c0_i32_1 = arith.constant 0 : i32
    return %c0_i32, %c0_i32_0 : i32, i32
  }
  func.func @transform_3(%arg0: i32) -> (i32, i32) {
    %c0_i32 = arith.constant 0 : i32
    %c0_i32_0 = arith.constant 0 : i32
    %c0_i32_1 = arith.constant 0 : i32
    return %c0_i32, %c0_i32_0 : i32, i32
  }
  func.func @transform_4(%arg0: i32) -> (i32, i32) {
    %c0_i32 = arith.constant 0 : i32
    %c0_i32_0 = arith.constant 0 : i32
    %c0_i32_1 = arith.constant 0 : i32
    return %c0_i32, %c0_i32_0 : i32, i32
  }
  func.func @transform_5(%arg0: i32) -> (i32, i32) {
    %c0_i32 = arith.constant 0 : i32
    %c0_i32_0 = arith.constant 0 : i32
    return %arg0, %c0_i32 : i32, i32
  }
  func.func @transform_6(%arg0: i32) -> (i32, i32) {
    %c0_i32 = arith.constant 0 : i32
    %c0_i32_0 = arith.constant 0 : i32
    return %arg0, %c0_i32 : i32, i32
  }
}

</mosaic_0001>

<sc_bundles>
// kernel: kernel.4.cloned.1.call-start
scs
__scs_entry_jumppad:
0x0: {  	(pc) =	sbr.rel $0x88, $3  }
0x1: {  	(tag) =	ssettag $0x0;
	lr =	simm.s32 $0x1  }
0x2: {  	[smem:$0x3F9B] =	sst lr;
	_ =	strace $0xD0000000  }
0x3: {  	_ = 	snop  }
0x4: {  	_ = 	snop  }
0x5: {  	_ = 	snop  }
0x6: {  	_ = 	snop  }
0x7: {  	_ = 	snop  }
__scs_overlays_trampoline_lowered:
0x8: {  	[smem:$0x3FAA] =	sst s0  }
0x9: {  	[smem:$0x3FAB] =	sst s1  }
0xa: {  	[smem:$0x3FAC] =	sst s2  }
0xb: {  	[smem:$0x3FAD] =	sst s3  }
0xc: {  	[smem:$0x3FAE] =	sst s4  }
0xd: {  	[smem:$0x3FAF] =	sst s5  }
0xe: {  	[smem:$0x3FB0] =	sst s6  }
0xf: {  	[smem:$0x3FB1] =	sst s7  }
0x10: {  	[smem:$0x3FB2] =	sst s8  }
0x11: {  	[smem:$0x3FB3] =	sst s9;
	s0 =	simm.s32 @!p0 $0x0  }
0x12: {  	s1 =	sld [smem:$0x3F99];
	s0 =	simm.s32 @p0 $0x1  }
0x13: {  	[smem:$0x3FB4] =	sst s0;
	s0 =	simm.s32 @!p1 $0x0  }
0x14: {  	s2 =	sld [smem:$0x3F98];
	s0 =	simm.s32 @p1 $0x1  }
0x15: {  	[smem:$0x3FB5] =	sst s0;
	s0 =	simm.s32 @!p2 $0x0  }
0x16: {  	s3 =	sld [smem:$0x3FDB];
	s0 =	simm.s32 @p2 $0x1  }
0x17: {  	s4 =	simm.s32 $0x1BF5;
	[smem:$0x3FB7] =	sst s0  }
0x18: {  	s0 =	sld [smem:$0x3F9A];
	_ =	swait.ge [sflag:s4], $0x0  }
0x19: {  	s7 =	sld [smem:$0x3F9B]  }
0x1a: {  	s8 =	sadd.s32 $0xFFFFE003, lr  }
0x1b: {  	s9 =	sadd.s32 $0xFFFFFEF7, lr;
	s5 =	simm.s32 $0xFFFFFFFF;
	p2 =	slt.u32 s8, $0xFFFFF086  }
0x1c: {  	p1 =	slt.u32 s9, $0xF7A;
	s5 =	simm.s32 @!p2 $0x0  }
0x1d: {  	s5 =	simm.s32 @p1 $0x1;
	p0 =	seq.s32 s7, s2  }
0x1e: {  	s7 =	smul.u32 @!p0 $0xF7A, s2;
	p2 =	seq.s32 @!p0 s5, $0x0  }
0x1f: {  	s9 =	smul.u32 $0xF7A, s1;
	s8 =	simm.s32 @!p0 $0x1BF5;
	p2 =	por !p2, p0  }
0x20: {  	[sflag:s8] =	ssyncset.s32 @!p0 $0xFFFFF086;
	s6 =	sadd.s32 @!p0 s3, s7;
	s7 =	simm.s32 @!p0 $0x108  }
0x21: {  	s3 =	sadd.s32 s3, s9;
	s6 =	sadd.s32 @!p0 $0x88, s6;
	s7 =	simm.s32 @p2 $0x1082  }
0x22: {  	[simem:s7], [sflag:s8] =	dma.local @!p0 [hbm:s6], $0xF7A  }
0x23: {  	s9 =	sor.u32 $0xD0000000, s2;
	s6 =	simm.s32 $0x108;
	_ =	swait.ge @!p0 [sflag:s8], $0x0  }
0x24: {  	s3 =	sadd.s32 $0x88, s3;
	s6 =	simm.s32 @!p1 $0x1082;
	[sflag:s4] =	ssyncset.s32 $0xFFFFF086  }
0x25: {  	[simem:s6], [sflag:s4] =	dma.local [hbm:s3], $0xF7A  }
0x26: {  	[smem:$0x3F9B] =	sst s1;
	(tag) =	ssettag s2;
	_ =	strace s9  }
0x27: {  	s1 =	sld [smem:$0x3FAB]  }
0x28: {  	s2 =	sld [smem:$0x3FAC]  }
0x29: {  	s4 =	sld [smem:$0x3FAE]  }
0x2a: {  	p0 =	seq.s32 s5, $0x0;
	s5 =	sld [smem:$0x3FAF]  }
0x2b: {  	s6 =	sld [smem:$0x3FB0]  }
0x2c: {  	s7 =	sld [smem:$0x3FB1]  }
0x2d: {  	s3 =	simm.s32 $0x108;
	s8 =	sld [smem:$0x3FB2]  }
0x2e: {  	s3 =	simm.s32 @!p0 $0x1082;
	s9 =	sld [smem:$0x3FB3]  }
0x2f: {  	lr =	sadd.s32 s0, s3;
	s0 =	sld [smem:$0x3FAA]  }
0x30: {  	s3 =	sld [smem:$0x3FAD]  }
0x31: {  	[smem:$0x3FB6] =	sst s10  }
0x32: {  	s10 =	sld [smem:$0x3FB4];
	_ =	sdelay $0x3  }
0x33: {  	p0 =	seq.s32 s10, $0x1;
	s10 =	sld [smem:$0x3FB6];
	_ =	sdelay $0x3  }
0x34: {  	[smem:$0x3FB6] =	sst s10  }
0x35: {  	s10 =	sld [smem:$0x3FB5];
	_ =	sdelay $0x3  }
0x36: {  	p1 =	seq.s32 s10, $0x1;
	s10 =	sld [smem:$0x3FB6];
	_ =	sdelay $0x3  }
0x37: {  	[smem:$0x3FB6] =	sst s10  }
0x38: {  	s10 =	sld [smem:$0x3FB7]  }
0x39: {  	_ = 	snop;
	(pc) =	sbr.ind lr, $3  }
0x3a: {  	_ = 	snop  }
0x3b: {  	_ = 	snop  }
0x3c: {  	p2 =	seq.s32 s10, $0x1;
	s10 =	sld [smem:$0x3FB6]  }
0x3d: {  	_ =	shalt  }
0x3e: {  	_ =	shalt  }
0x3f: {  	_ =	shalt  }
0x40: {  	_ =	shalt  }
0x41: {  	_ =	shalt  }
0x42: {  	_ =	shalt  }
0x43: {  	_ =	shalt  }
0x44: {  	_ =	shalt  }
0x45: {  	_ =	shalt  }
0x46: {  	_ =	shalt  }
0x47: {  	_ =	shalt  }
0x48: {  	_ =	shalt  }
0x49: {  	_ =	shalt  }
0x4a: {  	_ =	shalt  }
0x4b: {  	_ =	shalt  }
0x4c: {  	_ =	shalt  }
0x4d: {  	_ =	shalt  }
0x4e: {  	_ =	shalt  }
0x4f: {  	_ =	shalt  }
0x50: {  	_ =	shalt  }
0x51: {  	_ =	shalt  }
0x52: {  	_ =	shalt  }
0x53: {  	_ =	shalt  }
0x54: {  	_ =	shalt  }
0x55: {  	_ =	shalt  }
0x56: {  	_ =	shalt  }
0x57: {  	_ =	shalt  }
0x58: {  	_ =	shalt  }
0x59: {  	_ =	shalt  }
0x5a: {  	_ =	shalt  }
0x5b: {  	_ =	shalt  }
0x5c: {  	_ =	shalt  }
0x5d: {  	_ =	shalt  }
0x5e: {  	_ =	shalt  }
0x5f: {  	_ =	shalt  }
0x60: {  	_ =	shalt  }
0x61: {  	_ =	shalt  }
0x62: {  	_ =	shalt  }
0x63: {  	_ =	shalt  }
0x64: {  	_ =	shalt  }
0x65: {  	_ =	shalt  }
0x66: {  	_ =	shalt  }
0x67: {  	_ =	shalt  }
0x68: {  	_ =	shalt  }
0x69: {  	_ =	shalt  }
0x6a: {  	_ =	shalt  }
0x6b: {  	_ =	shalt  }
0x6c: {  	_ =	shalt  }
0x6d: {  	_ =	shalt  }
0x6e: {  	_ =	shalt  }
0x6f: {  	_ =	shalt  }
0x70: {  	_ =	shalt  }
0x71: {  	_ =	shalt  }
0x72: {  	_ =	shalt  }
0x73: {  	_ =	shalt  }
0x74: {  	_ =	shalt  }
0x75: {  	_ =	shalt  }
0x76: {  	_ =	shalt  }
0x77: {  	_ =	shalt  }
0x78: {  	_ =	shalt  }
0x79: {  	_ =	shalt  }
0x7a: {  	_ =	shalt  }
0x7b: {  	_ =	shalt  }
0x7c: {  	_ =	shalt  }
0x7d: {  	_ =	shalt  }
0x7e: {  	_ =	shalt  }
0x7f: {  	_ =	shalt  }
0x80: {  	_ =	shalt  }
0x81: {  	_ =	shalt  }
0x82: {  	_ =	shalt  }
0x83: {  	_ =	shalt  }
0x84: {  	_ =	shalt  }
0x85: {  	_ =	shalt  }
0x86: {  	_ =	shalt  }
0x87: {  	_ =	shalt  }
.Lfunc_end0:
.L_simem_size_0:
called_computation_lowered:
.L_overlay_start_0:
0x88: {  	s2 =	sld [smem:$0x3FD9]  }
0x89: {  	s3 =	sld [smem:$0x3FFE];
	_ =	sdelay $0x1  }
0x8a: {  	s1 =	srdreg.scid  }
0x8b: {  	s0 =	sand.u32 $0x1, s1  }
0x8c: {  	s14 =	sshll.u32 s0, $0xA;
	s2 =	sadd.s32 s3, s2  }
0x8d: {  	s2 =	sadd.s32 s2, s14  }
0x8e: {  	[smem:$0x3FC2] =	sst s2  }
0x8f: {  	_ = 	snop  }
0x90: {  	s2 =	sld [smem:$0x3FD0];
	_ =	sdelay $0x2  }
0x91: {  	s15 =	simm.s32 $0xA;
	s4 =	simm.s32 $0x10  }
0x92: {  	[smem:s4], [sflag:s15] =	dma.local [hbm:s2], $0x1  }
0x93: {  	_ =	swait.eq [sflag:s15], $0x1  }
0x94: {  	[sflag:s15] =	ssyncset.done $0x0  }
0x95: {  	[sflag:s15] =	ssyncadd.s32 $0xFFFFFFFF  }
0x96: {  	s16 =	sld [smem:$0x11];
	(tm) =	ssettm $0x1  }
0x97: {  	s17 =	sld [smem:$0x3FFB];
	_ =	sdelay $0x3  }
0x98: {  	_ =	strace s17  }
0x99: {  	s3 =	sld [smem:$0x3FFC];
	_ =	sdelay $0x3  }
0x9a: {  	_ =	strace s3  }
0x9b: {  	s3 =	sld [smem:$0x3FFD];
	_ =	sdelay $0x3  }
0x9c: {  	_ =	strace s3  }
0x9d: {  	_ =	strace $0x8FFFFFFF  }
0x9e: {  	s18 =	sld [smem:$0x3FDB];
	_ =	sdelay $0x1  }
0x9f: {  	s19 =	simm.s32 $_scs_section_size  }
0xa0: {  	s5 =	simm.s32 $_size__tile_overlayer_lowered;
	s6 =	simm.s32 $_tile_overlayer_lowered  }
0xa1: {  	s22 =	simm.s32 $0x1BFF;
	s21 =	sshll.u32 s6, $0x1;
	s3 =	sadd.s32 s19, s18  }
0xa2: {  	s7 =	simm.s32 $0x0;
	s20 =	sshll.u32 s5, $0x1;
	s5 =	sadd.s32 s21, s3  }
0xa3: {  	[timem:s7], [sflag:s22] =	dma.local [hbm:s5], s20  }
0xa4: {  	_ =	swait.ge [sflag:s22], s20  }
0xa5: {  	s4 =	ssub.s32 $0x0, s20;
	[sflag:s22] =	ssyncset.done $0x0  }
0xa6: {  	[sflag:s22] =	ssyncadd.s32 s4;
	_ =	sdelay $0x1  }
0xa7: {  	s23 =	simm.s32 $0x1B8B  }
0xa8: {  	_ =	swait.ge [sflag:s23], $0x1  }
0xa9: {  	[sflag:s23] =	ssyncset.done $0x0  }
0xaa: {  	s25 =	simm.s32 $0x1B8E;
	s24 =	sld [smem:$0x3FFE];
	[sflag:s23] =	ssyncadd.s32 $0xFFFFFFFF  }
0xab: {  	s26 =	simm.s32 $execute0_lowered;
	[smem:$0x3FD2] =	sst s25  }
0xac: {  	s5 =	sshll.u32 s26, $0x1;
	_ =	strace $0x80000046;
	[dreg:$0x1] =	wrdreg $0xFFFFFFFF  }
0xad: {  	s28 =	simm.s32 $_size_execute0_lowered;
	s3 =	sadd.s32 s3, s5;
	[dreg:$0x0] =	wrdreg $0x0  }
0xae: {  	s5 =	sshll.u32 s28, $0x1;
	[dreg:$0x2] =	wrdreg s3  }
0xaf: {  	[dreg:$0x3] =	wrdreg s5  }
0xb0: {  	[dreg:$0x4] =	wrdreg $0xC0  }
0xb1: {  	_ =	task [dreg:s7], $0x5FFFF  }
0xb2: {  	[dreg:$0x1] =	wrdreg $0xFFFFFFFF  }
0xb3: {  	[dreg:$0x0] =	wrdreg $0x60  }
0xb4: {  	[dreg:$0x2] =	wrdreg s16  }
0xb5: {  	[dreg:$0x3] =	wrdreg s24  }
0xb6: {  	[dreg:$0x4] =	wrdreg $0x15D800  }
0xb7: {  	[dreg:$0x5] =	wrdreg $0x1AEA00  }
0xb8: {  	[dreg:$0x6] =	wrdreg $0x9  }
0xb9: {  	_ =	task.clear_ibuf [dreg:s7], $0x7FFFF;
	_ =	strace $0x90000046  }
0xba: {  	s29 =	simm.s32 $0x9;
	_ =	strace $0x80000048  }
0xbb: {  	_ =	swait.ge [sflag:s29], $0x1  }
0xbc: {  	[sflag:s29] =	ssyncadd.s32 $0xFFFFFFFF  }
0xbd: {  	_ =	strace $0x90000048  }
0xbe: {  	_ =	sfence  }
0xbf: {  	s30 =	sld [smem:$0x0];
	_ =	sdelay $0x2  }
0xc0: {  	s31 =	sshll.u32 s1, $0xD;
	s1 =	sshrl.u32 s1, $0x2  }
0xc1: {  	s3 =	sand.u32 $0x4000, s31;
	s1 =	sadd.s32 s1, s30  }
0xc2: {  	s0 =	sor.u32 s3, s0;
	s1 =	sshll.u32 s1, $0x11  }
0xc3: {  	s0 =	sor.u32 s1, s0  }
0xc4: {  	s0 =	sadd.s32 $0x8F2B, s0  }
0xc5: {  	[sflag:s0] =	ssyncadd.remote.s32 $0x1  }
0xc6: {  	_ =	sfence.sel $0xFFFF  }
0xc7: {  	[dreg:$0x0] =	wrdreg $0xFFFFFFFF;
	(pc) =	sbr.abs _section_cstart, $3  }
0xc8: {  	[dreg:$0x1] =	wrdreg $0xFFFFFFFF  }
0xc9: {  	_ =	task.clear_ibuf [dreg:s7], $0x2FFFF;
	_ =	strace $0x9FFFFFFF  }
0xca: {  	(tm) =	ssettm $0x7FFFFFFF  }
0xcb: {  	_ =	shalt  }
tec
execute0_lowered:
.L_overlay_start_1:
0x0: {  	(tag) =	ssettag $0x1  }
0x1: {  	s4 =	stileid.u32  }
0x2: {  	s7 =	rddreg [dreg:$0x0];
	p0 =	sne.s32 s4, $0x0  }
.Ltmp0:
0x3: {  	s5 =	rddreg [dreg:$0x1];
	(pc) =	sbr.rel @!p0 .LBB2_1-.Ltmp0, $4  }
0x4: {  	s1 =	rddreg [dreg:$0x2]  }
0x5: {  	s2 =	rddreg [dreg:$0x3];
	s3 =	simm.s32 $0x0  }
0x6: {  	[smem:$0x7FF] =	sst s3  }
0x7: {  	s0 =	rddreg [dreg:$0x4];
	_ =	strace $0x80000047  }
.LBB2_72:
0x8: {  	_ =	sfence.sel $0x180000  }
0x9: {  	[bflag:$0x0] =	sbarrier.arrive $0xFFFF  }
0xa: {  	_ =	strace $0x90000047  }
0xb: {  	s0 =	sadd.s32 @!p0 $0x100000, s0;
	[bflag:$0x2] =	sbarrier.arrive $0xFFFF  }
0xc: {  	[sflag:s0] =	ssyncadd.tile.s32 @!p0 $0x1;
	_ =	shalt  }
.LBB2_1:
0xd: {  	s4 =	srdreg.scid  }
0xe: {  	s4 =	sand.u32 $0x1, s4  }
0xf: {  	s11 =	simm.s32 $0x14500;
	s12 =	simm.s32 $0x14D00;
	s8 =	smul.u32 $0x4E2, s4  }
.Ltmp1:
0x10: {  	s13 =	simm.s32 $0x15500;
	s14 =	simm.s32 $0xED00;
	(pc) =	sbr.rel .LBB2_2-.Ltmp1, $4  }
0x11: {  	s15 =	simm.s32 $0x0;
	s9 =	ssub.s32 $0x2, s4;
	s4 =	sadd.s32 $0x5800, s5  }
0x12: {  	s10 =	sshrl.u32 s9, $0x1;
	s6 =	sadd.s32 s8, s5;
	s5 =	sadd.s32 $0x800, s5  }
0x13: {  	v0 =	vlaneseq.u32;
	s9 =	ssub.s32 s9, s10;
	s7 =	sadd.s32 s7, s8;
	s10 =	simm.s32 $0x1  }
0x14: {  	v1 =	vimm.s32 $0x0;
	vm0 =	vmmov $0x1;
	v2 =	vimm.f32 $+Inf;
	s6 =	sadd.s32 $0xA800, s6;
	s8 =	smax.u32 s9, $0x1;
	s9 =	simm.s32 $0x4F00  }
.LBB2_71:
0x15: {  	s15 =	sadd.s32 $0x1, s15  }
0x16: {  	p1 =	sne.s32 s15, s8  }
.Ltmp2:
0x17: {  	_ = 	snop;
	(pc) =	sbr.rel @!p1 .LBB2_72-.Ltmp2, $4  }
0x18: {  	[hbm4b:s6+s3] =	stream.linear.scatter [tilespmem:s14], [sflag:$0x1], $0x2710, $0x38;
	v63 =	vld [tilespmem:$0x0]  }
0x19: {  	_ =	swait.ge [sflag:s10], $0x2710  }
0x1a: {  	[sflag:s10] =	ssyncset.done $0x0  }
0x1b: {  	[sflag:s10] =	ssyncadd.s32 $0xFFFFD8F0  }
.LBB2_2:
0x1c: {  	s16 =	simm.s32 $0x0  }
0x1d: {  	[tilespmem:s9], [sflag:$0x1] =	stream.linear.gather [hbm4b:s7+s16], $0x2710, $0x38;
	v63 =	vld [tilespmem:$0x0]  }
0x1e: {  	_ =	swait.ge [sflag:s10], $0x2710  }
0x1f: {  	[sflag:s10] =	ssyncset.done $0x0  }
0x20: {  	v3 =	vor.u32 s16, v0;
	[sflag:s10] =	ssyncadd.s32 $0xFFFFD8F0  }
0x21: {  	s17 =	simm.s32 $0x10;
	[tilespmem:s16+$0x0] =	vst v3  }
.LBB2_3:
0x22: {  	p1 =	sne.s32 s17, $0x2700  }
.Ltmp3:
0x23: {  	_ = 	snop;
	(pc) =	sbr.rel @p1 .LBB2_3-.Ltmp3, $3  }
0x24: {  	_ =	sdelay $0x1  }
0x25: {  	v3 =	vor.u32 s17, v0;
	s17 =	sadd.s32 $0x10, s17;
	s16 =	sadd.s32 $0x10, s16  }
0x26: {  	[tilespmem:s16+$0x0] =	vst v3  }
0x27: {  	s16 =	simm.s32 $0x40;
	s17 =	simm.s32 $0x0  }
.LBB2_5:
0x28: {  	p1 =	sne.s32 s16, $0x1FC0;
	[tilespmem:s17+$0x11480] =	vst v1;
	s17 =	smov.u32 s16;
	s16 =	sadd.s32 $0x40, s16  }
.Ltmp4:
0x29: {  	(pc) =	sbr.rel @p1 .LBB2_5-.Ltmp4, $2  }
0x2a: {  	_ =	sdelay $0x2  }
0x2b: {  	s17 =	sshra.s32 s17, $0x2  }
0x2c: {  	[tilespmem:s17+$0x11480] =	vst v1;
	s16 =	simm.s32 $0x0;
	s18 =	simm.s32 $0x0;
	s17 =	simm.s32 $0x4  }
.LBB2_7:
0x2d: {  	p1 =	sne.s32 s17, $0x9C3C;
	v3 =	vld [tilespmem:s18+$0x4F00];
	_ =	sdelay $0x4  }
0x2e: {  	(v2sf) =	vpush v3, $0x0;
	_ =	sdelay $0xe  }
0x2f: {  	s18 =	spop (v2sf)  }
0x30: {  	s19 =	sand.u32 $0x7FF, s18  }
0x31: {  	v3 =	vld [tilespmem:s19+$0x11480];
	_ =	sdelay $0x4  }
0x32: {  	(v2sf) =	vpush v3, $0x0;
	_ =	sdelay $0xd  }
.Ltmp5:
0x33: {  	(pc) =	sbr.rel @p1 .LBB2_7-.Ltmp5, $4  }
0x34: {  	s18 =	spop (v2sf)  }
0x35: {  	vm1 =	veq.s32 v0, $0x0;
	s18 =	sadd.s32 $0x1, s18  }
0x36: {  	v3 =	vsel vm1, s18, v3  }
0x37: {  	s18 =	sshra.s32 s17, $0x2;
	s17 =	sadd.s32 $0x4, s17;
	[tilespmem:s19+$0x11480] =	vst v3  }
0x38: {  	v3 =	vld [tilespmem:s18+$0x4F00];
	_ =	sdelay $0x4  }
0x39: {  	(v2sf) =	vpush v3, $0x0;
	_ =	sdelay $0xe  }
0x3a: {  	s17 =	spop (v2sf)  }
0x3b: {  	s17 =	sand.u32 $0x7FF, s17  }
0x3c: {  	v3 =	vld [tilespmem:s17+$0x11480];
	_ =	sdelay $0x4  }
0x3d: {  	(v2sf) =	vpush v3, $0x0;
	_ =	sdelay $0xe  }
0x3e: {  	s30 =	spop (v2sf)  }
0x3f: {  	s18 =	sadd.s32 $0x1, s30  }
0x40: {  	v3 =	vsel vm1, s18, v3  }
0x41: {  	s31 =	simm.s32 $0x0;
	[tilespmem:s17+$0x11480] =	vst v3  }
0x42: {  	v3 =	vld [tilespmem:s31+$0x11480];
	_ =	sdelay $0x4  }
0x43: {  	(v2sf) =	vpush v3, $0x0;
	_ =	sdelay $0x8  }
0x44: {  	v4 =	vsel vm1, s16, v3  }
0x45: {  	s18 =	simm.s32 $0x1;
	s17 =	simm.s32 $0x8;
	[tilespmem:s31+$0x11480] =	vst v4  }
.LBB2_9:
0x46: {  	p1 =	sne.s32 s17, $0x1FFC;
	v3 =	vld [tilespmem:s18+$0x11480];
	_ =	sdelay $0x3  }
0x47: {  	s19 =	spop (v2sf)  }
0x48: {  	(v2sf) =	vpush v3, $0x0;
	s16 =	sadd.s32 s16, s19  }
0x49: {  	v3 =	vsel vm1, s16, v3  }
0x4a: {  	[tilespmem:s18+$0x11480] =	vst v3;
	_ =	sdelay $0x3  }
.Ltmp6:
0x4b: {  	(pc) =	sbr.rel @p1 .LBB2_9-.Ltmp6, $2  }
0x4c: {  	_ =	sdelay $0x2  }
0x4d: {  	s18 =	sshra.s32 s17, $0x2;
	s17 =	sadd.s32 $0x4, s17  }
0x4e: {  	_ = 	snop  }
0x4f: {  	v3 =	vld [tilespmem:s18+$0x11480];
	_ =	sdelay $0x2  }
0x50: {  	s17 =	spop (v2sf)  }
0x51: {  	s16 =	sadd.s32 s16, s17  }
0x52: {  	v4 =	vsel vm1, s16, v3  }
0x53: {  	s16 =	simm.s32 $0x0;
	[tilespmem:s18+$0x11480] =	vst v4  }
0x54: {  	v4 =	vld [tilespmem:s16+$0x4F00];
	_ =	sdelay $0x3  }
0x55: {  	(v2sf) =	vpush v3, $0x0  }
0x56: {  	(v2sf) =	vpush v4, $0x0;
	_ =	sdelay $0xd  }
0x57: {  	s30 =	spop (v2sf)  }
0x58: {  	s17 =	spop (v2sf)  }
0x59: {  	s17 =	sand.u32 $0x7FF, s17  }
0x5a: {  	v3 =	vld [tilespmem:s17+$0x11480];
	_ =	sdelay $0x4  }
0x5b: {  	(v2sf) =	vpush v3, $0x0;
	_ =	sdelay $0xe  }
0x5c: {  	s20 =	spop (v2sf)  }
0x5d: {  	vm1 =	veq.s32 v0, $0x0;
	s31 =	sadd.s32 $0x1, s20  }
0x5e: {  	v3 =	vsel vm1, s31, v3  }
0x5f: {  	[tilespmem:s17+$0x11480] =	vst v3  }
0x60: {  	v3 =	vld [tilespmem:s20+$0x7680];
	_ =	sdelay $0x4  }
0x61: {  	v3 =	vsel vm0, v4, v3  }
0x62: {  	[tilespmem:s20+$0x7680] =	vst v3;
	v3 =	vld [tilespmem:s20+$0x2780]  }
0x63: {  	v4 =	vld [tilespmem:s16+$0x0];
	_ =	sdelay $0x4  }
0x64: {  	s18 =	simm.s32 $0x8;
	s17 =	simm.s32 $0x4;
	v3 =	vsel vm0, v4, v3  }
.LBB2_11:
0x65: {  	p1 =	sne.s32 s18, $0x9C3C  }
0x66: {  	s19 =	sshra.s32 s17, $0x2;
	[tilespmem:s20+$0x2780] =	vst v3;
	s17 =	smov.u32 s18;
	s18 =	sadd.s32 $0x4, s18  }
0x67: {  	v3 =	vld [tilespmem:s19+$0x4F00];
	_ =	sdelay $0x4  }
0x68: {  	(v2sf) =	vpush v3, $0x0;
	_ =	sdelay $0xe  }
0x69: {  	s20 =	spop (v2sf)  }
0x6a: {  	s21 =	sand.u32 $0x7FF, s20  }
0x6b: {  	v4 =	vld [tilespmem:s21+$0x11480];
	_ =	sdelay $0x4  }
0x6c: {  	(v2sf) =	vpush v4, $0x0;
	_ =	sdelay $0xe  }
0x6d: {  	s20 =	spop (v2sf)  }
0x6e: {  	s22 =	sadd.s32 $0x1, s20  }
0x6f: {  	v4 =	vsel vm1, s22, v4  }
0x70: {  	[tilespmem:s21+$0x11480] =	vst v4  }
0x71: {  	v4 =	vld [tilespmem:s20+$0x7680];
	_ =	sdelay $0x4  }
0x72: {  	v3 =	vsel vm0, v3, v4  }
0x73: {  	[tilespmem:s20+$0x7680] =	vst v3;
	v3 =	vld [tilespmem:s20+$0x2780]  }
0x74: {  	v4 =	vld [tilespmem:s19+$0x0]  }
.Ltmp7:
0x75: {  	(pc) =	sbr.rel @p1 .LBB2_11-.Ltmp7, $2  }
0x76: {  	_ =	sdelay $0x2  }
0x77: {  	v3 =	vsel vm0, v4, v3  }
0x78: {  	s17 =	sshra.s32 s17, $0x2;
	[tilespmem:s20+$0x2780] =	vst v3  }
0x79: {  	v3 =	vld [tilespmem:s17+$0x4F00];
	_ =	sdelay $0x4  }
0x7a: {  	(v2sf) =	vpush v3, $0x0;
	_ =	sdelay $0xe  }
0x7b: {  	s18 =	spop (v2sf)  }
0x7c: {  	s18 =	sand.u32 $0x7FF, s18  }
0x7d: {  	v4 =	vld [tilespmem:s18+$0x11480];
	_ =	sdelay $0x4  }
0x7e: {  	(v2sf) =	vpush v4, $0x0;
	_ =	sdelay $0xe  }
0x7f: {  	s19 =	spop (v2sf)  }
0x80: {  	vm1 =	veq.s32 v0, $0x0;
	s31 =	sadd.s32 $0x1, s19  }
0x81: {  	v4 =	vsel vm1, s31, v4  }
0x82: {  	[tilespmem:s18+$0x11480] =	vst v4  }
0x83: {  	v4 =	vld [tilespmem:s19+$0x7680];
	_ =	sdelay $0x4  }
0x84: {  	v3 =	vsel vm0, v3, v4  }
0x85: {  	[tilespmem:s19+$0x7680] =	vst v3;
	v3 =	vld [tilespmem:s19+$0x2780]  }
0x86: {  	v62 =	vld [tilespmem:s17+$0x0];
	_ =	sdelay $0x4  }
0x87: {  	v3 =	vsel vm0, v62, v3  }
0x88: {  	s17 =	simm.s32 $0x40;
	[tilespmem:s19+$0x2780] =	vst v3  }
.LBB2_13:
0x89: {  	p1 =	sne.s32 s17, $0x1FC0;
	[tilespmem:s16+$0x11480] =	vst v1;
	s16 =	smov.u32 s17;
	s17 =	sadd.s32 $0x40, s17  }
.Ltmp8:
0x8a: {  	(pc) =	sbr.rel @p1 .LBB2_13-.Ltmp8, $2  }
0x8b: {  	_ =	sdelay $0x2  }
0x8c: {  	s16 =	sshra.s32 s16, $0x2  }
0x8d: {  	[tilespmem:s16+$0x11480] =	vst v1;
	s16 =	simm.s32 $0x0;
	s18 =	simm.s32 $0x0;
	s17 =	simm.s32 $0x4  }
.LBB2_15:
0x8e: {  	p1 =	sne.s32 s17, $0x9C3C;
	v3 =	vld [tilespmem:s18+$0x7680];
	_ =	sdelay $0x4  }
0x8f: {  	(v2sf) =	vpush v3, $0x0;
	_ =	sdelay $0xe  }
0x90: {  	s18 =	spop (v2sf)  }
0x91: {  	s18 =	sshrl.u32 s18, $0xB  }
0x92: {  	s19 =	sand.u32 $0x7FF, s18  }
0x93: {  	v3 =	vld [tilespmem:s19+$0x11480];
	_ =	sdelay $0x4  }
0x94: {  	(v2sf) =	vpush v3, $0x0;
	_ =	sdelay $0xd  }
.Ltmp9:
0x95: {  	(pc) =	sbr.rel @p1 .LBB2_15-.Ltmp9, $4  }
0x96: {  	s18 =	spop (v2sf)  }
0x97: {  	vm1 =	veq.s32 v0, $0x0;
	s18 =	sadd.s32 $0x1, s18  }
0x98: {  	v3 =	vsel vm1, s18, v3  }
0x99: {  	s18 =	sshra.s32 s17, $0x2;
	s17 =	sadd.s32 $0x4, s17;
	[tilespmem:s19+$0x11480] =	vst v3  }
0x9a: {  	v3 =	vld [tilespmem:s18+$0x7680];
	_ =	sdelay $0x4  }
0x9b: {  	(v2sf) =	vpush v3, $0x0;
	_ =	sdelay $0xe  }
0x9c: {  	s17 =	spop (v2sf)  }
0x9d: {  	s17 =	sshrl.u32 s17, $0xB  }
0x9e: {  	s17 =	sand.u32 $0x7FF, s17  }
0x9f: {  	v3 =	vld [tilespmem:s17+$0x11480];
	_ =	sdelay $0x4  }
0xa0: {  	(v2sf) =	vpush v3, $0x0;
	_ =	sdelay $0xe  }
0xa1: {  	s30 =	spop (v2sf)  }
0xa2: {  	s18 =	sadd.s32 $0x1, s30  }
0xa3: {  	v3 =	vsel vm1, s18, v3  }
0xa4: {  	s31 =	simm.s32 $0x0;
	[tilespmem:s17+$0x11480] =	vst v3  }
0xa5: {  	v3 =	vld [tilespmem:s31+$0x11480];
	_ =	sdelay $0x4  }
0xa6: {  	(v2sf) =	vpush v3, $0x0;
	_ =	sdelay $0x8  }
0xa7: {  	v4 =	vsel vm1, s16, v3  }
0xa8: {  	s18 =	simm.s32 $0x1;
	s17 =	simm.s32 $0x8;
	[tilespmem:s31+$0x11480] =	vst v4  }
.LBB2_17:
0xa9: {  	p1 =	sne.s32 s17, $0x1FFC;
	v3 =	vld [tilespmem:s18+$0x11480];
	_ =	sdelay $0x3  }
0xaa: {  	s19 =	spop (v2sf)  }
0xab: {  	(v2sf) =	vpush v3, $0x0;
	s16 =	sadd.s32 s16, s19  }
0xac: {  	v3 =	vsel vm1, s16, v3  }
0xad: {  	[tilespmem:s18+$0x11480] =	vst v3;
	_ =	sdelay $0x3  }
.Ltmp10:
0xae: {  	(pc) =	sbr.rel @p1 .LBB2_17-.Ltmp10, $2  }
0xaf: {  	_ =	sdelay $0x2  }
0xb0: {  	s18 =	sshra.s32 s17, $0x2;
	s17 =	sadd.s32 $0x4, s17  }
0xb1: {  	_ = 	snop  }
0xb2: {  	v3 =	vld [tilespmem:s18+$0x11480];
	_ =	sdelay $0x2  }
0xb3: {  	s17 =	spop (v2sf)  }
0xb4: {  	s16 =	sadd.s32 s16, s17  }
0xb5: {  	v4 =	vsel vm1, s16, v3  }
0xb6: {  	s16 =	simm.s32 $0x0;
	[tilespmem:s18+$0x11480] =	vst v4  }
0xb7: {  	v4 =	vld [tilespmem:s16+$0x7680];
	_ =	sdelay $0x3  }
0xb8: {  	(v2sf) =	vpush v3, $0x0  }
0xb9: {  	(v2sf) =	vpush v4, $0x0;
	_ =	sdelay $0xd  }
0xba: {  	s30 =	spop (v2sf)  }
0xbb: {  	s17 =	spop (v2sf)  }
0xbc: {  	s17 =	sshrl.u32 s17, $0xB  }
0xbd: {  	s17 =	sand.u32 $0x7FF, s17  }
0xbe: {  	v3 =	vld [tilespmem:s17+$0x11480];
	_ =	sdelay $0x4  }
0xbf: {  	(v2sf) =	vpush v3, $0x0;
	_ =	sdelay $0xe  }
0xc0: {  	s20 =	spop (v2sf)  }
0xc1: {  	vm1 =	veq.s32 v0, $0x0;
	s31 =	sadd.s32 $0x1, s20  }
0xc2: {  	v3 =	vsel vm1, s31, v3  }
0xc3: {  	[tilespmem:s17+$0x11480] =	vst v3  }
0xc4: {  	v3 =	vld [tilespmem:s20+$0x4F00];
	_ =	sdelay $0x4  }
0xc5: {  	v3 =	vsel vm0, v4, v3  }
0xc6: {  	[tilespmem:s20+$0x4F00] =	vst v3;
	v3 =	vld [tilespmem:s20+$0x0]  }
0xc7: {  	v4 =	vld [tilespmem:s16+$0x2780];
	_ =	sdelay $0x4  }
0xc8: {  	s18 =	simm.s32 $0x8;
	s17 =	simm.s32 $0x4;
	v3 =	vsel vm0, v4, v3  }
.LBB2_19:
0xc9: {  	p1 =	sne.s32 s18, $0x9C3C  }
0xca: {  	s19 =	sshra.s32 s17, $0x2;
	[tilespmem:s20+$0x0] =	vst v3;
	s17 =	smov.u32 s18;
	s18 =	sadd.s32 $0x4, s18  }
0xcb: {  	v3 =	vld [tilespmem:s19+$0x7680];
	_ =	sdelay $0x4  }
0xcc: {  	(v2sf) =	vpush v3, $0x0;
	_ =	sdelay $0xe  }
0xcd: {  	s20 =	spop (v2sf)  }
0xce: {  	s20 =	sshrl.u32 s20, $0xB  }
0xcf: {  	s21 =	sand.u32 $0x7FF, s20  }
0xd0: {  	v4 =	vld [tilespmem:s21+$0x11480];
	_ =	sdelay $0x4  }
0xd1: {  	(v2sf) =	vpush v4, $0x0;
	_ =	sdelay $0xe  }
0xd2: {  	s20 =	spop (v2sf)  }
0xd3: {  	s22 =	sadd.s32 $0x1, s20  }
0xd4: {  	v4 =	vsel vm1, s22, v4  }
0xd5: {  	[tilespmem:s21+$0x11480] =	vst v4  }
0xd6: {  	v4 =	vld [tilespmem:s20+$0x4F00];
	_ =	sdelay $0x4  }
0xd7: {  	v3 =	vsel vm0, v3, v4  }
0xd8: {  	[tilespmem:s20+$0x4F00] =	vst v3;
	v3 =	vld [tilespmem:s20+$0x0]  }
0xd9: {  	v4 =	vld [tilespmem:s19+$0x2780]  }
.Ltmp11:
0xda: {  	(pc) =	sbr.rel @p1 .LBB2_19-.Ltmp11, $2  }
0xdb: {  	_ =	sdelay $0x2  }
0xdc: {  	v3 =	vsel vm0, v4, v3  }
0xdd: {  	s17 =	sshra.s32 s17, $0x2;
	[tilespmem:s20+$0x0] =	vst v3  }
0xde: {  	v3 =	vld [tilespmem:s17+$0x7680];
	_ =	sdelay $0x4  }
0xdf: {  	(v2sf) =	vpush v3, $0x0;
	_ =	sdelay $0xe  }
0xe0: {  	s18 =	spop (v2sf)  }
0xe1: {  	s18 =	sshrl.u32 s18, $0xB  }
0xe2: {  	s18 =	sand.u32 $0x7FF, s18  }
0xe3: {  	v4 =	vld [tilespmem:s18+$0x11480];
	_ =	sdelay $0x4  }
0xe4: {  	(v2sf) =	vpush v4, $0x0;
	_ =	sdelay $0xe  }
0xe5: {  	s19 =	spop (v2sf)  }
0xe6: {  	vm1 =	veq.s32 v0, $0x0;
	s31 =	sadd.s32 $0x1, s19  }
0xe7: {  	v4 =	vsel vm1, s31, v4  }
0xe8: {  	[tilespmem:s18+$0x11480] =	vst v4  }
0xe9: {  	v4 =	vld [tilespmem:s19+$0x4F00];
	_ =	sdelay $0x4  }
0xea: {  	v3 =	vsel vm0, v3, v4  }
0xeb: {  	[tilespmem:s19+$0x4F00] =	vst v3;
	v3 =	vld [tilespmem:s19+$0x0]  }
0xec: {  	v62 =	vld [tilespmem:s17+$0x2780];
	_ =	sdelay $0x4  }
0xed: {  	v3 =	vsel vm0, v62, v3  }
0xee: {  	s17 =	simm.s32 $0x40;
	[tilespmem:s19+$0x0] =	vst v3  }
.LBB2_21:
0xef: {  	p1 =	sne.s32 s17, $0x1FC0;
	[tilespmem:s16+$0x11480] =	vst v1;
	s16 =	smov.u32 s17;
	s17 =	sadd.s32 $0x40, s17  }
.Ltmp12:
0xf0: {  	(pc) =	sbr.rel @p1 .LBB2_21-.Ltmp12, $2  }
0xf1: {  	_ =	sdelay $0x2  }
0xf2: {  	s16 =	sshra.s32 s16, $0x2  }
0xf3: {  	[tilespmem:s16+$0x11480] =	vst v1;
	s16 =	simm.s32 $0x0;
	s18 =	simm.s32 $0x0;
	s17 =	simm.s32 $0x4  }
.LBB2_23:
0xf4: {  	p1 =	sne.s32 s17, $0x9C3C;
	v3 =	vld [tilespmem:s18+$0x4F00];
	_ =	sdelay $0x4  }
0xf5: {  	(v2sf) =	vpush v3, $0x0;
	_ =	sdelay $0xe  }
0xf6: {  	s18 =	spop (v2sf)  }
0xf7: {  	s18 =	sshra.s32 s18, $0x16  }
0xf8: {  	s19 =	sand.u32 $0x7FF, s18  }
0xf9: {  	v3 =	vld [tilespmem:s19+$0x11480];
	_ =	sdelay $0x4  }
0xfa: {  	(v2sf) =	vpush v3, $0x0;
	_ =	sdelay $0xd  }
.Ltmp13:
0xfb: {  	(pc) =	sbr.rel @p1 .LBB2_23-.Ltmp13, $4  }
0xfc: {  	s18 =	spop (v2sf)  }
0xfd: {  	vm1 =	veq.s32 v0, $0x0;
	s18 =	sadd.s32 $0x1, s18  }
0xfe: {  	v3 =	vsel vm1, s18, v3  }
0xff: {  	s18 =	sshra.s32 s17, $0x2;
	s17 =	sadd.s32 $0x4, s17;
	[tilespmem:s19+$0x11480] =	vst v3  }
0x100: {  	v3 =	vld [tilespmem:s18+$0x4F00];
	_ =	sdelay $0x4  }
0x101: {  	(v2sf) =	vpush v3, $0x0;
	_ =	sdelay $0xe  }
0x102: {  	s17 =	spop (v2sf)  }
0x103: {  	s17 =	sshra.s32 s17, $0x16  }
0x104: {  	s17 =	sand.u32 $0x7FF, s17  }
0x105: {  	v3 =	vld [tilespmem:s17+$0x11480];
	_ =	sdelay $0x4  }
0x106: {  	(v2sf) =	vpush v3, $0x0;
	_ =	sdelay $0xe  }
0x107: {  	s30 =	spop (v2sf)  }
0x108: {  	s18 =	sadd.s32 $0x1, s30  }
0x109: {  	v3 =	vsel vm1, s18, v3  }
0x10a: {  	s31 =	simm.s32 $0x0;
	[tilespmem:s17+$0x11480] =	vst v3  }
0x10b: {  	v3 =	vld [tilespmem:s31+$0x11480];
	_ =	sdelay $0x4  }
0x10c: {  	(v2sf) =	vpush v3, $0x0;
	_ =	sdelay $0x8  }
0x10d: {  	v4 =	vsel vm1, s16, v3  }
0x10e: {  	s18 =	simm.s32 $0x1;
	s17 =	simm.s32 $0x8;
	[tilespmem:s31+$0x11480] =	vst v4  }
.LBB2_25:
0x10f: {  	p1 =	sne.s32 s17, $0x1FFC;
	v3 =	vld [tilespmem:s18+$0x11480];
	_ =	sdelay $0x3  }
0x110: {  	s19 =	spop (v2sf)  }
0x111: {  	(v2sf) =	vpush v3, $0x0;
	s16 =	sadd.s32 s16, s19  }
0x112: {  	v3 =	vsel vm1, s16, v3  }
0x113: {  	[tilespmem:s18+$0x11480] =	vst v3;
	_ =	sdelay $0x3  }
.Ltmp14:
0x114: {  	(pc) =	sbr.rel @p1 .LBB2_25-.Ltmp14, $2  }
0x115: {  	_ =	sdelay $0x2  }
0x116: {  	s18 =	sshra.s32 s17, $0x2;
	s17 =	sadd.s32 $0x4, s17  }
0x117: {  	_ = 	snop  }
0x118: {  	v3 =	vld [tilespmem:s18+$0x11480];
	_ =	sdelay $0x2  }
0x119: {  	s17 =	spop (v2sf)  }
0x11a: {  	s16 =	sadd.s32 s16, s17  }
0x11b: {  	v4 =	vsel vm1, s16, v3  }
0x11c: {  	s29 =	simm.s32 $0x0;
	[tilespmem:s18+$0x11480] =	vst v4  }
0x11d: {  	v4 =	vld [tilespmem:s29+$0x4F00];
	_ =	sdelay $0x3  }
0x11e: {  	(v2sf) =	vpush v3, $0x0  }
0x11f: {  	(v2sf) =	vpush v4, $0x0;
	_ =	sdelay $0xd  }
0x120: {  	s30 =	spop (v2sf)  }
0x121: {  	s17 =	spop (v2sf)  }
0x122: {  	s17 =	sshra.s32 s17, $0x16  }
0x123: {  	s17 =	sand.u32 $0x7FF, s17  }
0x124: {  	v3 =	vld [tilespmem:s17+$0x11480];
	_ =	sdelay $0x4  }
0x125: {  	(v2sf) =	vpush v3, $0x0;
	_ =	sdelay $0xe  }
0x126: {  	s20 =	spop (v2sf)  }
0x127: {  	vm1 =	veq.s32 v0, $0x0;
	s31 =	sadd.s32 $0x1, s20  }
0x128: {  	v3 =	vsel vm1, s31, v3  }
0x129: {  	[tilespmem:s17+$0x11480] =	vst v3  }
0x12a: {  	v3 =	vld [tilespmem:s20+$0x7680];
	_ =	sdelay $0x4  }
0x12b: {  	v3 =	vsel vm0, v4, v3  }
0x12c: {  	[tilespmem:s20+$0x7680] =	vst v3;
	v3 =	vld [tilespmem:s20+$0x2780]  }
0x12d: {  	v4 =	vld [tilespmem:s29+$0x0];
	_ =	sdelay $0x4  }
0x12e: {  	s16 =	simm.s32 $0x0;
	s18 =	simm.s32 $0x8;
	s17 =	simm.s32 $0x4;
	v3 =	vsel vm0, v4, v3  }
.LBB2_27:
0x12f: {  	p1 =	sne.s32 s18, $0x9C3C  }
0x130: {  	s19 =	sshra.s32 s17, $0x2;
	[tilespmem:s20+$0x2780] =	vst v3;
	s17 =	smov.u32 s18;
	s18 =	sadd.s32 $0x4, s18  }
0x131: {  	v3 =	vld [tilespmem:s19+$0x4F00];
	_ =	sdelay $0x4  }
0x132: {  	(v2sf) =	vpush v3, $0x0;
	_ =	sdelay $0xe  }
0x133: {  	s20 =	spop (v2sf)  }
0x134: {  	s20 =	sshra.s32 s20, $0x16  }
0x135: {  	s21 =	sand.u32 $0x7FF, s20  }
0x136: {  	v4 =	vld [tilespmem:s21+$0x11480];
	_ =	sdelay $0x4  }
0x137: {  	(v2sf) =	vpush v4, $0x0;
	_ =	sdelay $0xe  }
0x138: {  	s20 =	spop (v2sf)  }
0x139: {  	s22 =	sadd.s32 $0x1, s20  }
0x13a: {  	v4 =	vsel vm1, s22, v4  }
0x13b: {  	[tilespmem:s21+$0x11480] =	vst v4  }
0x13c: {  	v4 =	vld [tilespmem:s20+$0x7680];
	_ =	sdelay $0x4  }
0x13d: {  	v3 =	vsel vm0, v3, v4  }
0x13e: {  	[tilespmem:s20+$0x7680] =	vst v3;
	v3 =	vld [tilespmem:s20+$0x2780]  }
0x13f: {  	v4 =	vld [tilespmem:s19+$0x0]  }
.Ltmp15:
0x140: {  	(pc) =	sbr.rel @p1 .LBB2_27-.Ltmp15, $2  }
0x141: {  	_ =	sdelay $0x2  }
0x142: {  	v3 =	vsel vm0, v4, v3  }
0x143: {  	s17 =	sshra.s32 s17, $0x2;
	[tilespmem:s20+$0x2780] =	vst v3  }
0x144: {  	v3 =	vld [tilespmem:s17+$0x4F00];
	_ =	sdelay $0x4  }
0x145: {  	(v2sf) =	vpush v3, $0x0;
	_ =	sdelay $0xe  }
0x146: {  	s18 =	spop (v2sf)  }
0x147: {  	s18 =	sshra.s32 s18, $0x16  }
0x148: {  	s18 =	sand.u32 $0x7FF, s18  }
0x149: {  	v4 =	vld [tilespmem:s18+$0x11480];
	_ =	sdelay $0x4  }
0x14a: {  	(v2sf) =	vpush v4, $0x0;
	_ =	sdelay $0xe  }
0x14b: {  	s19 =	spop (v2sf)  }
0x14c: {  	vm1 =	veq.s32 v0, $0x0;
	s31 =	sadd.s32 $0x1, s19  }
0x14d: {  	v4 =	vsel vm1, s31, v4  }
0x14e: {  	[tilespmem:s18+$0x11480] =	vst v4  }
0x14f: {  	v4 =	vld [tilespmem:s19+$0x7680];
	_ =	sdelay $0x4  }
0x150: {  	v3 =	vsel vm0, v3, v4  }
0x151: {  	[tilespmem:s19+$0x7680] =	vst v3;
	v3 =	vld [tilespmem:s19+$0x2780]  }
0x152: {  	v62 =	vld [tilespmem:s17+$0x0];
	_ =	sdelay $0x4  }
0x153: {  	v3 =	vsel vm0, v62, v3  }
0x154: {  	s18 =	simm.s32 $0xED00;
	s17 =	simm.s32 $0xC580;
	[tilespmem:s19+$0x2780] =	vst v3  }
.LBB2_29:
0x155: {  	p1 =	sne.s32 s16, $0x2700  }
.Ltmp16:
0x156: {  	_ = 	snop;
	(pc) =	sbr.rel @p1 .LBB2_29-.Ltmp16, $4  }
0x157: {  	_ = 	snop  }
0x158: {  	v3 =	vor.u32 s16, v0  }
0x159: {  	[tilespmem:s17+$0x0] =	vst v3  }
0x15a: {  	s16 =	sadd.s32 $0x10, s16;
	s17 =	sadd.s32 $0x10, s17;
	[tilespmem:s18+$0x0] =	vst v2;
	s18 =	sadd.s32 $0x10, s18  }
0x15b: {  	s17 =	simm.s32 $0x2780  }
0x15c: {  	s16 =	simm.s32 $0x0;
	s18 =	simm.s32 $0x1;
	v3 =	vld [tilespmem:s17+$0x0]  }
.LBB2_31:
0x15d: {  	p1 =	sne.s32 s18, $0x270F;
	_ =	sdelay $0x3  }
0x15e: {  	(v2sf) =	vpush v3, $0x0;
	_ =	sdelay $0xe  }
0x15f: {  	s19 =	spop (v2sf)  }
0x160: {  	v3 =	vld [tilespmem:s19+$0x9E00];
	_ =	sdelay $0x2  }
.Ltmp17:
0x161: {  	(pc) =	sbr.rel @p1 .LBB2_31-.Ltmp17, $4  }
0x162: {  	vm1 =	veq.s32 v0, $0x0  }
0x163: {  	v3 =	vsel vm1, s16, v3;
	s16 =	smov.u32 s18  }
0x164: {  	s17 =	sadd.s32 $0x1, s17;
	[tilespmem:s19+$0x9E00] =	vst v3  }
0x165: {  	s18 =	sadd.s32 $0x1, s18;
	v3 =	vld [tilespmem:s17+$0x0]  }
0x166: {  	_ =	sdelay $0x3  }
0x167: {  	(v2sf) =	vpush v3, $0x0;
	_ =	sdelay $0xe  }
0x168: {  	s17 =	spop (v2sf)  }
0x169: {  	v3 =	vld [tilespmem:s17+$0x9E00];
	_ =	sdelay $0x4  }
0x16a: {  	v3 =	vsel vm1, s16, v3  }
0x16b: {  	[tilespmem:s17+$0x9E00] =	vst v3  }
0x16c: {  	[tilespmem:$0x11D00] =	vst v1  }
0x16d: {  	[tilespmem:$0x11E00] =	vst v1  }
0x16e: {  	[tilespmem:$0x14400] =	vst v1  }
0x16f: {  	[tilespmem:$0x11D10] =	vst v1  }
0x170: {  	[tilespmem:$0x11E10] =	vst v1  }
0x171: {  	[tilespmem:$0x14410] =	vst v1  }
0x172: {  	[tilespmem:$0x11D20] =	vst v1  }
0x173: {  	[tilespmem:$0x11E20] =	vst v1  }
0x174: {  	[tilespmem:$0x14420] =	vst v1  }
0x175: {  	[tilespmem:$0x11D30] =	vst v1  }
0x176: {  	[tilespmem:$0x11E30] =	vst v1  }
0x177: {  	[tilespmem:$0x14430] =	vst v1  }
0x178: {  	[tilespmem:$0x11D40] =	vst v1  }
0x179: {  	[tilespmem:$0x11E40] =	vst v1  }
0x17a: {  	[tilespmem:$0x14440] =	vst v1  }
0x17b: {  	[tilespmem:$0x11D50] =	vst v1  }
0x17c: {  	[tilespmem:$0x11E50] =	vst v1  }
0x17d: {  	[tilespmem:$0x14450] =	vst v1  }
0x17e: {  	[tilespmem:$0x11D60] =	vst v1  }
0x17f: {  	[tilespmem:$0x11E60] =	vst v1  }
0x180: {  	[tilespmem:$0x14460] =	vst v1  }
0x181: {  	[tilespmem:$0x11D70] =	vst v1  }
0x182: {  	[tilespmem:$0x11E70] =	vst v1  }
0x183: {  	s16 =	simm.s32 $0x0;
	s17 =	simm.s32 $0x0;
	[tilespmem:$0x14470] =	vst v1  }
.LBB2_33:
0x184: {  	s18 =	smul.u32 $0xFA, s17;
	_ =	sdelay $0x1  }
0x185: {  	s19 =	sadd.s32 s4, s18  }
0x186: {  	[tilespmem:s11], [sflag:$0x1] =	stream.linear.gather [hbm4b:s19+s16], $0x7D0, $0x38;
	v63 =	vld [tilespmem:$0x0]  }
0x187: {  	_ =	swait.ge [sflag:s10], $0x7D0  }
0x188: {  	[sflag:s10] =	ssyncset.done $0x0  }
0x189: {  	s18 =	sadd.s32 s5, s18;
	[sflag:s10] =	ssyncadd.s32 $0xFFFFF830  }
0x18a: {  	[tilespmem:s12], [sflag:$0x1] =	stream.linear.gather [hbm4b:s18+s16], $0x7D0, $0x38;
	v63 =	vld [tilespmem:$0x0]  }
0x18b: {  	_ =	swait.ge [sflag:s10], $0x7D0  }
0x18c: {  	[sflag:s10] =	ssyncset.done $0x0  }
0x18d: {  	s28 =	simm.s32 $0x0;
	[sflag:s10] =	ssyncadd.s32 $0xFFFFF830  }
0x18e: {  	v3 =	vld [tilespmem:s28+$0x14D00]  }
0x18f: {  	v4 =	vld [tilespmem:s28+$0x14500];
	_ =	sdelay $0x3  }
0x190: {  	(v2sf) =	vpush v3, $0x0  }
0x191: {  	(v2sf) =	vpush v4, $0x0;
	_ =	sdelay $0xd  }
0x192: {  	s29 =	spop (v2sf)  }
0x193: {  	v3 =	vld [tilespmem:s29+$0x9E00];
	s30 =	spop (v2sf)  }
0x194: {  	v4 =	vld [tilespmem:s30+$0x9E00];
	_ =	sdelay $0x3  }
0x195: {  	(v2sf) =	vpush v3, $0x0  }
0x196: {  	(v2sf) =	vpush v4, $0x0;
	_ =	sdelay $0xd  }
0x197: {  	s31 =	spop (v2sf)  }
0x198: {  	s19 =	spop (v2sf)  }
0x199: {  	p2 =	sge.s32 s31, s19  }
0x19a: {  	s18 =	sand.u32 @!p2 $0x7F, s19  }
0x19b: {  	v3 =	vld @!p2 [tilespmem:s18+$0x11D00];
	_ =	sdelay $0x4  }
0x19c: {  	(v2sf) =	vpush @!p2 v3, $0x0;
	_ =	sdelay $0xe  }
0x19d: {  	v4 =	vlaneseq.u32 @!p2;
	s20 =	spop @!p2 (v2sf)  }
0x19e: {  	vm1 =	veq.s32 @!p2 v4, $0x0;
	s20 =	sadd.s32 @!p2 $0x1, s20  }
0x19f: {  	s19 =	sshrl.u32 @!p2 s19, $0x7;
	v3 =	vsel @!p2 vm1, s20, v3  }
0x1a0: {  	s19 =	sand.u32 @!p2 $0x7F, s19;
	[tilespmem:s18+$0x11D00] =	vst @!p2 v3  }
0x1a1: {  	v3 =	vld @!p2 [tilespmem:s19+$0x11E00];
	_ =	sdelay $0x4  }
0x1a2: {  	(v2sf) =	vpush @!p2 v3, $0x0;
	_ =	sdelay $0xe  }
0x1a3: {  	s18 =	spop @!p2 (v2sf)  }
0x1a4: {  	s20 =	sadd.s32 @!p2 $0x1, s18  }
0x1a5: {  	s18 =	simm.s32 $0x4;
	v3 =	vsel @!p2 vm1, s20, v3  }
.LBB2_34:
0x1a6: {  	s20 =	sshra.s32 s18, $0x2;
	[tilespmem:s19+$0x11E00] =	vst @!p2 v3  }
0x1a7: {  	s18 =	sadd.s32 $0x4, s18;
	v3 =	vld [tilespmem:s20+$0x14D00]  }
0x1a8: {  	p1 =	sne.s32 s18, $0x1F40;
	v4 =	vld [tilespmem:s20+$0x14500];
	_ =	sdelay $0x3  }
0x1a9: {  	(v2sf) =	vpush v3, $0x0  }
0x1aa: {  	(v2sf) =	vpush v4, $0x0;
	_ =	sdelay $0xd  }
0x1ab: {  	s19 =	spop (v2sf)  }
0x1ac: {  	v3 =	vld [tilespmem:s19+$0x9E00];
	s19 =	spop (v2sf)  }
0x1ad: {  	v4 =	vld [tilespmem:s19+$0x9E00];
	_ =	sdelay $0x3  }
0x1ae: {  	(v2sf) =	vpush v3, $0x0  }
0x1af: {  	(v2sf) =	vpush v4, $0x0;
	_ =	sdelay $0xd  }
0x1b0: {  	s19 =	spop (v2sf)  }
0x1b1: {  	s20 =	spop (v2sf)  }
0x1b2: {  	p2 =	sge.s32 s19, s20  }
0x1b3: {  	s21 =	sand.u32 @!p2 $0x7F, s20  }
0x1b4: {  	v3 =	vld @!p2 [tilespmem:s21+$0x11D00];
	_ =	sdelay $0x4  }
0x1b5: {  	(v2sf) =	vpush @!p2 v3, $0x0;
	_ =	sdelay $0xe  }
0x1b6: {  	v4 =	vlaneseq.u32 @!p2;
	s19 =	spop @!p2 (v2sf)  }
0x1b7: {  	vm1 =	veq.s32 @!p2 v4, $0x0;
	s19 =	sadd.s32 @!p2 $0x1, s19  }
0x1b8: {  	s20 =	sshrl.u32 @!p2 s20, $0x7;
	v3 =	vsel @!p2 vm1, s19, v3  }
0x1b9: {  	s19 =	sand.u32 @!p2 $0x7F, s20;
	[tilespmem:s21+$0x11D00] =	vst @!p2 v3  }
0x1ba: {  	v3 =	vld @!p2 [tilespmem:s19+$0x11E00];
	_ =	sdelay $0x4  }
0x1bb: {  	(v2sf) =	vpush @!p2 v3, $0x0;
	_ =	sdelay $0xc  }
.Ltmp18:
0x1bc: {  	(pc) =	sbr.rel @p1 .LBB2_34-.Ltmp18, $4  }
0x1bd: {  	_ = 	snop  }
0x1be: {  	s20 =	spop @!p2 (v2sf)  }
0x1bf: {  	s20 =	sadd.s32 @!p2 $0x1, s20  }
0x1c0: {  	v3 =	vsel @!p2 vm1, s20, v3  }
0x1c1: {  	s17 =	sadd.s32 $0x1, s17  }
0x1c2: {  	p1 =	sne.s32 s17, $0x50  }
.Ltmp19:
0x1c3: {  	_ = 	snop;
	(pc) =	sbr.rel @p1 .LBB2_33-.Ltmp19, $2  }
0x1c4: {  	_ =	sdelay $0x2  }
0x1c5: {  	[tilespmem:s19+$0x11E00] =	vst @!p2 v3;
	s18 =	simm.s32 $0x0  }
0x1c6: {  	s20 =	simm.s32 $0x0  }
0x1c7: {  	v4 =	vld [tilespmem:s20+$0x11D00];
	_ =	sdelay $0x4  }
0x1c8: {  	(v2sf) =	vpush v4, $0x0;
	_ =	sdelay $0x8  }
0x1c9: {  	s17 =	simm.s32 $0x1  }
0x1ca: {  	v5 =	vld [tilespmem:s17+$0x11D00]  }
0x1cb: {  	s16 =	simm.s32 $0x2  }
0x1cc: {  	v3 =	vld [tilespmem:s16+$0x11D00];
	_ =	sdelay $0x1  }
0x1cd: {  	v6 =	vld [tilespmem:s20+$0x12100]  }
0x1ce: {  	v7 =	vld [tilespmem:s20+$0x11F00];
	s22 =	spop (v2sf);
	(v2sf) =	vpush v5, $0x0;
	_ =	sdelay $0x1  }
0x1cf: {  	(v2sf) =	vpush v3, $0x0;
	_ =	sdelay $0x1  }
0x1d0: {  	vm1 =	veq.s32 v0, $0x0;
	v4 =	vsel vm0, v4, v6  }
0x1d1: {  	[tilespmem:s20+$0x12100] =	vst v4;
	v4 =	vsel vm1, s18, v7  }
0x1d2: {  	v6 =	vld [tilespmem:s17+$0x12100];
	[tilespmem:s20+$0x11F00] =	vst v4  }
0x1d3: {  	v7 =	vld [tilespmem:s17+$0x11F00]  }
0x1d4: {  	s19 =	simm.s32 $0x10;
	s21 =	simm.s32 $0x3;
	s26 =	simm.s32 $0x14  }
0x1d5: {  	s25 =	simm.s32 $0x0;
	s24 =	simm.s32 $0x1;
	v4 =	vld [tilespmem:s21+$0x11D00];
	s22 =	sadd.s32 $0x1F, s22  }
0x1d6: {  	s23 =	simm.s32 $0x10;
	s28 =	sand.u32 $0xFFFFFFE0, s22;
	s22 =	simm.s32 $0x2  }
.LBB2_37:
0x1d7: {  	p1 =	sne.s32 s26, $0x1FC;
	v6 =	vsel vm0, v5, v6;
	s25 =	sadd.s32 s25, s28;
	v5 =	vmov v3  }
0x1d8: {  	[tilespmem:s24+$0x12100] =	vst v6;
	v8 =	vsel vm1, s25, v7  }
.Ltmp20:
0x1d9: {  	v6 =	vld [tilespmem:s22+$0x12100];
	[tilespmem:s24+$0x11F00] =	vst v8;
	s24 =	smov.u32 s22;
	s22 =	smov.u32 s21;
	(pc) =	sbr.rel @p1 .LBB2_37-.Ltmp20, $4  }
0x1da: {  	(v2sf) =	vpush v4, $0x0;
	v7 =	vld [tilespmem:s24+$0x11F00];
	v3 =	vmov v4  }
0x1db: {  	s21 =	sshra.s32 s23, $0x2;
	s23 =	smov.u32 s26;
	s28 =	spop (v2sf)  }
0x1dc: {  	v4 =	vld [tilespmem:s21+$0x11D00];
	s28 =	sadd.s32 $0x1F, s28  }
0x1dd: {  	s26 =	sadd.s32 $0x4, s26;
	s28 =	sand.u32 $0xFFFFFFE0, s28  }
0x1de: {  	v5 =	vsel vm0, v5, v6;
	vm1 =	veq.s32 v0, $0x0;
	s25 =	sadd.s32 s25, s28  }
0x1df: {  	[tilespmem:s24+$0x12100] =	vst v5;
	v5 =	vsel vm1, s25, v7  }
0x1e0: {  	v6 =	vld [tilespmem:s22+$0x12100];
	[tilespmem:s24+$0x11F00] =	vst v5  }
0x1e1: {  	(v2sf) =	vpush v4, $0x0;
	v5 =	vld [tilespmem:s22+$0x11F00]  }
0x1e2: {  	s26 =	spop (v2sf)  }
0x1e3: {  	s24 =	sadd.s32 $0x1F, s26  }
0x1e4: {  	s24 =	sand.u32 $0xFFFFFFE0, s24  }
0x1e5: {  	s23 =	sshra.s32 s23, $0x2;
	s24 =	sadd.s32 s25, s24;
	v3 =	vsel vm0, v3, v6  }
0x1e6: {  	v7 =	vld [tilespmem:s23+$0x11D00];
	[tilespmem:s22+$0x12100] =	vst v3;
	v3 =	vsel vm1, s24, v5  }
0x1e7: {  	v5 =	vld [tilespmem:s21+$0x12100];
	[tilespmem:s22+$0x11F00] =	vst v3  }
0x1e8: {  	v3 =	vld [tilespmem:s21+$0x11F00]  }
0x1e9: {  	s28 =	spop (v2sf)  }
0x1ea: {  	s22 =	sadd.s32 $0x1F, s28  }
0x1eb: {  	s22 =	sand.u32 $0xFFFFFFE0, s22  }
0x1ec: {  	v4 =	vsel vm0, v4, v5;
	s22 =	sadd.s32 s24, s22  }
0x1ed: {  	[tilespmem:s21+$0x12100] =	vst v4;
	v3 =	vsel vm1, s22, v3  }
0x1ee: {  	v4 =	vld [tilespmem:s23+$0x12100];
	[tilespmem:s21+$0x11F00] =	vst v3  }
0x1ef: {  	v3 =	vld [tilespmem:s23+$0x11F00]  }
0x1f0: {  	s29 =	spop (v2sf)  }
0x1f1: {  	s21 =	sadd.s32 $0x1F, s29  }
0x1f2: {  	s21 =	sand.u32 $0xFFFFFFE0, s21  }
0x1f3: {  	v4 =	vsel vm0, v7, v4;
	s21 =	sadd.s32 s22, s21  }
0x1f4: {  	[tilespmem:s23+$0x12100] =	vst v4;
	v3 =	vsel vm1, s21, v3  }
0x1f5: {  	[tilespmem:s23+$0x11F00] =	vst v3  }
0x1f6: {  	v3 =	vld [tilespmem:s20+$0x11E00];
	_ =	sdelay $0x2  }
0x1f7: {  	(v2sf) =	vpush v7, $0x0;
	_ =	sdelay $0x1  }
0x1f8: {  	(v2sf) =	vpush v3, $0x0;
	_ =	sdelay $0x7  }
0x1f9: {  	v5 =	vld [tilespmem:s17+$0x11E00];
	_ =	sdelay $0x1  }
0x1fa: {  	v4 =	vld [tilespmem:s16+$0x11E00];
	_ =	sdelay $0x1  }
0x1fb: {  	v6 =	vld [tilespmem:s20+$0x12200]  }
0x1fc: {  	s30 =	spop (v2sf);
	v7 =	vld [tilespmem:s20+$0x12000];
	(v2sf) =	vpush v5, $0x0;
	_ =	sdelay $0x1  }
0x1fd: {  	s21 =	spop (v2sf);
	(v2sf) =	vpush v4, $0x0;
	_ =	sdelay $0x1  }
0x1fe: {  	v3 =	vsel vm0, v3, v6  }
0x1ff: {  	[tilespmem:s20+$0x12200] =	vst v3;
	v3 =	vsel vm1, s18, v7  }
0x200: {  	v6 =	vld [tilespmem:s17+$0x12200];
	[tilespmem:s20+$0x12000] =	vst v3  }
0x201: {  	v7 =	vld [tilespmem:s17+$0x12000]  }
0x202: {  	s20 =	simm.s32 $0x3  }
0x203: {  	v3 =	vld [tilespmem:s20+$0x11E00];
	s31 =	sadd.s32 $0x1F, s21  }
0x204: {  	s21 =	simm.s32 $0x14;
	s22 =	sand.u32 $0xFFFFFFE0, s31  }
.LBB2_39:
0x205: {  	p1 =	sne.s32 s21, $0x1FC;
	v6 =	vsel vm0, v5, v6;
	s18 =	sadd.s32 s18, s22;
	v5 =	vmov v4  }
0x206: {  	[tilespmem:s17+$0x12200] =	vst v6;
	v8 =	vsel vm1, s18, v7  }
.Ltmp21:
0x207: {  	v6 =	vld [tilespmem:s16+$0x12200];
	[tilespmem:s17+$0x12000] =	vst v8;
	s17 =	smov.u32 s16;
	s16 =	smov.u32 s20;
	(pc) =	sbr.rel @p1 .LBB2_39-.Ltmp21, $4  }
0x208: {  	(v2sf) =	vpush v3, $0x0;
	v7 =	vld [tilespmem:s17+$0x12000];
	v4 =	vmov v3  }
0x209: {  	s20 =	sshra.s32 s19, $0x2;
	s19 =	smov.u32 s21;
	s22 =	spop (v2sf)  }
0x20a: {  	v3 =	vld [tilespmem:s20+$0x11E00];
	s22 =	sadd.s32 $0x1F, s22  }
0x20b: {  	s21 =	sadd.s32 $0x4, s21;
	s22 =	sand.u32 $0xFFFFFFE0, s22  }
0x20c: {  	v5 =	vsel vm0, v5, v6;
	s18 =	sadd.s32 s18, s22  }
0x20d: {  	[tilespmem:s17+$0x12200] =	vst v5;
	v52 =	vsel vm1, s18, v7  }
0x20e: {  	v53 =	vld [tilespmem:s16+$0x12200];
	[tilespmem:s17+$0x12000] =	vst v52  }
0x20f: {  	(v2sf) =	vpush v3, $0x0;
	v5 =	vld [tilespmem:s16+$0x12000]  }
0x210: {  	s28 =	spop (v2sf)  }
0x211: {  	s17 =	sadd.s32 $0x1F, s28  }
0x212: {  	s17 =	sand.u32 $0xFFFFFFE0, s17  }
0x213: {  	s19 =	sshra.s32 s19, $0x2;
	s17 =	sadd.s32 s18, s17;
	v4 =	vsel vm0, v4, v53  }
0x214: {  	v54 =	vld [tilespmem:s19+$0x11E00];
	[tilespmem:s16+$0x12200] =	vst v4;
	v55 =	vsel vm1, s17, v5  }
0x215: {  	v56 =	vld [tilespmem:s20+$0x12200];
	[tilespmem:s16+$0x12000] =	vst v55  }
0x216: {  	v4 =	vld [tilespmem:s20+$0x12000]  }
0x217: {  	s29 =	spop (v2sf)  }
0x218: {  	s16 =	sadd.s32 $0x1F, s29  }
0x219: {  	s16 =	sand.u32 $0xFFFFFFE0, s16  }
0x21a: {  	v3 =	vsel vm0, v3, v56;
	s16 =	sadd.s32 s17, s16  }
0x21b: {  	[tilespmem:s20+$0x12200] =	vst v3;
	v3 =	vsel vm1, s16, v4  }
0x21c: {  	v57 =	vld [tilespmem:s19+$0x12200];
	[tilespmem:s20+$0x12000] =	vst v3  }
0x21d: {  	v3 =	vld [tilespmem:s19+$0x12000]  }
0x21e: {  	s30 =	spop (v2sf)  }
0x21f: {  	s17 =	sadd.s32 $0x1F, s30  }
0x220: {  	s17 =	sand.u32 $0xFFFFFFE0, s17  }
0x221: {  	(v2sf) =	vpush v54, $0x0;
	v4 =	vsel vm0, v54, v57;
	s16 =	sadd.s32 s16, s17  }
0x222: {  	[tilespmem:s19+$0x12200] =	vst v4;
	v3 =	vsel vm1, s16, v3  }
0x223: {  	[tilespmem:s19+$0x12000] =	vst v3  }
0x224: {  	v3 =	vld [tilespmem:$0x11F00]  }
0x225: {  	v4 =	vld [tilespmem:$0x11F10]  }
0x226: {  	v58 =	vld [tilespmem:$0x11F20]  }
0x227: {  	v59 =	vld [tilespmem:$0x11F30]  }
0x228: {  	v60 =	vld [tilespmem:$0x11F40]  }
0x229: {  	v61 =	vld [tilespmem:$0x11F60];
	[tilespmem:$0x12300] =	vst v3  }
0x22a: {  	v62 =	vld [tilespmem:$0x11F70];
	[tilespmem:$0x12310] =	vst v4  }
0x22b: {  	v3 =	vld [tilespmem:$0x11F50];
	[tilespmem:$0x12320] =	vst v58  }
0x22c: {  	[tilespmem:$0x12330] =	vst v59  }
0x22d: {  	[tilespmem:$0x12340] =	vst v60  }
0x22e: {  	[tilespmem:$0x12360] =	vst v61  }
0x22f: {  	[tilespmem:$0x12370] =	vst v62  }
0x230: {  	s17 =	simm.s32 $0x0;
	s16 =	simm.s32 $0x0;
	s31 =	spop (v2sf);
	[tilespmem:$0x12350] =	vst v3  }
.LBB2_41:
0x231: {  	s18 =	smul.u32 $0xFA, s17;
	_ =	sdelay $0x1  }
0x232: {  	s19 =	sadd.s32 s4, s18  }
0x233: {  	[tilespmem:s11], [sflag:$0x1] =	stream.linear.gather [hbm4b:s19+s16], $0x7D0, $0x38;
	v63 =	vld [tilespmem:$0x0]  }
0x234: {  	_ =	swait.ge [sflag:s10], $0x7D0  }
0x235: {  	[sflag:s10] =	ssyncset.done $0x0  }
0x236: {  	s18 =	sadd.s32 s5, s18;
	[sflag:s10] =	ssyncadd.s32 $0xFFFFF830  }
0x237: {  	[tilespmem:s12], [sflag:$0x1] =	stream.linear.gather [hbm4b:s18+s16], $0x7D0, $0x38;
	v63 =	vld [tilespmem:$0x0]  }
0x238: {  	_ =	swait.ge [sflag:s10], $0x7D0  }
0x239: {  	[sflag:s10] =	ssyncset.done $0x0  }
0x23a: {  	s28 =	simm.s32 $0x0;
	[sflag:s10] =	ssyncadd.s32 $0xFFFFF830  }
0x23b: {  	v3 =	vld [tilespmem:s28+$0x14500]  }
0x23c: {  	v4 =	vld [tilespmem:s28+$0x14D00];
	_ =	sdelay $0x3  }
0x23d: {  	(v2sf) =	vpush v3, $0x0  }
0x23e: {  	(v2sf) =	vpush v4, $0x0;
	_ =	sdelay $0xd  }
0x23f: {  	s29 =	spop (v2sf)  }
0x240: {  	v3 =	vld [tilespmem:s29+$0x9E00];
	s30 =	spop (v2sf)  }
0x241: {  	v4 =	vld [tilespmem:s30+$0x9E00];
	_ =	sdelay $0x3  }
0x242: {  	(v2sf) =	vpush v3, $0x0  }
0x243: {  	(v2sf) =	vpush v4, $0x0;
	_ =	sdelay $0xd  }
0x244: {  	s18 =	spop (v2sf)  }
0x245: {  	s31 =	spop (v2sf)  }
0x246: {  	p2 =	sge.s32 s31, s18  }
0x247: {  	s19 =	sand.u32 @!p2 $0x7F, s18  }
0x248: {  	v5 =	vld @!p2 [tilespmem:s19+$0x14400];
	_ =	sdelay $0x4  }
0x249: {  	(v2sf) =	vpush @!p2 v5, $0x0;
	_ =	sdelay $0xe  }
0x24a: {  	s18 =	spop @!p2 (v2sf)  }
0x24b: {  	s20 =	sshll.u32 @!p2 s19, $0x6;
	s21 =	sshll.u32 @!p2 s18, $0x3  }
0x24c: {  	s20 =	sadd.s32 @!p2 $0x12400, s20;
	s21 =	sshra.s32 @!p2 s21, $0x2  }
0x24d: {  	s21 =	sadd.s32 @!p2 s21, s20  }
0x24e: {  	v5 =	vld @!p2 [tilespmem:s21+$0x0];
	_ =	sdelay $0x3  }
0x24f: {  	vm1 =	vmmov @!p2 $0x1  }
0x250: {  	v3 =	vsel @!p2 vm1, v3, v5  }
0x251: {  	[tilespmem:s21+$0x0] =	vst @!p2 v3  }
0x252: {  	v3 =	vld @!p2 [tilespmem:s21+$0x1];
	_ =	sdelay $0x4  }
0x253: {  	p1 =	sne.s32 @!p2 s18, $0x1F;
	v3 =	vsel @!p2 vm1, v4, v3  }
0x254: {  	p3 =	por p1, p2;
	[tilespmem:s21+$0x1] =	vst @!p2 v3  }
0x255: {  	v3 =	vld @!p3 [tilespmem:s19+$0x12300];
	_ =	sdelay $0x4  }
0x256: {  	(v2sf) =	vpush @!p3 v3, $0x0;
	_ =	sdelay $0xe  }
0x257: {  	s21 =	spop @!p3 (v2sf)  }
0x258: {  	s22 =	sshll.u32 @!p3 s21, $0x3  }
0x259: {  	s22 =	sshra.s32 @!p3 s22, $0x2  }
0x25a: {  	s23 =	simm.s32 @!p3 $0x1;
	s22 =	sadd.s32 @!p3 s22, s1  }
0x25b: {  	[spmem:s22] =	stream.linear.scatter @!p3 [tilespmem:s20], [sflag:$0x1], $0x40, $0x38;
	v63 =	vld [tilespmem:$0x0]  }
0x25c: {  	_ =	swait.ge @!p3 [sflag:s23], $0x40  }
0x25d: {  	[sflag:s23] =	ssyncset.done @!p3 $0x0  }
0x25e: {  	[sflag:s23] =	ssyncadd.s32 @!p3 $0xFFFFFFC0  }
0x25f: {  	v3 =	vlaneseq.u32 @!p2;
	v4 =	vld @!p3 [tilespmem:s19+$0x12300]  }
0x260: {  	vm1 =	veq.s32 @!p2 v3, $0x0;
	v3 =	vld @!p2 [tilespmem:s19+$0x14400]  }
0x261: {  	v5 =	vlaneseq.u32 @!p3;
	s20 =	sadd.s32 @!p2 $0x1, s18  }
0x262: {  	vm2 =	veq.s32 @!p3 v5, $0x0;
	s21 =	sadd.s32 @!p3 $0x20, s21;
	s18 =	simm.s32 $0x4;
	s20 =	sand.u32 @!p2 $0x1F, s20  }
.LBB2_42:
0x263: {  	_ = 	snop  }
0x264: {  	v4 =	vsel @!p3 vm2, s21, v4;
	s21 =	smov.u32 s18;
	s18 =	sadd.s32 $0x4, s18  }
0x265: {  	p1 =	sne.s32 s18, $0x1F40;
	[tilespmem:s19+$0x12300] =	vst @!p3 v4;
	v3 =	vsel @!p2 vm1, s20, v3  }
0x266: {  	s20 =	sshra.s32 s21, $0x2;
	[tilespmem:s19+$0x14400] =	vst @!p2 v3  }
0x267: {  	v3 =	vld [tilespmem:s20+$0x14500]  }
0x268: {  	v4 =	vld [tilespmem:s20+$0x14D00];
	_ =	sdelay $0x3  }
0x269: {  	(v2sf) =	vpush v3, $0x0  }
0x26a: {  	(v2sf) =	vpush v4, $0x0;
	_ =	sdelay $0xd  }
0x26b: {  	s19 =	spop (v2sf)  }
0x26c: {  	v3 =	vld [tilespmem:s19+$0x9E00];
	s19 =	spop (v2sf)  }
0x26d: {  	v4 =	vld [tilespmem:s19+$0x9E00];
	_ =	sdelay $0x3  }
0x26e: {  	(v2sf) =	vpush v3, $0x0  }
0x26f: {  	(v2sf) =	vpush v4, $0x0;
	_ =	sdelay $0xd  }
0x270: {  	s19 =	spop (v2sf)  }
0x271: {  	s20 =	spop (v2sf)  }
0x272: {  	p2 =	sge.s32 s20, s19  }
0x273: {  	s19 =	sand.u32 @!p2 $0x7F, s19;
	v5 =	vlaneseq.u32 @!p2  }
0x274: {  	v6 =	vld @!p2 [tilespmem:s19+$0x14400];
	s20 =	sshll.u32 @!p2 s19, $0x6;
	vm1 =	veq.s32 @!p2 v5, $0x0;
	_ =	sdelay $0x4  }
0x275: {  	(v2sf) =	vpush @!p2 v6, $0x0;
	_ =	sdelay $0xe  }
0x276: {  	s22 =	spop @!p2 (v2sf)  }
0x277: {  	s21 =	sadd.s32 @!p2 $0x12400, s20;
	s20 =	sshll.u32 @!p2 s22, $0x3;
	p3 =	sne.s32 @!p2 s22, $0x1F  }
0x278: {  	s22 =	sadd.s32 @!p2 $0x1, s22;
	s20 =	sshra.s32 @!p2 s20, $0x2  }
0x279: {  	s23 =	sadd.s32 @!p2 s20, s21;
	s20 =	sand.u32 @!p2 $0x1F, s22  }
0x27a: {  	v5 =	vld @!p2 [tilespmem:s23+$0x0];
	_ =	sdelay $0x2  }
0x27b: {  	vm2 =	vmmov @!p2 $0x1;
	_ =	sdelay $0x1  }
0x27c: {  	v3 =	vsel @!p2 vm2, v3, v5  }
0x27d: {  	[tilespmem:s23+$0x0] =	vst @!p2 v3  }
0x27e: {  	v3 =	vld @!p2 [tilespmem:s23+$0x1];
	_ =	sdelay $0x4  }
0x27f: {  	v3 =	vsel @!p2 vm2, v4, v3  }
0x280: {  	p3 =	por p3, p2;
	[tilespmem:s23+$0x1] =	vst @!p2 v3  }
0x281: {  	v4 =	vlaneseq.u32 @!p3;
	v3 =	vld @!p3 [tilespmem:s19+$0x12300]  }
0x282: {  	vm2 =	veq.s32 @!p3 v4, $0x0;
	_ =	sdelay $0x3  }
0x283: {  	(v2sf) =	vpush @!p3 v3, $0x0;
	_ =	sdelay $0xe  }
0x284: {  	s22 =	spop @!p3 (v2sf)  }
0x285: {  	s23 =	sshll.u32 @!p3 s22, $0x3  }
0x286: {  	s23 =	sshra.s32 @!p3 s23, $0x2  }
0x287: {  	s24 =	simm.s32 @!p3 $0x1;
	s23 =	sadd.s32 @!p3 s23, s1  }
0x288: {  	[spmem:s23] =	stream.linear.scatter @!p3 [tilespmem:s21], [sflag:$0x1], $0x40, $0x38;
	v63 =	vld [tilespmem:$0x0]  }
0x289: {  	_ =	swait.ge @!p3 [sflag:s24], $0x40  }
0x28a: {  	[sflag:s24] =	ssyncset.done @!p3 $0x0  }
.Ltmp22:
0x28b: {  	[sflag:s24] =	ssyncadd.s32 @!p3 $0xFFFFFFC0;
	(pc) =	sbr.rel @p1 .LBB2_42-.Ltmp22, $3  }
0x28c: {  	v4 =	vld @!p3 [tilespmem:s19+$0x12300]  }
0x28d: {  	v3 =	vld @!p2 [tilespmem:s19+$0x14400];
	_ =	sdelay $0x1  }
0x28e: {  	s21 =	sadd.s32 @!p3 $0x20, s22  }
0x28f: {  	s17 =	sadd.s32 $0x1, s17  }
0x290: {  	p1 =	sne.s32 s17, $0x50  }
.Ltmp23:
0x291: {  	_ = 	snop;
	(pc) =	sbr.rel @p1 .LBB2_41-.Ltmp23, $4  }
0x292: {  	_ = 	snop  }
0x293: {  	v4 =	vsel @!p3 vm2, s21, v4  }
0x294: {  	[tilespmem:s19+$0x12300] =	vst @!p3 v4;
	v3 =	vsel @!p2 vm1, s20, v3  }
0x295: {  	[tilespmem:s19+$0x14400] =	vst @!p2 v3  }
0x296: {  	s16 =	simm.s32 $0x0  }
0x297: {  	v3 =	vld [tilespmem:s16+$0x14400];
	_ =	sdelay $0x4  }
0x298: {  	(v2sf) =	vpush v3, $0x0;
	_ =	sdelay $0xe  }
0x299: {  	s31 =	spop (v2sf)  }
0x29a: {  	p1 =	slt.s32 s31, $0x1  }
0x29b: {  	s19 =	simm.s32 @!p1 $0x0  }
0x29c: {  	v3 =	vld @!p1 [tilespmem:s19+$0x12300];
	_ =	sdelay $0x4  }
0x29d: {  	(v2sf) =	vpush @!p1 v3, $0x0;
	_ =	sdelay $0xe  }
0x29e: {  	s16 =	spop @!p1 (v2sf)  }
0x29f: {  	s16 =	sshll.u32 @!p1 s16, $0x3  }
0x2a0: {  	s17 =	sshra.s32 @!p1 s16, $0x2  }
0x2a1: {  	s18 =	simm.s32 @!p1 $0x1;
	s16 =	simm.s32 $0x12400;
	s17 =	sadd.s32 @!p1 s17, s1  }
0x2a2: {  	[spmem:s17] =	stream.linear.scatter @!p1 [tilespmem:s16], [sflag:$0x1], $0x40, $0x38;
	v63 =	vld [tilespmem:$0x0]  }
0x2a3: {  	_ =	swait.ge @!p1 [sflag:s18], $0x40  }
0x2a4: {  	[sflag:s18] =	ssyncset.done @!p1 $0x0  }
0x2a5: {  	[sflag:s18] =	ssyncadd.s32 @!p1 $0xFFFFFFC0  }
0x2a6: {  	v3 =	vld @!p1 [tilespmem:s19+$0x14400];
	_ =	sdelay $0x2  }
0x2a7: {  	v4 =	vlaneseq.u32 @!p1  }
0x2a8: {  	vm1 =	veq.s32 @!p1 v4, $0x0  }
0x2a9: {  	s17 =	simm.s32 $0x4;
	s18 =	simm.s32 $0x8;
	v3 =	vsel @!p1 vm1, $0x0, v3  }
.LBB2_45:
0x2aa: {  	s20 =	sshra.s32 s17, $0x2  }
0x2ab: {  	[tilespmem:s19+$0x14400] =	vst @!p1 v3;
	s16 =	sadd.s32 $0x40, s16;
	s21 =	smov.u32 s18;
	s18 =	sadd.s32 $0x4, s18  }
0x2ac: {  	p2 =	sne.s32 s18, $0x200;
	v3 =	vld [tilespmem:s20+$0x14400];
	_ =	sdelay $0x4  }
0x2ad: {  	(v2sf) =	vpush v3, $0x0;
	_ =	sdelay $0xe  }
0x2ae: {  	s19 =	spop (v2sf)  }
0x2af: {  	p1 =	slt.s32 s19, $0x1  }
0x2b0: {  	s19 =	sshra.s32 @!p1 s17, $0x2;
	v3 =	vlaneseq.u32 @!p1;
	s17 =	smov.u32 s21  }
0x2b1: {  	v4 =	vld @!p1 [tilespmem:s19+$0x12300];
	vm1 =	veq.s32 @!p1 v3, $0x0;
	_ =	sdelay $0x4  }
0x2b2: {  	(v2sf) =	vpush @!p1 v4, $0x0;
	_ =	sdelay $0xe  }
0x2b3: {  	s20 =	spop @!p1 (v2sf)  }
0x2b4: {  	s20 =	sshll.u32 @!p1 s20, $0x3  }
0x2b5: {  	s20 =	sshra.s32 @!p1 s20, $0x2  }
0x2b6: {  	s21 =	simm.s32 @!p1 $0x1;
	s20 =	sadd.s32 @!p1 s20, s1  }
0x2b7: {  	[spmem:s20] =	stream.linear.scatter @!p1 [tilespmem:s16], [sflag:$0x1], $0x40, $0x38;
	v63 =	vld [tilespmem:$0x0]  }
0x2b8: {  	_ =	swait.ge @!p1 [sflag:s21], $0x40  }
0x2b9: {  	[sflag:s21] =	ssyncset.done @!p1 $0x0  }
0x2ba: {  	[sflag:s21] =	ssyncadd.s32 @!p1 $0xFFFFFFC0  }
0x2bb: {  	v3 =	vld @!p1 [tilespmem:s19+$0x14400]  }
.Ltmp24:
0x2bc: {  	(pc) =	sbr.rel @p2 .LBB2_45-.Ltmp24, $2  }
0x2bd: {  	_ =	sdelay $0x2  }
0x2be: {  	v3 =	vsel @!p1 vm1, $0x0, v3  }
0x2bf: {  	s18 =	sshra.s32 s17, $0x2;
	[tilespmem:s19+$0x14400] =	vst @!p1 v3  }
0x2c0: {  	v3 =	vld [tilespmem:s18+$0x14400];
	_ =	sdelay $0x4  }
0x2c1: {  	(v2sf) =	vpush v3, $0x0;
	_ =	sdelay $0xe  }
0x2c2: {  	s31 =	spop (v2sf)  }
0x2c3: {  	p1 =	slt.s32 s31, $0x1  }
0x2c4: {  	s17 =	sshra.s32 @!p1 s17, $0x2  }
0x2c5: {  	v3 =	vld @!p1 [tilespmem:s17+$0x12300];
	_ =	sdelay $0x4  }
0x2c6: {  	(v2sf) =	vpush @!p1 v3, $0x0;
	_ =	sdelay $0xe  }
0x2c7: {  	s18 =	spop @!p1 (v2sf)  }
0x2c8: {  	s18 =	sshll.u32 @!p1 s18, $0x3  }
0x2c9: {  	s18 =	sshra.s32 @!p1 s18, $0x2  }
0x2ca: {  	s16 =	sadd.s32 $0x40, s16;
	s19 =	simm.s32 @!p1 $0x1;
	s18 =	sadd.s32 @!p1 s18, s1  }
0x2cb: {  	[spmem:s18] =	stream.linear.scatter @!p1 [tilespmem:s16], [sflag:$0x1], $0x40, $0x38;
	v63 =	vld [tilespmem:$0x0]  }
0x2cc: {  	_ =	swait.ge @!p1 [sflag:s19], $0x40  }
0x2cd: {  	[sflag:s19] =	ssyncset.done @!p1 $0x0  }
0x2ce: {  	[sflag:s19] =	ssyncadd.s32 @!p1 $0xFFFFFFC0  }
0x2cf: {  	v3 =	vld @!p1 [tilespmem:s17+$0x14400];
	_ =	sdelay $0x2  }
0x2d0: {  	v4 =	vlaneseq.u32 @!p1  }
0x2d1: {  	vm1 =	veq.s32 @!p1 v4, $0x0  }
0x2d2: {  	v3 =	vsel @!p1 vm1, $0x0, v3  }
0x2d3: {  	[tilespmem:s17+$0x14400] =	vst @!p1 v3  }
0x2d4: {  	v3 =	vld [tilespmem:$0x12000]  }
0x2d5: {  	v60 =	vld [tilespmem:$0x12010]  }
0x2d6: {  	v5 =	vld [tilespmem:$0x12020]  }
0x2d7: {  	v6 =	vld [tilespmem:$0x12030]  }
0x2d8: {  	v7 =	vld [tilespmem:$0x12040]  }
0x2d9: {  	v61 =	vld [tilespmem:$0x12060];
	[tilespmem:$0x12300] =	vst v3  }
0x2da: {  	v62 =	vld [tilespmem:$0x12070];
	[tilespmem:$0x12310] =	vst v60  }
0x2db: {  	v3 =	vld [tilespmem:$0x12050];
	[tilespmem:$0x12320] =	vst v5  }
.Ltmp25:
0x2dc: {  	[tilespmem:$0x12330] =	vst v6;
	(pc) =	sbr.rel .LBB2_47-.Ltmp25, $4  }
0x2dd: {  	[tilespmem:$0x12340] =	vst v7  }
0x2de: {  	[tilespmem:$0x12360] =	vst v61  }
0x2df: {  	[tilespmem:$0x12370] =	vst v62  }
0x2e0: {  	s16 =	simm.s32 $0x0;
	[tilespmem:$0x12350] =	vst v3  }
.LBB2_54:
0x2e1: {  	s16 =	sadd.s32 $0x1, s16  }
0x2e2: {  	p1 =	sne.s32 s16, $0x80  }
.Ltmp26:
0x2e3: {  	_ = 	snop;
	(pc) =	sbr.rel @!p1 .LBB2_55-.Ltmp26, $1  }
0x2e4: {  	_ =	sdelay $0x3  }
.LBB2_47:
0x2e5: {  	v3 =	vld [tilespmem:s16+$0x12100];
	_ =	sdelay $0x4  }
0x2e6: {  	(v2sf) =	vpush v3, $0x0;
	_ =	sdelay $0xe  }
0x2e7: {  	s17 =	spop (v2sf)  }
0x2e8: {  	s18 =	sadd.s32 $0x3FF, s17  }
0x2e9: {  	s18 =	sshra.s32 s18, $0xA  }
0x2ea: {  	p1 =	slt.s32 s18, $0x1  }
.Ltmp27:
0x2eb: {  	_ = 	snop;
	(pc) =	sbr.rel @p1 .LBB2_54-.Ltmp27, $1  }
0x2ec: {  	_ =	sdelay $0x3  }
0x2ed: {  	v3 =	vld [tilespmem:s16+$0x11F00];
	_ =	sdelay $0x4  }
0x2ee: {  	(v2sf) =	vpush v3, $0x0;
	_ =	sdelay $0xd  }
.Ltmp28:
0x2ef: {  	_ = 	snop;
	(pc) =	sbr.rel .LBB2_49-.Ltmp28, $4  }
0x2f0: {  	s19 =	spop (v2sf)  }
0x2f1: {  	s19 =	sshll.u32 s19, $0x3  }
0x2f2: {  	s19 =	sshra.s32 s19, $0x2  }
0x2f3: {  	s20 =	simm.s32 $0x0;
	s21 =	smov.u32 s17;
	s19 =	sadd.s32 s19, s1  }
.LBB2_52:
0x2f4: {  	[tilespmem:s23+$0x12300] =	vst @!p2 v4;
	v3 =	vsel vm1, s25, v3  }
0x2f5: {  	[tilespmem:s23+$0x14400] =	vst v3  }
.LBB2_53:
0x2f6: {  	s20 =	sadd.s32 $0x1, s20  }
0x2f7: {  	p1 =	sne.s32 s20, s18  }
.Ltmp29:
0x2f8: {  	_ = 	snop;
	(pc) =	sbr.rel @!p1 .LBB2_54-.Ltmp29, $2  }
0x2f9: {  	_ =	sdelay $0x2  }
0x2fa: {  	s21 =	sadd.s32 $0xFFFFFC00, s21  }
.LBB2_49:
0x2fb: {  	s22 =	sshll.u32 s20, $0xD  }
0x2fc: {  	s22 =	sshra.s32 s22, $0x2  }
0x2fd: {  	s31 =	sshll.u32 s20, $0xA;
	s22 =	sadd.s32 s22, s19  }
0x2fe: {  	[tilespmem:s13], [sflag:$0x1] =	stream.linear.gather [spmem:s22], $0x800, $0x38;
	v63 =	vld [tilespmem:$0x0]  }
0x2ff: {  	s22 =	ssub.s32 s17, s31  }
0x300: {  	p1 =	slt.s32 s22, $0x1  }
.Ltmp30:
0x301: {  	_ = 	snop;
	(pc) =	sbr.rel @p1 .LBB2_53-.Ltmp30, $4  }
0x302: {  	_ = 	snop  }
0x303: {  	_ =	swait.ge [sflag:s10], $0x800  }
0x304: {  	[sflag:s10] =	ssyncset.done $0x0  }
0x305: {  	[sflag:s10] =	ssyncadd.s32 $0xFFFFF800  }
0x306: {  	s22 =	simm.s32 $0x15501  }
0x307: {  	v3 =	vld [tilespmem:s22+$0xFFFFFFFF];
	_ =	sdelay $0x4  }
0x308: {  	(v2sf) =	vpush v3, $0x0;
	_ =	sdelay $0xe  }
0x309: {  	s23 =	spop (v2sf)  }
0x30a: {  	s23 =	sshrl.u32 s23, $0x7  }
0x30b: {  	s23 =	sand.u32 $0x7F, s23  }
0x30c: {  	v4 =	vld [tilespmem:s23+$0x14400];
	_ =	sdelay $0x4  }
0x30d: {  	(v2sf) =	vpush v4, $0x0;
	_ =	sdelay $0xe  }
0x30e: {  	s25 =	spop (v2sf)  }
0x30f: {  	s24 =	sshll.u32 s23, $0x6;
	s26 =	sshll.u32 s25, $0x3  }
0x310: {  	s24 =	sadd.s32 $0x12400, s24;
	s26 =	sshra.s32 s26, $0x2  }
0x311: {  	s26 =	sadd.s32 s26, s24  }
0x312: {  	v4 =	vld [tilespmem:s26+$0x0];
	_ =	sdelay $0x4  }
0x313: {  	v3 =	vsel vm0, v3, v4  }
0x314: {  	v5 =	vld [tilespmem:s22+$0x0];
	[tilespmem:s26+$0x0] =	vst v3  }
0x315: {  	v3 =	vld [tilespmem:s26+$0x1];
	_ =	sdelay $0x4  }
0x316: {  	v3 =	vsel vm0, v5, v3  }
0x317: {  	p2 =	sne.s32 s25, $0x1F;
	[tilespmem:s26+$0x1] =	vst v3  }
0x318: {  	v3 =	vld @!p2 [tilespmem:s23+$0x12300];
	_ =	sdelay $0x4  }
0x319: {  	(v2sf) =	vpush @!p2 v3, $0x0;
	_ =	sdelay $0xe  }
0x31a: {  	s26 =	spop @!p2 (v2sf)  }
0x31b: {  	s28 =	sshll.u32 @!p2 s26, $0x3  }
0x31c: {  	s28 =	sshra.s32 @!p2 s28, $0x2  }
0x31d: {  	s28 =	sadd.s32 @!p2 s28, s2  }
0x31e: {  	[spmem:s28] =	stream.linear.scatter @!p2 [tilespmem:s24], [sflag:$0x1], $0x40, $0x38;
	v63 =	vld [tilespmem:$0x0]  }
0x31f: {  	p1 =	sgt.s32 s21, $0x1;
	s29 =	simm.s32 @!p2 $0x1;
	s24 =	smov.u32 s21  }
0x320: {  	_ =	swait.ge @!p2 [sflag:s29], $0x40;
	s24 =	simm.s32 @!p1 $0x1  }
0x321: {  	[sflag:s29] =	ssyncset.done @!p2 $0x0;
	s24 =	smin.u32 s24, $0x400  }
0x322: {  	[sflag:s29] =	ssyncadd.s32 @!p2 $0xFFFFFFC0;
	s24 =	sadd.s32 $0xFFFFFFFF, s24  }
0x323: {  	v3 =	vlaneseq.u32 @!p2;
	v4 =	vld @!p2 [tilespmem:s23+$0x12300];
	p1 =	sne.s32 s24, $0x0  }
.Ltmp31:
0x324: {  	vm2 =	veq.s32 @!p2 v3, $0x0;
	v3 =	vld [tilespmem:s23+$0x14400];
	(pc) =	sbr.rel @!p1 .LBB2_52-.Ltmp31, $3  }
0x325: {  	_ =	sdelay $0x1  }
0x326: {  	s25 =	sadd.s32 $0x1, s25;
	s26 =	sadd.s32 @!p2 $0x20, s26  }
0x327: {  	vm1 =	veq.s32 v0, $0x0;
	s25 =	sand.u32 $0x1F, s25;
	v4 =	vsel @!p2 vm2, s26, v4  }
.LBB2_51:
0x328: {  	s24 =	sadd.s32 $0xFFFFFFFF, s24;
	[tilespmem:s23+$0x12300] =	vst @!p2 v4;
	v3 =	vsel vm1, s25, v3;
	s22 =	sadd.s32 $0x2, s22  }
0x329: {  	p1 =	sne.s32 s24, $0x0;
	[tilespmem:s23+$0x14400] =	vst v3  }
0x32a: {  	v3 =	vld [tilespmem:s22+$0xFFFFFFFF];
	_ =	sdelay $0x4  }
0x32b: {  	(v2sf) =	vpush v3, $0x0;
	_ =	sdelay $0xe  }
0x32c: {  	s23 =	spop (v2sf)  }
0x32d: {  	s23 =	sshrl.u32 s23, $0x7  }
0x32e: {  	s23 =	sand.u32 $0x7F, s23  }
0x32f: {  	v4 =	vld [tilespmem:s23+$0x14400];
	s26 =	sshll.u32 s23, $0x6;
	_ =	sdelay $0x4  }
0x330: {  	(v2sf) =	vpush v4, $0x0;
	_ =	sdelay $0xe  }
0x331: {  	s28 =	spop (v2sf)  }
0x332: {  	s29 =	sshll.u32 s28, $0x3;
	s25 =	sadd.s32 $0x1, s28  }
0x333: {  	s26 =	sadd.s32 $0x12400, s26;
	s29 =	sshra.s32 s29, $0x2  }
0x334: {  	s29 =	sadd.s32 s29, s26  }
0x335: {  	v4 =	vld [tilespmem:s29+$0x0];
	_ =	sdelay $0x4  }
0x336: {  	v5 =	vld [tilespmem:s22+$0x0];
	v3 =	vsel vm0, v3, v4  }
0x337: {  	[tilespmem:s29+$0x0] =	vst v3  }
0x338: {  	v3 =	vld [tilespmem:s29+$0x1];
	_ =	sdelay $0x4  }
0x339: {  	v3 =	vsel vm0, v5, v3  }
0x33a: {  	p2 =	sne.s32 s28, $0x1F;
	[tilespmem:s29+$0x1] =	vst v3  }
0x33b: {  	v4 =	vlaneseq.u32 @!p2;
	v3 =	vld @!p2 [tilespmem:s23+$0x12300]  }
0x33c: {  	vm2 =	veq.s32 @!p2 v4, $0x0;
	_ =	sdelay $0x3  }
0x33d: {  	(v2sf) =	vpush @!p2 v3, $0x0;
	_ =	sdelay $0xe  }
0x33e: {  	s28 =	spop @!p2 (v2sf)  }
0x33f: {  	s29 =	sshll.u32 @!p2 s28, $0x3  }
0x340: {  	s29 =	sshra.s32 @!p2 s29, $0x2  }
0x341: {  	s30 =	simm.s32 @!p2 $0x1;
	s29 =	sadd.s32 @!p2 s29, s2  }
0x342: {  	[spmem:s29] =	stream.linear.scatter @!p2 [tilespmem:s26], [sflag:$0x1], $0x40, $0x38;
	v63 =	vld [tilespmem:$0x0]  }
0x343: {  	_ =	swait.ge @!p2 [sflag:s30], $0x40  }
0x344: {  	[sflag:s30] =	ssyncset.done @!p2 $0x0  }
0x345: {  	[sflag:s30] =	ssyncadd.s32 @!p2 $0xFFFFFFC0  }
0x346: {  	v4 =	vld @!p2 [tilespmem:s23+$0x12300]  }
.Ltmp32:
0x347: {  	v3 =	vld [tilespmem:s23+$0x14400];
	(pc) =	sbr.rel @p1 .LBB2_51-.Ltmp32, $3  }
0x348: {  	_ =	sdelay $0x1  }
0x349: {  	s25 =	sand.u32 $0x1F, s25;
	s26 =	sadd.s32 @!p2 $0x20, s28  }
0x34a: {  	v4 =	vsel @!p2 vm2, s26, v4  }
.Ltmp33:
0x34b: {  	_ = 	snop;
	(pc) =	sbr.rel .LBB2_52-.Ltmp33, $1  }
0x34c: {  	_ =	sdelay $0x3  }
.LBB2_55:
0x34d: {  	s16 =	simm.s32 $0x0  }
0x34e: {  	v3 =	vld [tilespmem:s16+$0x14400];
	_ =	sdelay $0x4  }
0x34f: {  	(v2sf) =	vpush v3, $0x0;
	_ =	sdelay $0xe  }
0x350: {  	s31 =	spop (v2sf)  }
0x351: {  	p1 =	slt.s32 s31, $0x1  }
0x352: {  	s20 =	simm.s32 @!p1 $0x0  }
0x353: {  	v3 =	vld @!p1 [tilespmem:s20+$0x12300];
	_ =	sdelay $0x4  }
0x354: {  	(v2sf) =	vpush @!p1 v3, $0x0;
	_ =	sdelay $0xe  }
0x355: {  	s16 =	spop @!p1 (v2sf)  }
0x356: {  	s16 =	sshll.u32 @!p1 s16, $0x3  }
0x357: {  	s16 =	sshra.s32 @!p1 s16, $0x2  }
0x358: {  	s17 =	simm.s32 $0x12400;
	s18 =	simm.s32 @!p1 $0x1;
	s16 =	sadd.s32 @!p1 s16, s2  }
0x359: {  	[spmem:s16] =	stream.linear.scatter @!p1 [tilespmem:s17], [sflag:$0x1], $0x40, $0x38;
	v63 =	vld [tilespmem:$0x0]  }
0x35a: {  	_ =	swait.ge @!p1 [sflag:s18], $0x40  }
0x35b: {  	[sflag:s18] =	ssyncset.done @!p1 $0x0  }
0x35c: {  	[sflag:s18] =	ssyncadd.s32 @!p1 $0xFFFFFFC0  }
0x35d: {  	v3 =	vld @!p1 [tilespmem:s20+$0x14400];
	_ =	sdelay $0x2  }
0x35e: {  	v4 =	vlaneseq.u32 @!p1  }
0x35f: {  	vm1 =	veq.s32 @!p1 v4, $0x0  }
0x360: {  	s19 =	simm.s32 $0x8;
	s16 =	simm.s32 $0x0;
	s18 =	simm.s32 $0x4;
	v3 =	vsel @!p1 vm1, $0x0, v3  }
.LBB2_56:
0x361: {  	s21 =	sshra.s32 s18, $0x2  }
0x362: {  	[tilespmem:s20+$0x14400] =	vst @!p1 v3;
	s17 =	sadd.s32 $0x40, s17;
	s22 =	smov.u32 s19;
	s19 =	sadd.s32 $0x4, s19  }
0x363: {  	p2 =	sne.s32 s19, $0x200;
	v3 =	vld [tilespmem:s21+$0x14400];
	_ =	sdelay $0x4  }
0x364: {  	(v2sf) =	vpush v3, $0x0;
	_ =	sdelay $0xe  }
0x365: {  	s20 =	spop (v2sf)  }
0x366: {  	p1 =	slt.s32 s20, $0x1  }
0x367: {  	s20 =	sshra.s32 @!p1 s18, $0x2;
	v3 =	vlaneseq.u32 @!p1;
	s18 =	smov.u32 s22  }
0x368: {  	v4 =	vld @!p1 [tilespmem:s20+$0x12300];
	vm1 =	veq.s32 @!p1 v3, $0x0;
	_ =	sdelay $0x4  }
0x369: {  	(v2sf) =	vpush @!p1 v4, $0x0;
	_ =	sdelay $0xe  }
0x36a: {  	s21 =	spop @!p1 (v2sf)  }
0x36b: {  	s21 =	sshll.u32 @!p1 s21, $0x3  }
0x36c: {  	s21 =	sshra.s32 @!p1 s21, $0x2  }
0x36d: {  	s22 =	simm.s32 @!p1 $0x1;
	s21 =	sadd.s32 @!p1 s21, s2  }
0x36e: {  	[spmem:s21] =	stream.linear.scatter @!p1 [tilespmem:s17], [sflag:$0x1], $0x40, $0x38;
	v63 =	vld [tilespmem:$0x0]  }
0x36f: {  	_ =	swait.ge @!p1 [sflag:s22], $0x40  }
0x370: {  	[sflag:s22] =	ssyncset.done @!p1 $0x0  }
0x371: {  	[sflag:s22] =	ssyncadd.s32 @!p1 $0xFFFFFFC0  }
0x372: {  	v3 =	vld @!p1 [tilespmem:s20+$0x14400]  }
.Ltmp34:
0x373: {  	(pc) =	sbr.rel @p2 .LBB2_56-.Ltmp34, $2  }
0x374: {  	_ =	sdelay $0x2  }
0x375: {  	v3 =	vsel @!p1 vm1, $0x0, v3  }
0x376: {  	s19 =	sshra.s32 s18, $0x2;
	[tilespmem:s20+$0x14400] =	vst @!p1 v3  }
0x377: {  	v3 =	vld [tilespmem:s19+$0x14400];
	_ =	sdelay $0x4  }
0x378: {  	(v2sf) =	vpush v3, $0x0;
	_ =	sdelay $0xe  }
0x379: {  	s31 =	spop (v2sf)  }
0x37a: {  	p1 =	slt.s32 s31, $0x1  }
0x37b: {  	s18 =	sshra.s32 @!p1 s18, $0x2  }
0x37c: {  	v3 =	vld @!p1 [tilespmem:s18+$0x12300];
	_ =	sdelay $0x4  }
0x37d: {  	(v2sf) =	vpush @!p1 v3, $0x0;
	_ =	sdelay $0xe  }
0x37e: {  	s19 =	spop @!p1 (v2sf)  }
0x37f: {  	s19 =	sshll.u32 @!p1 s19, $0x3  }
0x380: {  	s19 =	sshra.s32 @!p1 s19, $0x2  }
0x381: {  	s17 =	sadd.s32 $0x40, s17;
	s20 =	simm.s32 @!p1 $0x1;
	s19 =	sadd.s32 @!p1 s19, s2  }
0x382: {  	[spmem:s19] =	stream.linear.scatter @!p1 [tilespmem:s17], [sflag:$0x1], $0x40, $0x38;
	v63 =	vld [tilespmem:$0x0]  }
0x383: {  	_ =	swait.ge @!p1 [sflag:s20], $0x40  }
0x384: {  	[sflag:s20] =	ssyncset.done @!p1 $0x0  }
0x385: {  	[sflag:s20] =	ssyncadd.s32 @!p1 $0xFFFFFFC0  }
0x386: {  	v3 =	vld @!p1 [tilespmem:s18+$0x14400];
	_ =	sdelay $0x1  }
.Ltmp35:
0x387: {  	_ = 	snop;
	(pc) =	sbr.rel .LBB2_58-.Ltmp35, $4  }
0x388: {  	v4 =	vlaneseq.u32 @!p1  }
0x389: {  	vm1 =	veq.s32 @!p1 v4, $0x0  }
0x38a: {  	v3 =	vsel @!p1 vm1, $0x0, v3  }
0x38b: {  	[tilespmem:s18+$0x14400] =	vst @!p1 v3  }
.LBB2_70:
0x38c: {  	s16 =	sadd.s32 $0x1, s16  }
0x38d: {  	p1 =	sne.s32 s16, $0x80  }
.Ltmp36:
0x38e: {  	_ = 	snop;
	(pc) =	sbr.rel @!p1 .LBB2_71-.Ltmp36, $1  }
0x38f: {  	_ =	sdelay $0x3  }
.LBB2_58:
0x390: {  	v3 =	vld [tilespmem:s16+$0x12200];
	_ =	sdelay $0x4  }
0x391: {  	(v2sf) =	vpush v3, $0x0;
	_ =	sdelay $0xe  }
0x392: {  	s17 =	spop (v2sf)  }
0x393: {  	s18 =	sadd.s32 $0x3FF, s17  }
0x394: {  	s18 =	sshra.s32 s18, $0xA  }
0x395: {  	p1 =	slt.s32 s18, $0x1  }
.Ltmp37:
0x396: {  	_ = 	snop;
	(pc) =	sbr.rel @p1 .LBB2_70-.Ltmp37, $1  }
0x397: {  	_ =	sdelay $0x3  }
0x398: {  	v3 =	vld [tilespmem:s16+$0x12000];
	_ =	sdelay $0x4  }
0x399: {  	(v2sf) =	vpush v3, $0x0;
	_ =	sdelay $0xd  }
.Ltmp38:
0x39a: {  	_ = 	snop;
	(pc) =	sbr.rel .LBB2_60-.Ltmp38, $4  }
0x39b: {  	s19 =	spop (v2sf)  }
0x39c: {  	s19 =	sshll.u32 s19, $0x3  }
0x39d: {  	s19 =	sshra.s32 s19, $0x2  }
0x39e: {  	s20 =	simm.s32 $0x0;
	s21 =	smov.u32 s17;
	s19 =	sadd.s32 s19, s2  }
.LBB2_69:
0x39f: {  	s20 =	sadd.s32 $0x1, s20  }
0x3a0: {  	p1 =	sne.s32 s20, s18  }
.Ltmp39:
0x3a1: {  	_ = 	snop;
	(pc) =	sbr.rel @!p1 .LBB2_70-.Ltmp39, $2  }
0x3a2: {  	_ =	sdelay $0x2  }
0x3a3: {  	s21 =	sadd.s32 $0xFFFFFC00, s21  }
.LBB2_60:
0x3a4: {  	s22 =	sshll.u32 s20, $0xD  }
0x3a5: {  	s22 =	sshra.s32 s22, $0x2  }
0x3a6: {  	s31 =	sshll.u32 s20, $0xA;
	s22 =	sadd.s32 s22, s19  }
0x3a7: {  	[tilespmem:s13], [sflag:$0x1] =	stream.linear.gather [spmem:s22], $0x800, $0x38;
	v63 =	vld [tilespmem:$0x0]  }
0x3a8: {  	s22 =	ssub.s32 s17, s31  }
0x3a9: {  	p1 =	slt.s32 s22, $0x1  }
.Ltmp40:
0x3aa: {  	_ = 	snop;
	(pc) =	sbr.rel @p1 .LBB2_69-.Ltmp40, $4  }
0x3ab: {  	_ = 	snop  }
0x3ac: {  	_ =	swait.ge [sflag:s10], $0x800  }
0x3ad: {  	[sflag:s10] =	ssyncset.done $0x0  }
0x3ae: {  	[sflag:s10] =	ssyncadd.s32 $0xFFFFF800  }
.Ltmp41:
0x3af: {  	(pc) =	sbr.rel .LBB2_62-.Ltmp41, $4  }
0x3b0: {  	_ = 	snop  }
0x3b1: {  	p1 =	sgt.s32 s21, $0x1;
	s22 =	smov.u32 s21  }
0x3b2: {  	s22 =	simm.s32 @!p1 $0x1  }
0x3b3: {  	s23 =	simm.s32 $0x0;
	s22 =	smin.u32 s22, $0x400  }
.LBB2_68:
0x3b4: {  	p1 =	seq.s32 s26, s25  }
0x3b5: {  	p2 =	sgt.s32 @!p1 s26, s25  }
0x3b6: {  	s28 =	smov.u32 s26;
	p2 =	por !p2, p1  }
0x3b7: {  	s28 =	smov.u32 @p2 s25  }
0x3b8: {  	v3 =	vld @!p1 [tilespmem:s28+$0xC580];
	_ =	sdelay $0x1  }
0x3b9: {  	p2 =	slt.s32 @!p1 s26, s25  }
0x3ba: {  	v4 =	vlaneseq.u32 @!p1;
	p2 =	por !p2, p1  }
0x3bb: {  	vm1 =	veq.s32 @!p1 v4, $0x0;
	s26 =	smov.u32 @p2 s25  }
0x3bc: {  	v3 =	vsel @!p1 vm1, s26, v3  }
0x3bd: {  	s23 =	sadd.s32 $0x1, s23;
	[tilespmem:s28+$0xC580] =	vst @!p1 v3;
	v3 =	vld @!p1 [tilespmem:s28+$0xED00]  }
0x3be: {  	p2 =	sne.s32 s23, s22  }
.Ltmp42:
0x3bf: {  	_ = 	snop;
	(pc) =	sbr.rel @!p2 .LBB2_69-.Ltmp42, $3  }
0x3c0: {  	s24 =	scvt.s32.f32 @!p1 s24;
	_ =	sdelay $0x1  }
0x3c1: {  	v3 =	vsel @!p1 vm1, s24, v3  }
0x3c2: {  	[tilespmem:s28+$0xED00] =	vst @!p1 v3  }
.LBB2_62:
0x3c3: {  	s24 =	sshll.u32 s23, $0x3  }
0x3c4: {  	s25 =	sshra.s32 s24, $0x2  }
0x3c5: {  	v3 =	vld [tilespmem:s25+$0x15500];
	_ =	sdelay $0x4  }
0x3c6: {  	(v2sf) =	vpush v3, $0x0;
	_ =	sdelay $0xe  }
0x3c7: {  	v4 =	vld [tilespmem:s25+$0x15501];
	s24 =	spop (v2sf)  }
0x3c8: {  	v3 =	vld [tilespmem:s24+$0xC580];
	_ =	sdelay $0x3  }
0x3c9: {  	(v2sf) =	vpush v4, $0x0  }
0x3ca: {  	(v2sf) =	vpush v3, $0x0;
	_ =	sdelay $0xd  }
0x3cb: {  	s25 =	spop (v2sf)  }
0x3cc: {  	s28 =	spop (v2sf)  }
0x3cd: {  	p1 =	sne.s32 s28, s24  }
.Ltmp43:
0x3ce: {  	_ = 	snop;
	(pc) =	sbr.rel @!p1 .LBB2_65-.Ltmp43, $2  }
0x3cf: {  	_ =	sdelay $0x2  }
0x3d0: {  	s26 =	smov.u32 s24  }
0x3d1: {  	s29 =	sadd.s32 $0xC580, s24  }
.LBB2_64:
0x3d2: {  	v4 =	vld [tilespmem:s28+$0xC580];
	_ =	sdelay $0x4  }
0x3d3: {  	(v2sf) =	vpush v4, $0x0;
	_ =	sdelay $0xd  }
0x3d4: {  	v3 =	vsel vm0, v4, v3  }
0x3d5: {  	[tilespmem:s29+$0x0] =	vst v3;
	s26 =	spop (v2sf)  }
0x3d6: {  	v3 =	vld [tilespmem:s26+$0xC580];
	_ =	sdelay $0x4  }
0x3d7: {  	(v2sf) =	vpush v3, $0x0;
	_ =	sdelay $0xe  }
0x3d8: {  	s28 =	spop (v2sf)  }
0x3d9: {  	p1 =	seq.s32 s28, s26  }
.Ltmp44:
0x3da: {  	_ = 	snop;
	(pc) =	sbr.rel @!p1 .LBB2_64-.Ltmp44, $2  }
0x3db: {  	_ =	sdelay $0x2  }
0x3dc: {  	s29 =	sadd.s32 $0xC580, s26  }
.LBB2_65:
0x3dd: {  	v3 =	vld [tilespmem:s25+$0xC580];
	_ =	sdelay $0x4  }
0x3de: {  	(v2sf) =	vpush v3, $0x0;
	_ =	sdelay $0xe  }
0x3df: {  	s28 =	spop (v2sf)  }
0x3e0: {  	p1 =	seq.s32 s28, s25  }
.Ltmp45:
0x3e1: {  	_ = 	snop;
	(pc) =	sbr.rel @p1 .LBB2_68-.Ltmp45, $1  }
0x3e2: {  	_ =	sdelay $0x3  }
0x3e3: {  	s29 =	sadd.s32 $0xC580, s25  }
.LBB2_67:
0x3e4: {  	v4 =	vld [tilespmem:s28+$0xC580];
	_ =	sdelay $0x4  }
0x3e5: {  	(v2sf) =	vpush v4, $0x0;
	_ =	sdelay $0xd  }
0x3e6: {  	v3 =	vsel vm0, v4, v3  }
0x3e7: {  	[tilespmem:s29+$0x0] =	vst v3;
	s25 =	spop (v2sf)  }
0x3e8: {  	v3 =	vld [tilespmem:s25+$0xC580];
	_ =	sdelay $0x4  }
0x3e9: {  	(v2sf) =	vpush v3, $0x0;
	_ =	sdelay $0xe  }
0x3ea: {  	s28 =	spop (v2sf)  }
0x3eb: {  	p1 =	sne.s32 s28, s25  }
.Ltmp46:
0x3ec: {  	_ = 	snop;
	(pc) =	sbr.rel @p1 .LBB2_67-.Ltmp46, $2  }
0x3ed: {  	_ =	sdelay $0x2  }
0x3ee: {  	s29 =	sadd.s32 $0xC580, s25  }
.Ltmp47:
0x3ef: {  	_ = 	snop;
	(pc) =	sbr.rel .LBB2_68-.Ltmp47, $1  }
0x3f0: {  	_ =	sdelay $0x3  }
.Lfunc_end2:
_tile_overlayer_lowered:
.L_overlay_start_2:
0x3f1: {  	(tag) =	ssettag $0x2  }
0x3f2: {  	s0 =	rddreg [dreg:$0x0];
	s2 =	stileid.u32  }
0x3f3: {  	s1 =	rddreg [dreg:$0x1];
	p0 =	sne.s32 s2, $0x0  }
0x3f4: {  	s3 =	rddreg [dreg:$0x2];
	[bflag:$0x3] =	sbarrier.arrive $0xFFFF;
	s2 =	simm.s32 @!p0 $0x1C01  }
0x3f5: {  	[timem:s3], [sflag:s2] =	dma.local @!p0 [hbm:s0], s1  }
0x3f6: {  	s0 =	simm.s32 @!p0 $0x1  }
0x3f7: {  	_ =	swait.ge @!p0 [sflag:s0], s1  }
0x3f8: {  	s1 =	ssub.s32 @!p0 $0x0, s1;
	[sflag:s0] =	ssyncset.done @!p0 $0x0  }
0x3f9: {  	[sflag:s0] =	ssyncadd.s32 @!p0 s1  }
0x3fa: {  	[bflag:$0x3] =	sbarrier.arrive $0xFFFF  }
0x3fb: {  	_ =	shalt  }

</sc_bundles>
